<compile_context>
chip_gen: v7x
topology: tpu7x:2x2x1
jax: 0.10.2.dev20260603
libtpu: 0.0.44.dev20260713+nightly
codegen_flags: <defaults>
</compile_context>

<pallas_src>
import jax
import jax.numpy as jnp
from jax import lax
from jax.experimental import pallas as pl
from jax.experimental.pallas import tpu as pltpu
from jax.experimental.pallas import tpu_sc as plsc

N = 10000
E = 320000
C = 128
EMB = 512
B = 4
NET = 7
AVG_DEG = 32.0
GROUP = 32
CPG = C // GROUP
EPS = 1e-5

NW = 32
CH = 128
EPAD = 327680
NCHUNK = 80
ROWS_I = EPAD // CH
ACC = 10240
TPT = ACC // 16
TRASH = 10200


def _gn_silu(data, bid, gamma, beta):
    r = lax.broadcasted_iota(jnp.int32, (C, C), 0) // CPG
    col = lax.broadcasted_iota(jnp.int32, (C, C), 1) // CPG
    G = (r == col).astype(jnp.float32)

    sums = []
    invc = []
    for b in range(B):
        m = bid == b
        sums.append(jnp.sum(jnp.where(m, data, 0.0), axis=0, keepdims=True))
        cnt = jnp.sum(jnp.where(m, 1.0, 0.0))
        invc.append(1.0 / (cnt * CPG + EPS))
    S = jnp.concatenate(sums, axis=0)
    SG = jnp.dot(S, G, preferred_element_type=jnp.float32)

    mf = SG[B - 1:B] * invc[B - 1]
    for b in range(B - 2, -1, -1):
        mf = jnp.where(bid == b, SG[b:b + 1] * invc[b], mf)
    centered = data - mf

    cc = centered * centered
    vs = [jnp.sum(jnp.where(bid == b, cc, 0.0), axis=0, keepdims=True)
          for b in range(B)]
    V = jnp.concatenate(vs, axis=0)
    VG = jnp.dot(V, G, preferred_element_type=jnp.float32)

    isf = lax.rsqrt(VG[B - 1:B] * invc[B - 1] + EPS)
    for b in range(B - 2, -1, -1):
        isf = jnp.where(bid == b, lax.rsqrt(VG[b:b + 1] * invc[b] + EPS), isf)

    out = centered * isf * gamma + beta
    return out * jax.nn.sigmoid(out)


def _prep_body(x_ref, bid_ref, g1_ref, b1_ref, embp_ref, We_ref, be_ref,
               colp_ref, typep_ref, h1_ref, embout_ref, gidx_ref):
    h1 = _gn_silu(x_ref[...], bid_ref[...], g1_ref[...], b1_ref[...])
    h1_ref[...] = h1.astype(jnp.bfloat16)
    e = embp_ref[...]
    e = e * jax.nn.sigmoid(e)
    embout_ref[...] = (jnp.dot(e, We_ref[...], preferred_element_type=jnp.float32)
                       + be_ref[...])
    gidx_ref[...] = colp_ref[...] * NET + typep_ref[...]


def _mid_body(s1a_ref, s1b_ref, embout_ref, bid_ref, g2_ref, b2_ref, h2_ref):
    bid = bid_ref[...]
    hm = ((s1a_ref[...].astype(jnp.float32) + s1b_ref[...].astype(jnp.float32))
          * (1.0 / AVG_DEG))
    eo = embout_ref[...]
    ef = eo[B - 1:B]
    for b in range(B - 2, -1, -1):
        ef = jnp.where(bid == b, eo[b:b + 1], ef)
    hm = hm + ef
    h2_ref[...] = _gn_silu(hm, bid, g2_ref[...], b2_ref[...]).astype(jnp.bfloat16)


def _final_body(x_ref, s2a_ref, s2b_ref, out_ref):
    out_ref[...] = x_ref[...] + (
        s2a_ref[...].astype(jnp.float32) + s2b_ref[...].astype(jnp.float32)
    ) * (1.0 / AVG_DEG)


def _mm_body(h_ref, w_ref, o_ref):
    o_ref[...] = jnp.dot(h_ref[...], w_ref[...],
                         preferred_element_type=jnp.float32)


_MM_RT = 2000


def _matmul_call(h, wcat):
    return pl.pallas_call(
        _mm_body,
        grid=(N // _MM_RT,),
        in_specs=[
            pl.BlockSpec((_MM_RT, C), lambda i: (i, 0)),
            pl.BlockSpec((C, NET * C), lambda i: (0, 0)),
        ],
        out_specs=pl.BlockSpec((_MM_RT, NET * C), lambda i: (i, 0)),
        out_shape=jax.ShapeDtypeStruct((N, NET * C), jnp.float32),
    )(h, wcat)


STG = 16
NSTG = NCHUNK // STG


def _sc_edge_body(gidx_hbm, grow_hbm, table_hbm, zrow_hbm, out_hbm,
                  sidx, srow, buf0, buf1, accum, semA, semB, semI, semJ):
    c = lax.axis_index("c")
    s = lax.axis_index("s")
    g = s * 2 + c
    sbase = pl.multiple_of(s * TPT, CH)

    pltpu.sync_copy(zrow_hbm, buf0)
    for k in range(TPT // CH):
        pltpu.sync_copy(buf0, accum.at[pl.ds(sbase + k * CH, CH)])
    plsc.subcore_barrier()

    pltpu.sync_copy(gidx_hbm.at[pl.ds(g * NCHUNK, STG)], sidx.at[0])
    pltpu.sync_copy(grow_hbm.at[pl.ds(g * NCHUNK, STG)], srow.at[0])

    def _stage(st, carry):
        slot = lax.rem(st, 2)
        nslot = 1 - slot
        nbase = g * NCHUNK + (st + 1) * STG

        @pl.when(st < NSTG - 1)
        def _():
            pltpu.async_copy(gidx_hbm.at[pl.ds(nbase, STG)],
                             sidx.at[nslot], semI)
            pltpu.async_copy(grow_hbm.at[pl.ds(nbase, STG)],
                             srow.at[nslot], semJ)

        pltpu.async_copy(table_hbm.at[sidx.at[slot, 0]], buf0, semA)

        def _step(t, carry2):
            i = t * 2
            hb = pltpu.async_copy(table_hbm.at[sidx.at[slot, i + 1]],
                                  buf1, semB)
            pltpu.make_async_copy(table_hbm.at[sidx.at[slot, i]],
                                  buf0, semA).wait()
            pltpu.sync_copy(buf0, accum.at[srow.at[slot, i]], add=True)

            @pl.when(t < STG // 2 - 1)
            def _():
                pltpu.async_copy(table_hbm.at[sidx.at[slot, i + 2]],
                                 buf0, semA)

            hb.wait()
            pltpu.sync_copy(buf1, accum.at[srow.at[slot, i + 1]], add=True)
            return carry2
        lax.fori_loop(0, STG // 2, _step, 0)

        @pl.when(st < NSTG - 1)
        def _():
            pltpu.make_async_copy(gidx_hbm.at[pl.ds(nbase, STG)],
                                  sidx.at[nslot], semI).wait()
            pltpu.make_async_copy(grow_hbm.at[pl.ds(nbase, STG)],
                                  srow.at[nslot], semJ).wait()
        return carry
    lax.fori_loop(0, NSTG, _stage, 0)

    plsc.subcore_barrier()
    pltpu.sync_copy(accum.at[pl.ds(sbase, TPT)],
                    out_hbm.at[c, pl.ds(sbase, TPT)])


_sc_edge_cache = []


def _edge_accumulate(gidx, rowp, table):
    if not _sc_edge_cache:
        mesh = plsc.VectorSubcoreMesh(core_axis_name="c", subcore_axis_name="s")
        _sc_edge_cache.append(pl.kernel(
            _sc_edge_body,
            out_type=jax.ShapeDtypeStruct((2, ACC, C), jnp.float32),
            mesh=mesh,
            scratch_types=[
                pltpu.VMEM((2, STG, CH), jnp.int32),
                pltpu.VMEM((2, STG, CH), jnp.int32),
                pltpu.VMEM((CH, C), jnp.float32),
                pltpu.VMEM((CH, C), jnp.float32),
                pltpu.VMEM_SHARED((ACC, C), jnp.float32),
                pltpu.SemaphoreType.DMA,
                pltpu.SemaphoreType.DMA,
                pltpu.SemaphoreType.DMA,
                pltpu.SemaphoreType.DMA,
            ],
        ))
    zrow = jnp.zeros((CH, C), jnp.float32)
    return _sc_edge_cache[0](gidx, rowp, table, zrow)


def kernel(x, emb, edge_index, edge_type, batch_id,
           gamma1, beta1, W1, We, be, gamma2, beta2, W2):
    f32 = jnp.float32
    row = edge_index[0]
    colv = edge_index[1]
    pad = EPAD - E
    colp = jnp.concatenate([colv, jnp.zeros((pad,), jnp.int32)]).reshape(ROWS_I, CH)
    typep = jnp.concatenate([edge_type, jnp.zeros((pad,), jnp.int32)]).reshape(ROWS_I, CH)
    rowp = jnp.concatenate([row, jnp.full((pad,), TRASH, jnp.int32)]).reshape(ROWS_I, CH)
    bid2 = batch_id.reshape(N, 1)
    embp = jnp.concatenate([emb, jnp.zeros((8 - B, EMB), f32)], axis=0)
    g1r, b1r = gamma1.reshape(1, C), beta1.reshape(1, C)
    g2r, b2r = gamma2.reshape(1, C), beta2.reshape(1, C)
    ber = be.reshape(1, C)
    W1cat = W1.reshape(NET, C, C).transpose(1, 0, 2).reshape(C, NET * C)
    W2cat = W2.reshape(NET, C, C).transpose(1, 0, 2).reshape(C, NET * C)

    W1b = W1cat.astype(jnp.bfloat16)
    W2b = W2cat.astype(jnp.bfloat16)

    h1, embout, gidx = pl.pallas_call(
        _prep_body,
        out_shape=[
            jax.ShapeDtypeStruct((N, C), jnp.bfloat16),
            jax.ShapeDtypeStruct((8, C), f32),
            jax.ShapeDtypeStruct((ROWS_I, CH), jnp.int32),
        ],
    )(x, bid2, g1r, b1r, embp, We, ber, colp, typep)

    T1 = _matmul_call(h1, W1b)
    S1 = _edge_accumulate(gidx, rowp, T1.reshape(N * NET, C))

    h2 = pl.pallas_call(
        _mid_body,
        out_shape=jax.ShapeDtypeStruct((N, C), jnp.bfloat16),
    )(S1[0, :N], S1[1, :N], embout, bid2, g2r, b2r)

    T2 = _matmul_call(h2, W2b)
    S2 = _edge_accumulate(gidx, rowp, T2.reshape(N * NET, C))

    return pl.pallas_call(
        _final_body,
        out_shape=jax.ShapeDtypeStruct((N, C), f32),
    )(x, S2[0, :N], S2[1, :N])

# --- scband reference (transcript-rebuilt; emitter-appended) ---
"""Pipeline reference for scband-unet3-dmodel-2224793059401 (READ-ONLY COPY).

The authoritative reference and input builder live on the scoring server;
editing this copy changes nothing except your own understanding.
"""

import jax, jax.numpy as jnp
import numpy as np

N = 10000
E = 320000
C = 128
EMB = 512
B = 4
NET = 7
AVG_DEG = 32.0
GROUP = 32
CPG = C // GROUP
EPS = 1e-5


def setup_inputs(seed: int = 0):
    key = jax.random.key(seed)
    ks = jax.random.split(key, 10)
    x = jax.random.normal(ks[0], (N, C), dtype=jnp.float32)
    emb = jax.random.normal(ks[1], (B, EMB), dtype=jnp.float32)
    edge_index = jax.random.randint(ks[2], (2, E), 0, N, dtype=jnp.int32)
    edge_type = jax.random.randint(ks[3], (E,), 0, NET, dtype=jnp.int32)
    batch_id = jnp.sort(jax.random.randint(ks[4], (N,), 0, B, dtype=jnp.int32))
    gamma1 = jnp.ones((C,), dtype=jnp.float32)
    beta1 = jnp.zeros((C,), dtype=jnp.float32)
    W1 = jax.random.normal(ks[5], (NET * C, C), dtype=jnp.float32) * (1.0 / np.sqrt(NET * C))
    We = jax.random.normal(ks[6], (EMB, C), dtype=jnp.float32) * (1.0 / np.sqrt(EMB))
    be = jnp.zeros((C,), dtype=jnp.float32)
    gamma2 = jnp.ones((C,), dtype=jnp.float32)
    beta2 = jnp.zeros((C,), dtype=jnp.float32)
    W2 = jnp.zeros((NET * C, C), dtype=jnp.float32)  # zero_module(GraphConv) init
    return {"x": x, "emb": emb, "edge_index": edge_index, "edge_type": edge_type,
            "batch_id": batch_id, "gamma1": gamma1, "beta1": beta1, "W1": W1,
            "We": We, "be": be, "gamma2": gamma2, "beta2": beta2, "W2": W2}


def _adjust_group(t):
    # sum over channels within each group, broadcast back (DualOctreeGroupNorm)
    t = t.reshape(B, GROUP, CPG).sum(axis=-1, keepdims=True)
    return jnp.broadcast_to(t, (B, GROUP, CPG)).reshape(B, C)


def dual_group_norm(data, batch_id, gamma, beta):
    ones = jnp.ones((data.shape[0],), dtype=data.dtype)
    count = jax.ops.segment_sum(ones, batch_id, num_segments=B) * CPG  # [B]
    inv_count = 1.0 / (count + EPS)
    mean = jax.ops.segment_sum(data, batch_id, num_segments=B) * inv_count[:, None]
    mean = _adjust_group(mean)
    out = data - mean[batch_id]
    var = jax.ops.segment_sum(out * out, batch_id, num_segments=B) * inv_count[:, None]
    var = _adjust_group(var)
    inv_std = 1.0 / jnp.sqrt(var + EPS)
    out = out * inv_std[batch_id]
    return out * gamma[None, :] + beta[None, :]


def graph_conv(h, edge_index, edge_type, W):
    # dual-octree GraphConv: scatter neighbor features into (node, edge_type)
    # buckets then apply a dense weight over the concatenated buckets.
    row = edge_index[0]
    col = edge_index[1]
    idx = row * NET + edge_type
    col_data = jax.ops.segment_sum(h[col], idx, num_segments=N * NET)  # gather + scatter-add
    out = col_data.reshape(N, NET * h.shape[1]) @ W
    return out / AVG_DEG


def reference(x, emb, edge_index, edge_type, batch_id,
              gamma1, beta1, W1, We, be, gamma2, beta2, W2):
    # GraphResBlock forward (core repeated unit of UNet3DModel)
    h = dual_group_norm(x, batch_id, gamma1, beta1)
    h = jax.nn.silu(h)
    h = graph_conv(h, edge_index, edge_type, W1)
    emb_out = jax.nn.silu(emb) @ We + be  # emb_layers
    h = h + emb_out[batch_id]             # h[batch_id == i] += emb_out[i]
    h = dual_group_norm(h, batch_id, gamma2, beta2)
    h = jax.nn.silu(h)
    # dropout p=0.0 -> identity
    h = graph_conv(h, edge_index, edge_type, W2)
    return x + h  # skip_connection = Identity (out_channels == channels)


if False:  # reference __main__ guard neutralized (emitter)
    out = reference(**setup_inputs())
    print(out.shape)

if __name__ == "__main__":
    import jax
    _d = setup_inputs()
    print(jax.jit(kernel)(*tuple(_d.values())))

</pallas_src>

<mosaic_0001>
#map = affine_map<(d0, d1) -> (0, 0)>
#map1 = affine_map<(d0, d1) -> (0, 0, 0)>
module attributes {stable_mosaic.version = 14 : i64} {
  func.func @_sc_edge_body(%arg0: i32, %arg1: i32, %arg2: memref<2560x128xi32, #tpu.memory_space<hbm>>, %arg3: memref<2560x128xi32, #tpu.memory_space<hbm>>, %arg4: memref<70000x128xf32, #tpu.memory_space<hbm>>, %arg5: memref<128x128xf32, #tpu.memory_space<hbm>>, %arg6: memref<2x10240x128xf32, #tpu.memory_space<hbm>>, %arg7: memref<2x16x128xi32, #tpu.memory_space<vmem>>, %arg8: memref<2x16x128xi32, #tpu.memory_space<vmem>>, %arg9: memref<128x128xf32, #tpu.memory_space<vmem>>, %arg10: memref<128x128xf32, #tpu.memory_space<vmem>>, %arg11: memref<10240x128xf32, #tpu.memory_space<vmem_shared>>, %arg12: memref<!tpu.dma_semaphore, #tpu.memory_space<semaphore_mem>>, %arg13: memref<!tpu.dma_semaphore, #tpu.memory_space<semaphore_mem>>, %arg14: memref<!tpu.dma_semaphore, #tpu.memory_space<semaphore_mem>>, %arg15: memref<!tpu.dma_semaphore, #tpu.memory_space<semaphore_mem>>) attributes {dimension_semantics = [#tpu.dimension_semantics<core_parallel>, #tpu.dimension_semantics<subcore_parallel>], iteration_bounds = array<i64: 2, 16>, scalar_prefetch = 0 : i64, scratch_operands = 9 : i64, tpu.core_type = #tpu.core_type<sc_vector_subcore>, window_params = [{transform_indices = #map}, {transform_indices = #map}, {transform_indices = #map}, {transform_indices = #map}, {transform_indices = #map1}]} {
    %mul3A = arith.constant 2 : i32
    %mul3A_0 = arith.muli %arg1, %mul3A : i32
    %add3A = arith.addi %mul3A_0, %arg0 : i32
    %mul3A_1 = arith.constant 640 : i32
    %mul3A_2 = arith.muli %arg1, %mul3A_1 : i32
    %multiple_of3A = tpu.assume_multiple %mul3A_2, 128 : i32
    "tpu.region"() ({
      %run_scoped3A_24 = tpu.sem_alloc : memref<!tpu.dma_semaphore, #tpu.memory_space<semaphore_mem>>
      tpu.enqueue_dma source(%arg5 : memref<128x128xf32, #tpu.memory_space<hbm>>) target(%arg9 : memref<128x128xf32, #tpu.memory_space<vmem>>) target_semaphore(%run_scoped3A_24 : memref<!tpu.dma_semaphore, #tpu.memory_space<semaphore_mem>>)
      tpu.wait_dma2 semaphore(%run_scoped3A_24 : memref<!tpu.dma_semaphore, #tpu.memory_space<semaphore_mem>>) src(%arg5 : memref<128x128xf32, #tpu.memory_space<hbm>>) dst(%arg9 : memref<128x128xf32, #tpu.memory_space<vmem>>)
      tpu.yield
    }) : () -> ()
    %add3A_3 = arith.constant 0 : i32
    %add3A_4 = arith.addi %multiple_of3A, %add3A_3 : i32
    "tpu.region"() ({
      %run_scoped3A_24 = tpu.sem_alloc : memref<!tpu.dma_semaphore, #tpu.memory_space<semaphore_mem>>
      %dma_start3A = arith.constant 0 : i32
      %dma_start3A_25 = tpu.memref_slice %arg11[%add3A_4, %dma_start3A] : memref<10240x128xf32, #tpu.memory_space<vmem_shared>> -> memref<128x128xf32, #tpu.memory_space<vmem_shared>>
      %dma_start3A_26 = arith.constant 0 : i32
      %dma_start3A_27 = tpu.memref_slice %arg11[%add3A_4, %dma_start3A_26] : memref<10240x128xf32, #tpu.memory_space<vmem_shared>> -> memref<128x128xf32, #tpu.memory_space<vmem_shared>>
      tpu.enqueue_dma source(%arg9 : memref<128x128xf32, #tpu.memory_space<vmem>>) target(%dma_start3A_27 : memref<128x128xf32, #tpu.memory_space<vmem_shared>>) target_semaphore(%run_scoped3A_24 : memref<!tpu.dma_semaphore, #tpu.memory_space<semaphore_mem>>)
      %dma_wait3A = arith.constant 0 : i32
      %dma_wait3A_28 = tpu.memref_slice %arg11[%add3A_4, %dma_wait3A] : memref<10240x128xf32, #tpu.memory_space<vmem_shared>> -> memref<128x128xf32, #tpu.memory_space<vmem_shared>>
      %dma_wait3A_29 = arith.constant 0 : i32
      %dma_wait3A_30 = tpu.memref_slice %arg11[%add3A_4, %dma_wait3A_29] : memref<10240x128xf32, #tpu.memory_space<vmem_shared>> -> memref<128x128xf32, #tpu.memory_space<vmem_shared>>
      tpu.wait_dma2 semaphore(%run_scoped3A_24 : memref<!tpu.dma_semaphore, #tpu.memory_space<semaphore_mem>>) src(%arg9 : memref<128x128xf32, #tpu.memory_space<vmem>>) dst(%dma_wait3A_30 : memref<128x128xf32, #tpu.memory_space<vmem_shared>>)
      tpu.yield
    }) : () -> ()
    %add3A_5 = arith.constant 128 : i32
    %add3A_6 = arith.addi %multiple_of3A, %add3A_5 : i32
    "tpu.region"() ({
      %run_scoped3A_24 = tpu.sem_alloc : memref<!tpu.dma_semaphore, #tpu.memory_space<semaphore_mem>>
      %dma_start3A = arith.constant 0 : i32
      %dma_start3A_25 = tpu.memref_slice %arg11[%add3A_6, %dma_start3A] : memref<10240x128xf32, #tpu.memory_space<vmem_shared>> -> memref<128x128xf32, #tpu.memory_space<vmem_shared>>
      %dma_start3A_26 = arith.constant 0 : i32
      %dma_start3A_27 = tpu.memref_slice %arg11[%add3A_6, %dma_start3A_26] : memref<10240x128xf32, #tpu.memory_space<vmem_shared>> -> memref<128x128xf32, #tpu.memory_space<vmem_shared>>
      tpu.enqueue_dma source(%arg9 : memref<128x128xf32, #tpu.memory_space<vmem>>) target(%dma_start3A_27 : memref<128x128xf32, #tpu.memory_space<vmem_shared>>) target_semaphore(%run_scoped3A_24 : memref<!tpu.dma_semaphore, #tpu.memory_space<semaphore_mem>>)
      %dma_wait3A = arith.constant 0 : i32
      %dma_wait3A_28 = tpu.memref_slice %arg11[%add3A_6, %dma_wait3A] : memref<10240x128xf32, #tpu.memory_space<vmem_shared>> -> memref<128x128xf32, #tpu.memory_space<vmem_shared>>
      %dma_wait3A_29 = arith.constant 0 : i32
      %dma_wait3A_30 = tpu.memref_slice %arg11[%add3A_6, %dma_wait3A_29] : memref<10240x128xf32, #tpu.memory_space<vmem_shared>> -> memref<128x128xf32, #tpu.memory_space<vmem_shared>>
      tpu.wait_dma2 semaphore(%run_scoped3A_24 : memref<!tpu.dma_semaphore, #tpu.memory_space<semaphore_mem>>) src(%arg9 : memref<128x128xf32, #tpu.memory_space<vmem>>) dst(%dma_wait3A_30 : memref<128x128xf32, #tpu.memory_space<vmem_shared>>)
      tpu.yield
    }) : () -> ()
    %add3A_7 = arith.constant 256 : i32
    %add3A_8 = arith.addi %multiple_of3A, %add3A_7 : i32
    "tpu.region"() ({
      %run_scoped3A_24 = tpu.sem_alloc : memref<!tpu.dma_semaphore, #tpu.memory_space<semaphore_mem>>
      %dma_start3A = arith.constant 0 : i32
      %dma_start3A_25 = tpu.memref_slice %arg11[%add3A_8, %dma_start3A] : memref<10240x128xf32, #tpu.memory_space<vmem_shared>> -> memref<128x128xf32, #tpu.memory_space<vmem_shared>>
      %dma_start3A_26 = arith.constant 0 : i32
      %dma_start3A_27 = tpu.memref_slice %arg11[%add3A_8, %dma_start3A_26] : memref<10240x128xf32, #tpu.memory_space<vmem_shared>> -> memref<128x128xf32, #tpu.memory_space<vmem_shared>>
      tpu.enqueue_dma source(%arg9 : memref<128x128xf32, #tpu.memory_space<vmem>>) target(%dma_start3A_27 : memref<128x128xf32, #tpu.memory_space<vmem_shared>>) target_semaphore(%run_scoped3A_24 : memref<!tpu.dma_semaphore, #tpu.memory_space<semaphore_mem>>)
      %dma_wait3A = arith.constant 0 : i32
      %dma_wait3A_28 = tpu.memref_slice %arg11[%add3A_8, %dma_wait3A] : memref<10240x128xf32, #tpu.memory_space<vmem_shared>> -> memref<128x128xf32, #tpu.memory_space<vmem_shared>>
      %dma_wait3A_29 = arith.constant 0 : i32
      %dma_wait3A_30 = tpu.memref_slice %arg11[%add3A_8, %dma_wait3A_29] : memref<10240x128xf32, #tpu.memory_space<vmem_shared>> -> memref<128x128xf32, #tpu.memory_space<vmem_shared>>
      tpu.wait_dma2 semaphore(%run_scoped3A_24 : memref<!tpu.dma_semaphore, #tpu.memory_space<semaphore_mem>>) src(%arg9 : memref<128x128xf32, #tpu.memory_space<vmem>>) dst(%dma_wait3A_30 : memref<128x128xf32, #tpu.memory_space<vmem_shared>>)
      tpu.yield
    }) : () -> ()
    %add3A_9 = arith.constant 384 : i32
    %add3A_10 = arith.addi %multiple_of3A, %add3A_9 : i32
    "tpu.region"() ({
      %run_scoped3A_24 = tpu.sem_alloc : memref<!tpu.dma_semaphore, #tpu.memory_space<semaphore_mem>>
      %dma_start3A = arith.constant 0 : i32
      %dma_start3A_25 = tpu.memref_slice %arg11[%add3A_10, %dma_start3A] : memref<10240x128xf32, #tpu.memory_space<vmem_shared>> -> memref<128x128xf32, #tpu.memory_space<vmem_shared>>
      %dma_start3A_26 = arith.constant 0 : i32
      %dma_start3A_27 = tpu.memref_slice %arg11[%add3A_10, %dma_start3A_26] : memref<10240x128xf32, #tpu.memory_space<vmem_shared>> -> memref<128x128xf32, #tpu.memory_space<vmem_shared>>
      tpu.enqueue_dma source(%arg9 : memref<128x128xf32, #tpu.memory_space<vmem>>) target(%dma_start3A_27 : memref<128x128xf32, #tpu.memory_space<vmem_shared>>) target_semaphore(%run_scoped3A_24 : memref<!tpu.dma_semaphore, #tpu.memory_space<semaphore_mem>>)
      %dma_wait3A = arith.constant 0 : i32
      %dma_wait3A_28 = tpu.memref_slice %arg11[%add3A_10, %dma_wait3A] : memref<10240x128xf32, #tpu.memory_space<vmem_shared>> -> memref<128x128xf32, #tpu.memory_space<vmem_shared>>
      %dma_wait3A_29 = arith.constant 0 : i32
      %dma_wait3A_30 = tpu.memref_slice %arg11[%add3A_10, %dma_wait3A_29] : memref<10240x128xf32, #tpu.memory_space<vmem_shared>> -> memref<128x128xf32, #tpu.memory_space<vmem_shared>>
      tpu.wait_dma2 semaphore(%run_scoped3A_24 : memref<!tpu.dma_semaphore, #tpu.memory_space<semaphore_mem>>) src(%arg9 : memref<128x128xf32, #tpu.memory_space<vmem>>) dst(%dma_wait3A_30 : memref<128x128xf32, #tpu.memory_space<vmem_shared>>)
      tpu.yield
    }) : () -> ()
    %add3A_11 = arith.constant 512 : i32
    %add3A_12 = arith.addi %multiple_of3A, %add3A_11 : i32
    "tpu.region"() ({
      %run_scoped3A_24 = tpu.sem_alloc : memref<!tpu.dma_semaphore, #tpu.memory_space<semaphore_mem>>
      %dma_start3A = arith.constant 0 : i32
      %dma_start3A_25 = tpu.memref_slice %arg11[%add3A_12, %dma_start3A] : memref<10240x128xf32, #tpu.memory_space<vmem_shared>> -> memref<128x128xf32, #tpu.memory_space<vmem_shared>>
      %dma_start3A_26 = arith.constant 0 : i32
      %dma_start3A_27 = tpu.memref_slice %arg11[%add3A_12, %dma_start3A_26] : memref<10240x128xf32, #tpu.memory_space<vmem_shared>> -> memref<128x128xf32, #tpu.memory_space<vmem_shared>>
      tpu.enqueue_dma source(%arg9 : memref<128x128xf32, #tpu.memory_space<vmem>>) target(%dma_start3A_27 : memref<128x128xf32, #tpu.memory_space<vmem_shared>>) target_semaphore(%run_scoped3A_24 : memref<!tpu.dma_semaphore, #tpu.memory_space<semaphore_mem>>)
      %dma_wait3A = arith.constant 0 : i32
      %dma_wait3A_28 = tpu.memref_slice %arg11[%add3A_12, %dma_wait3A] : memref<10240x128xf32, #tpu.memory_space<vmem_shared>> -> memref<128x128xf32, #tpu.memory_space<vmem_shared>>
      %dma_wait3A_29 = arith.constant 0 : i32
      %dma_wait3A_30 = tpu.memref_slice %arg11[%add3A_12, %dma_wait3A_29] : memref<10240x128xf32, #tpu.memory_space<vmem_shared>> -> memref<128x128xf32, #tpu.memory_space<vmem_shared>>
      tpu.wait_dma2 semaphore(%run_scoped3A_24 : memref<!tpu.dma_semaphore, #tpu.memory_space<semaphore_mem>>) src(%arg9 : memref<128x128xf32, #tpu.memory_space<vmem>>) dst(%dma_wait3A_30 : memref<128x128xf32, #tpu.memory_space<vmem_shared>>)
      tpu.yield
    }) : () -> ()
    %barrier3A = arith.constant 0 : index
    tpu.barrier barrier_id(%barrier3A)
    %mul3A_13 = arith.constant 80 : i32
    %mul3A_14 = arith.muli %add3A, %mul3A_13 : i32
    %run_scoped3A = arith.constant 0 : i32
    "tpu.region"() ({
      %run_scoped3A_24 = tpu.sem_alloc : memref<!tpu.dma_semaphore, #tpu.memory_space<semaphore_mem>>
      %dma_start3A = arith.constant 0 : i32
      %dma_start3A_25 = arith.constant 0 : i32
      %dma_start3A_26 = tpu.memref_slice %arg7[%run_scoped3A, %dma_start3A, %dma_start3A_25] : memref<2x16x128xi32, #tpu.memory_space<vmem>> -> memref<1x16x128xi32, #tpu.memory_space<vmem>>
      %dma_start3A_27 = tpu.memref_squeeze %dma_start3A_26 : memref<1x16x128xi32, #tpu.memory_space<vmem>> -> memref<16x128xi32, #tpu.memory_space<vmem>>
      %dma_start3A_28 = arith.constant 0 : i32
      %dma_start3A_29 = tpu.memref_slice %arg2[%mul3A_14, %dma_start3A_28] : memref<2560x128xi32, #tpu.memory_space<hbm>> -> memref<16x128xi32, #tpu.memory_space<hbm>>
      %dma_start3A_30 = arith.constant 0 : i32
      %dma_start3A_31 = arith.constant 0 : i32
      %dma_start3A_32 = tpu.memref_slice %arg7[%run_scoped3A, %dma_start3A_30, %dma_start3A_31] : memref<2x16x128xi32, #tpu.memory_space<vmem>> -> memref<1x16x128xi32, #tpu.memory_space<vmem>>
      %dma_start3A_33 = tpu.memref_squeeze %dma_start3A_32 : memref<1x16x128xi32, #tpu.memory_space<vmem>> -> memref<16x128xi32, #tpu.memory_space<vmem>>
      %dma_start3A_34 = arith.constant 0 : i32
      %dma_start3A_35 = tpu.memref_slice %arg2[%mul3A_14, %dma_start3A_34] : memref<2560x128xi32, #tpu.memory_space<hbm>> -> memref<16x128xi32, #tpu.memory_space<hbm>>
      tpu.enqueue_dma source(%dma_start3A_35 : memref<16x128xi32, #tpu.memory_space<hbm>>) target(%dma_start3A_33 : memref<16x128xi32, #tpu.memory_space<vmem>>) target_semaphore(%run_scoped3A_24 : memref<!tpu.dma_semaphore, #tpu.memory_space<semaphore_mem>>)
      %dma_wait3A = arith.constant 0 : i32
      %dma_wait3A_36 = arith.constant 0 : i32
      %dma_wait3A_37 = tpu.memref_slice %arg7[%run_scoped3A, %dma_wait3A, %dma_wait3A_36] : memref<2x16x128xi32, #tpu.memory_space<vmem>> -> memref<1x16x128xi32, #tpu.memory_space<vmem>>
      %dma_wait3A_38 = tpu.memref_squeeze %dma_wait3A_37 : memref<1x16x128xi32, #tpu.memory_space<vmem>> -> memref<16x128xi32, #tpu.memory_space<vmem>>
      %dma_wait3A_39 = arith.constant 0 : i32
      %dma_wait3A_40 = tpu.memref_slice %arg2[%mul3A_14, %dma_wait3A_39] : memref<2560x128xi32, #tpu.memory_space<hbm>> -> memref<16x128xi32, #tpu.memory_space<hbm>>
      %dma_wait3A_41 = arith.constant 0 : i32
      %dma_wait3A_42 = arith.constant 0 : i32
      %dma_wait3A_43 = tpu.memref_slice %arg7[%run_scoped3A, %dma_wait3A_41, %dma_wait3A_42] : memref<2x16x128xi32, #tpu.memory_space<vmem>> -> memref<1x16x128xi32, #tpu.memory_space<vmem>>
      %dma_wait3A_44 = tpu.memref_squeeze %dma_wait3A_43 : memref<1x16x128xi32, #tpu.memory_space<vmem>> -> memref<16x128xi32, #tpu.memory_space<vmem>>
      %dma_wait3A_45 = arith.constant 0 : i32
      %dma_wait3A_46 = tpu.memref_slice %arg2[%mul3A_14, %dma_wait3A_45] : memref<2560x128xi32, #tpu.memory_space<hbm>> -> memref<16x128xi32, #tpu.memory_space<hbm>>
      tpu.wait_dma2 semaphore(%run_scoped3A_24 : memref<!tpu.dma_semaphore, #tpu.memory_space<semaphore_mem>>) src(%dma_wait3A_46 : memref<16x128xi32, #tpu.memory_space<hbm>>) dst(%dma_wait3A_44 : memref<16x128xi32, #tpu.memory_space<vmem>>)
      tpu.yield
    }) : () -> ()
    %mul3A_15 = arith.constant 80 : i32
    %mul3A_16 = arith.muli %add3A, %mul3A_15 : i32
    %run_scoped3A_17 = arith.constant 0 : i32
    "tpu.region"() ({
      %run_scoped3A_24 = tpu.sem_alloc : memref<!tpu.dma_semaphore, #tpu.memory_space<semaphore_mem>>
      %dma_start3A = arith.constant 0 : i32
      %dma_start3A_25 = arith.constant 0 : i32
      %dma_start3A_26 = tpu.memref_slice %arg8[%run_scoped3A_17, %dma_start3A, %dma_start3A_25] : memref<2x16x128xi32, #tpu.memory_space<vmem>> -> memref<1x16x128xi32, #tpu.memory_space<vmem>>
      %dma_start3A_27 = tpu.memref_squeeze %dma_start3A_26 : memref<1x16x128xi32, #tpu.memory_space<vmem>> -> memref<16x128xi32, #tpu.memory_space<vmem>>
      %dma_start3A_28 = arith.constant 0 : i32
      %dma_start3A_29 = tpu.memref_slice %arg3[%mul3A_16, %dma_start3A_28] : memref<2560x128xi32, #tpu.memory_space<hbm>> -> memref<16x128xi32, #tpu.memory_space<hbm>>
      %dma_start3A_30 = arith.constant 0 : i32
      %dma_start3A_31 = arith.constant 0 : i32
      %dma_start3A_32 = tpu.memref_slice %arg8[%run_scoped3A_17, %dma_start3A_30, %dma_start3A_31] : memref<2x16x128xi32, #tpu.memory_space<vmem>> -> memref<1x16x128xi32, #tpu.memory_space<vmem>>
      %dma_start3A_33 = tpu.memref_squeeze %dma_start3A_32 : memref<1x16x128xi32, #tpu.memory_space<vmem>> -> memref<16x128xi32, #tpu.memory_space<vmem>>
      %dma_start3A_34 = arith.constant 0 : i32
      %dma_start3A_35 = tpu.memref_slice %arg3[%mul3A_16, %dma_start3A_34] : memref<2560x128xi32, #tpu.memory_space<hbm>> -> memref<16x128xi32, #tpu.memory_space<hbm>>
      tpu.enqueue_dma source(%dma_start3A_35 : memref<16x128xi32, #tpu.memory_space<hbm>>) target(%dma_start3A_33 : memref<16x128xi32, #tpu.memory_space<vmem>>) target_semaphore(%run_scoped3A_24 : memref<!tpu.dma_semaphore, #tpu.memory_space<semaphore_mem>>)
      %dma_wait3A = arith.constant 0 : i32
      %dma_wait3A_36 = arith.constant 0 : i32
      %dma_wait3A_37 = tpu.memref_slice %arg8[%run_scoped3A_17, %dma_wait3A, %dma_wait3A_36] : memref<2x16x128xi32, #tpu.memory_space<vmem>> -> memref<1x16x128xi32, #tpu.memory_space<vmem>>
      %dma_wait3A_38 = tpu.memref_squeeze %dma_wait3A_37 : memref<1x16x128xi32, #tpu.memory_space<vmem>> -> memref<16x128xi32, #tpu.memory_space<vmem>>
      %dma_wait3A_39 = arith.constant 0 : i32
      %dma_wait3A_40 = tpu.memref_slice %arg3[%mul3A_16, %dma_wait3A_39] : memref<2560x128xi32, #tpu.memory_space<hbm>> -> memref<16x128xi32, #tpu.memory_space<hbm>>
      %dma_wait3A_41 = arith.constant 0 : i32
      %dma_wait3A_42 = arith.constant 0 : i32
      %dma_wait3A_43 = tpu.memref_slice %arg8[%run_scoped3A_17, %dma_wait3A_41, %dma_wait3A_42] : memref<2x16x128xi32, #tpu.memory_space<vmem>> -> memref<1x16x128xi32, #tpu.memory_space<vmem>>
      %dma_wait3A_44 = tpu.memref_squeeze %dma_wait3A_43 : memref<1x16x128xi32, #tpu.memory_space<vmem>> -> memref<16x128xi32, #tpu.memory_space<vmem>>
      %dma_wait3A_45 = arith.constant 0 : i32
      %dma_wait3A_46 = tpu.memref_slice %arg3[%mul3A_16, %dma_wait3A_45] : memref<2560x128xi32, #tpu.memory_space<hbm>> -> memref<16x128xi32, #tpu.memory_space<hbm>>
      tpu.wait_dma2 semaphore(%run_scoped3A_24 : memref<!tpu.dma_semaphore, #tpu.memory_space<semaphore_mem>>) src(%dma_wait3A_46 : memref<16x128xi32, #tpu.memory_space<hbm>>) dst(%dma_wait3A_44 : memref<16x128xi32, #tpu.memory_space<vmem>>)
      tpu.yield
    }) : () -> ()
    %scan3A = arith.constant 0 : i32
    %scan3A_18 = arith.constant 0 : i32
    %scan3A_19 = arith.constant 5 : i32
    %scan3A_20 = arith.addi %scan3A_18, %scan3A_19 : i32
    %scan3A_21 = arith.constant 1 : i32
    scf.for %scan3A_24 = %scan3A_18 to %scan3A_20 step %scan3A_21  : i32 {
      %rem3A = arith.constant 2 : i32
      %rem3A_25 = arith.remsi %scan3A_24, %rem3A : i32
      %sub3A = arith.constant 1 : i32
      %sub3A_26 = arith.subi %sub3A, %rem3A_25 : i32
      %mul3A_27 = arith.constant 80 : i32
      %mul3A_28 = arith.muli %add3A, %mul3A_27 : i32
      %add3A_29 = arith.constant 1 : i32
      %add3A_30 = arith.addi %scan3A_24, %add3A_29 : i32
      %mul3A_31 = arith.constant 16 : i32
      %mul3A_32 = arith.muli %add3A_30, %mul3A_31 : i32
      %add3A_33 = arith.addi %mul3A_28, %mul3A_32 : i32
      %lt3A = arith.constant 4 : i32
      %lt3A_34 = arith.cmpi slt, %scan3A_24, %lt3A : i32
      %convert_element_type3A = arith.extui %lt3A_34 : i1 to i32
      %cond3A = arith.constant 0 : i32
      %cond3A_35 = arith.cmpi ne, %convert_element_type3A, %cond3A : i32
      scf.if %cond3A_35 {
        %dma_start3A_53 = arith.constant 0 : i32
        %dma_start3A_54 = arith.constant 0 : i32
        %dma_start3A_55 = tpu.memref_slice %arg7[%sub3A_26, %dma_start3A_53, %dma_start3A_54] : memref<2x16x128xi32, #tpu.memory_space<vmem>> -> memref<1x16x128xi32, #tpu.memory_space<vmem>>
        %dma_start3A_56 = tpu.memref_squeeze %dma_start3A_55 : memref<1x16x128xi32, #tpu.memory_space<vmem>> -> memref<16x128xi32, #tpu.memory_space<vmem>>
        %dma_start3A_57 = arith.constant 0 : i32
        %dma_start3A_58 = tpu.memref_slice %arg2[%add3A_33, %dma_start3A_57] : memref<2560x128xi32, #tpu.memory_space<hbm>> -> memref<16x128xi32, #tpu.memory_space<hbm>>
        %dma_start3A_59 = arith.constant 0 : i32
        %dma_start3A_60 = arith.constant 0 : i32
        %dma_start3A_61 = tpu.memref_slice %arg7[%sub3A_26, %dma_start3A_59, %dma_start3A_60] : memref<2x16x128xi32, #tpu.memory_space<vmem>> -> memref<1x16x128xi32, #tpu.memory_space<vmem>>
        %dma_start3A_62 = tpu.memref_squeeze %dma_start3A_61 : memref<1x16x128xi32, #tpu.memory_space<vmem>> -> memref<16x128xi32, #tpu.memory_space<vmem>>
        %dma_start3A_63 = arith.constant 0 : i32
        %dma_start3A_64 = tpu.memref_slice %arg2[%add3A_33, %dma_start3A_63] : memref<2560x128xi32, #tpu.memory_space<hbm>> -> memref<16x128xi32, #tpu.memory_space<hbm>>
        tpu.enqueue_dma source(%dma_start3A_64 : memref<16x128xi32, #tpu.memory_space<hbm>>) target(%dma_start3A_62 : memref<16x128xi32, #tpu.memory_space<vmem>>) target_semaphore(%arg14 : memref<!tpu.dma_semaphore, #tpu.memory_space<semaphore_mem>>)
        %dma_start3A_65 = arith.constant 0 : i32
        %dma_start3A_66 = arith.constant 0 : i32
        %dma_start3A_67 = tpu.memref_slice %arg8[%sub3A_26, %dma_start3A_65, %dma_start3A_66] : memref<2x16x128xi32, #tpu.memory_space<vmem>> -> memref<1x16x128xi32, #tpu.memory_space<vmem>>
        %dma_start3A_68 = tpu.memref_squeeze %dma_start3A_67 : memref<1x16x128xi32, #tpu.memory_space<vmem>> -> memref<16x128xi32, #tpu.memory_space<vmem>>
        %dma_start3A_69 = arith.constant 0 : i32
        %dma_start3A_70 = tpu.memref_slice %arg3[%add3A_33, %dma_start3A_69] : memref<2560x128xi32, #tpu.memory_space<hbm>> -> memref<16x128xi32, #tpu.memory_space<hbm>>
        %dma_start3A_71 = arith.constant 0 : i32
        %dma_start3A_72 = arith.constant 0 : i32
        %dma_start3A_73 = tpu.memref_slice %arg8[%sub3A_26, %dma_start3A_71, %dma_start3A_72] : memref<2x16x128xi32, #tpu.memory_space<vmem>> -> memref<1x16x128xi32, #tpu.memory_space<vmem>>
        %dma_start3A_74 = tpu.memref_squeeze %dma_start3A_73 : memref<1x16x128xi32, #tpu.memory_space<vmem>> -> memref<16x128xi32, #tpu.memory_space<vmem>>
        %dma_start3A_75 = arith.constant 0 : i32
        %dma_start3A_76 = tpu.memref_slice %arg3[%add3A_33, %dma_start3A_75] : memref<2560x128xi32, #tpu.memory_space<hbm>> -> memref<16x128xi32, #tpu.memory_space<hbm>>
        tpu.enqueue_dma source(%dma_start3A_76 : memref<16x128xi32, #tpu.memory_space<hbm>>) target(%dma_start3A_74 : memref<16x128xi32, #tpu.memory_space<vmem>>) target_semaphore(%arg15 : memref<!tpu.dma_semaphore, #tpu.memory_space<semaphore_mem>>)
      } else {
      }
      %dma_start3A = arith.constant 0 : i32
      %dma_start3A_36 = arith.constant 0 : i32
      %dma_start3A_37 = tpu.memref_slice %arg7[%rem3A_25, %dma_start3A, %dma_start3A_36] : memref<2x16x128xi32, #tpu.memory_space<vmem>> -> memref<1x1x128xi32, #tpu.memory_space<vmem>>
      %dma_start3A_38 = tpu.memref_squeeze %dma_start3A_37 : memref<1x1x128xi32, #tpu.memory_space<vmem>> -> memref<128xi32, #tpu.memory_space<vmem>>
      %dma_start3A_39 = arith.constant 0 : i32
      %dma_start3A_40 = arith.constant 0 : i32
      %dma_start3A_41 = tpu.memref_slice %arg4[%dma_start3A_39, %dma_start3A_40] : memref<70000x128xf32, #tpu.memory_space<hbm>> -> memref<70000x128xf32, #tpu.memory_space<hbm>>
      tpu.enqueue_indirect_dma source(%dma_start3A_41 : memref<70000x128xf32, #tpu.memory_space<hbm>>) target(%arg9 : memref<128x128xf32, #tpu.memory_space<vmem>>) offsets(%dma_start3A_38 : memref<128xi32, #tpu.memory_space<vmem>>) semaphore(%arg12 : memref<!tpu.dma_semaphore, #tpu.memory_space<semaphore_mem>>)
      %scan3A_42 = arith.constant 0 : i32
      %scan3A_43 = arith.constant 0 : i32
      %scan3A_44 = arith.constant 8 : i32
      %scan3A_45 = arith.addi %scan3A_43, %scan3A_44 : i32
      %scan3A_46 = arith.constant 1 : i32
      scf.for %scan3A_53 = %scan3A_43 to %scan3A_45 step %scan3A_46  : i32 {
        %mul3A_54 = arith.constant 2 : i32
        %mul3A_55 = arith.muli %scan3A_53, %mul3A_54 : i32
        %add3A_56 = arith.constant 1 : i32
        %add3A_57 = arith.addi %mul3A_55, %add3A_56 : i32
        %dma_start3A_58 = arith.constant 0 : i32
        %dma_start3A_59 = tpu.memref_slice %arg7[%rem3A_25, %add3A_57, %dma_start3A_58] : memref<2x16x128xi32, #tpu.memory_space<vmem>> -> memref<1x1x128xi32, #tpu.memory_space<vmem>>
        %dma_start3A_60 = tpu.memref_squeeze %dma_start3A_59 : memref<1x1x128xi32, #tpu.memory_space<vmem>> -> memref<128xi32, #tpu.memory_space<vmem>>
        %dma_start3A_61 = arith.constant 0 : i32
        %dma_start3A_62 = arith.constant 0 : i32
        %dma_start3A_63 = tpu.memref_slice %arg4[%dma_start3A_61, %dma_start3A_62] : memref<70000x128xf32, #tpu.memory_space<hbm>> -> memref<70000x128xf32, #tpu.memory_space<hbm>>
        tpu.enqueue_indirect_dma source(%dma_start3A_63 : memref<70000x128xf32, #tpu.memory_space<hbm>>) target(%arg10 : memref<128x128xf32, #tpu.memory_space<vmem>>) offsets(%dma_start3A_60 : memref<128xi32, #tpu.memory_space<vmem>>) semaphore(%arg13 : memref<!tpu.dma_semaphore, #tpu.memory_space<semaphore_mem>>)
        %dma_wait3A = arith.constant 0 : i32
        %dma_wait3A_64 = tpu.memref_slice %arg7[%rem3A_25, %mul3A_55, %dma_wait3A] : memref<2x16x128xi32, #tpu.memory_space<vmem>> -> memref<1x1x128xi32, #tpu.memory_space<vmem>>
        %dma_wait3A_65 = tpu.memref_squeeze %dma_wait3A_64 : memref<1x1x128xi32, #tpu.memory_space<vmem>> -> memref<128xi32, #tpu.memory_space<vmem>>
        %dma_wait3A_66 = arith.constant 0 : i32
        %dma_wait3A_67 = arith.constant 0 : i32
        %dma_wait3A_68 = tpu.memref_slice %arg4[%dma_wait3A_66, %dma_wait3A_67] : memref<70000x128xf32, #tpu.memory_space<hbm>> -> memref<70000x128xf32, #tpu.memory_space<hbm>>
        tpu.wait_indirect_dma semaphore(%arg12 : memref<!tpu.dma_semaphore, #tpu.memory_space<semaphore_mem>>) src(%dma_wait3A_68 : memref<70000x128xf32, #tpu.memory_space<hbm>>) dst(%arg9 : memref<128x128xf32, #tpu.memory_space<vmem>>)
        "tpu.region"() ({
          %run_scoped3A_82 = tpu.sem_alloc : memref<!tpu.dma_semaphore, #tpu.memory_space<semaphore_mem>>
          %dma_start3A_83 = arith.constant 0 : i32
          %dma_start3A_84 = tpu.memref_slice %arg8[%rem3A_25, %mul3A_55, %dma_start3A_83] : memref<2x16x128xi32, #tpu.memory_space<vmem>> -> memref<1x1x128xi32, #tpu.memory_space<vmem>>
          %dma_start3A_85 = tpu.memref_squeeze %dma_start3A_84 : memref<1x1x128xi32, #tpu.memory_space<vmem>> -> memref<128xi32, #tpu.memory_space<vmem>>
          %dma_start3A_86 = arith.constant 0 : i32
          %dma_start3A_87 = arith.constant 0 : i32
          %dma_start3A_88 = tpu.memref_slice %arg11[%dma_start3A_86, %dma_start3A_87] : memref<10240x128xf32, #tpu.memory_space<vmem_shared>> -> memref<10240x128xf32, #tpu.memory_space<vmem_shared>>
          tpu.enqueue_indirect_dma source(%arg9 : memref<128x128xf32, #tpu.memory_space<vmem>>) target(%dma_start3A_88 : memref<10240x128xf32, #tpu.memory_space<vmem_shared>>) offsets(%dma_start3A_85 : memref<128xi32, #tpu.memory_space<vmem>>) semaphore(%run_scoped3A_82 : memref<!tpu.dma_semaphore, #tpu.memory_space<semaphore_mem>>) {add = true}
          %dma_wait3A_89 = arith.constant 0 : i32
          %dma_wait3A_90 = tpu.memref_slice %arg8[%rem3A_25, %mul3A_55, %dma_wait3A_89] : memref<2x16x128xi32, #tpu.memory_space<vmem>> -> memref<1x1x128xi32, #tpu.memory_space<vmem>>
          %dma_wait3A_91 = tpu.memref_squeeze %dma_wait3A_90 : memref<1x1x128xi32, #tpu.memory_space<vmem>> -> memref<128xi32, #tpu.memory_space<vmem>>
          %dma_wait3A_92 = arith.constant 0 : i32
          %dma_wait3A_93 = arith.constant 0 : i32
          %dma_wait3A_94 = tpu.memref_slice %arg11[%dma_wait3A_92, %dma_wait3A_93] : memref<10240x128xf32, #tpu.memory_space<vmem_shared>> -> memref<10240x128xf32, #tpu.memory_space<vmem_shared>>
          tpu.wait_indirect_dma semaphore(%run_scoped3A_82 : memref<!tpu.dma_semaphore, #tpu.memory_space<semaphore_mem>>) src(%arg9 : memref<128x128xf32, #tpu.memory_space<vmem>>) dst(%dma_wait3A_94 : memref<10240x128xf32, #tpu.memory_space<vmem_shared>>)
          tpu.yield
        }) : () -> ()
        %lt3A_69 = arith.constant 7 : i32
        %lt3A_70 = arith.cmpi slt, %scan3A_53, %lt3A_69 : i32
        %convert_element_type3A_71 = arith.extui %lt3A_70 : i1 to i32
        %cond3A_72 = arith.constant 0 : i32
        %cond3A_73 = arith.cmpi ne, %convert_element_type3A_71, %cond3A_72 : i32
        scf.if %cond3A_73 {
          %add3A_82 = arith.constant 2 : i32
          %add3A_83 = arith.addi %mul3A_55, %add3A_82 : i32
          %dma_start3A_84 = arith.constant 0 : i32
          %dma_start3A_85 = tpu.memref_slice %arg7[%rem3A_25, %add3A_83, %dma_start3A_84] : memref<2x16x128xi32, #tpu.memory_space<vmem>> -> memref<1x1x128xi32, #tpu.memory_space<vmem>>
          %dma_start3A_86 = tpu.memref_squeeze %dma_start3A_85 : memref<1x1x128xi32, #tpu.memory_space<vmem>> -> memref<128xi32, #tpu.memory_space<vmem>>
          %dma_start3A_87 = arith.constant 0 : i32
          %dma_start3A_88 = arith.constant 0 : i32
          %dma_start3A_89 = tpu.memref_slice %arg4[%dma_start3A_87, %dma_start3A_88] : memref<70000x128xf32, #tpu.memory_space<hbm>> -> memref<70000x128xf32, #tpu.memory_space<hbm>>
          tpu.enqueue_indirect_dma source(%dma_start3A_89 : memref<70000x128xf32, #tpu.memory_space<hbm>>) target(%arg9 : memref<128x128xf32, #tpu.memory_space<vmem>>) offsets(%dma_start3A_86 : memref<128xi32, #tpu.memory_space<vmem>>) semaphore(%arg12 : memref<!tpu.dma_semaphore, #tpu.memory_space<semaphore_mem>>)
        } else {
        }
        %dma_wait3A_74 = arith.constant 0 : i32
        %dma_wait3A_75 = tpu.memref_slice %arg7[%rem3A_25, %add3A_57, %dma_wait3A_74] : memref<2x16x128xi32, #tpu.memory_space<vmem>> -> memref<1x1x128xi32, #tpu.memory_space<vmem>>
        %dma_wait3A_76 = tpu.memref_squeeze %dma_wait3A_75 : memref<1x1x128xi32, #tpu.memory_space<vmem>> -> memref<128xi32, #tpu.memory_space<vmem>>
        %dma_wait3A_77 = arith.constant 0 : i32
        %dma_wait3A_78 = arith.constant 0 : i32
        %dma_wait3A_79 = tpu.memref_slice %arg4[%dma_wait3A_77, %dma_wait3A_78] : memref<70000x128xf32, #tpu.memory_space<hbm>> -> memref<70000x128xf32, #tpu.memory_space<hbm>>
        tpu.wait_indirect_dma semaphore(%arg13 : memref<!tpu.dma_semaphore, #tpu.memory_space<semaphore_mem>>) src(%dma_wait3A_79 : memref<70000x128xf32, #tpu.memory_space<hbm>>) dst(%arg10 : memref<128x128xf32, #tpu.memory_space<vmem>>)
        %add3A_80 = arith.constant 1 : i32
        %add3A_81 = arith.addi %mul3A_55, %add3A_80 : i32
        "tpu.region"() ({
          %run_scoped3A_82 = tpu.sem_alloc : memref<!tpu.dma_semaphore, #tpu.memory_space<semaphore_mem>>
          %dma_start3A_83 = arith.constant 0 : i32
          %dma_start3A_84 = tpu.memref_slice %arg8[%rem3A_25, %add3A_81, %dma_start3A_83] : memref<2x16x128xi32, #tpu.memory_space<vmem>> -> memref<1x1x128xi32, #tpu.memory_space<vmem>>
          %dma_start3A_85 = tpu.memref_squeeze %dma_start3A_84 : memref<1x1x128xi32, #tpu.memory_space<vmem>> -> memref<128xi32, #tpu.memory_space<vmem>>
          %dma_start3A_86 = arith.constant 0 : i32
          %dma_start3A_87 = arith.constant 0 : i32
          %dma_start3A_88 = tpu.memref_slice %arg11[%dma_start3A_86, %dma_start3A_87] : memref<10240x128xf32, #tpu.memory_space<vmem_shared>> -> memref<10240x128xf32, #tpu.memory_space<vmem_shared>>
          tpu.enqueue_indirect_dma source(%arg10 : memref<128x128xf32, #tpu.memory_space<vmem>>) target(%dma_start3A_88 : memref<10240x128xf32, #tpu.memory_space<vmem_shared>>) offsets(%dma_start3A_85 : memref<128xi32, #tpu.memory_space<vmem>>) semaphore(%run_scoped3A_82 : memref<!tpu.dma_semaphore, #tpu.memory_space<semaphore_mem>>) {add = true}
          %dma_wait3A_89 = arith.constant 0 : i32
          %dma_wait3A_90 = tpu.memref_slice %arg8[%rem3A_25, %add3A_81, %dma_wait3A_89] : memref<2x16x128xi32, #tpu.memory_space<vmem>> -> memref<1x1x128xi32, #tpu.memory_space<vmem>>
          %dma_wait3A_91 = tpu.memref_squeeze %dma_wait3A_90 : memref<1x1x128xi32, #tpu.memory_space<vmem>> -> memref<128xi32, #tpu.memory_space<vmem>>
          %dma_wait3A_92 = arith.constant 0 : i32
          %dma_wait3A_93 = arith.constant 0 : i32
          %dma_wait3A_94 = tpu.memref_slice %arg11[%dma_wait3A_92, %dma_wait3A_93] : memref<10240x128xf32, #tpu.memory_space<vmem_shared>> -> memref<10240x128xf32, #tpu.memory_space<vmem_shared>>
          tpu.wait_indirect_dma semaphore(%run_scoped3A_82 : memref<!tpu.dma_semaphore, #tpu.memory_space<semaphore_mem>>) src(%arg10 : memref<128x128xf32, #tpu.memory_space<vmem>>) dst(%dma_wait3A_94 : memref<10240x128xf32, #tpu.memory_space<vmem_shared>>)
          tpu.yield
        }) : () -> ()
      }
      %scan3A_47 = arith.constant 8 : i32
      %lt3A_48 = arith.constant 4 : i32
      %lt3A_49 = arith.cmpi slt, %scan3A_24, %lt3A_48 : i32
      %convert_element_type3A_50 = arith.extui %lt3A_49 : i1 to i32
      %cond3A_51 = arith.constant 0 : i32
      %cond3A_52 = arith.cmpi ne, %convert_element_type3A_50, %cond3A_51 : i32
      scf.if %cond3A_52 {
        %dma_wait3A = arith.constant 0 : i32
        %dma_wait3A_53 = arith.constant 0 : i32
        %dma_wait3A_54 = tpu.memref_slice %arg7[%sub3A_26, %dma_wait3A, %dma_wait3A_53] : memref<2x16x128xi32, #tpu.memory_space<vmem>> -> memref<1x16x128xi32, #tpu.memory_space<vmem>>
        %dma_wait3A_55 = tpu.memref_squeeze %dma_wait3A_54 : memref<1x16x128xi32, #tpu.memory_space<vmem>> -> memref<16x128xi32, #tpu.memory_space<vmem>>
        %dma_wait3A_56 = arith.constant 0 : i32
        %dma_wait3A_57 = tpu.memref_slice %arg2[%add3A_33, %dma_wait3A_56] : memref<2560x128xi32, #tpu.memory_space<hbm>> -> memref<16x128xi32, #tpu.memory_space<hbm>>
        %dma_wait3A_58 = arith.constant 0 : i32
        %dma_wait3A_59 = arith.constant 0 : i32
        %dma_wait3A_60 = tpu.memref_slice %arg7[%sub3A_26, %dma_wait3A_58, %dma_wait3A_59] : memref<2x16x128xi32, #tpu.memory_space<vmem>> -> memref<1x16x128xi32, #tpu.memory_space<vmem>>
        %dma_wait3A_61 = tpu.memref_squeeze %dma_wait3A_60 : memref<1x16x128xi32, #tpu.memory_space<vmem>> -> memref<16x128xi32, #tpu.memory_space<vmem>>
        %dma_wait3A_62 = arith.constant 0 : i32
        %dma_wait3A_63 = tpu.memref_slice %arg2[%add3A_33, %dma_wait3A_62] : memref<2560x128xi32, #tpu.memory_space<hbm>> -> memref<16x128xi32, #tpu.memory_space<hbm>>
        tpu.wait_dma2 semaphore(%arg14 : memref<!tpu.dma_semaphore, #tpu.memory_space<semaphore_mem>>) src(%dma_wait3A_63 : memref<16x128xi32, #tpu.memory_space<hbm>>) dst(%dma_wait3A_61 : memref<16x128xi32, #tpu.memory_space<vmem>>)
        %dma_wait3A_64 = arith.constant 0 : i32
        %dma_wait3A_65 = arith.constant 0 : i32
        %dma_wait3A_66 = tpu.memref_slice %arg8[%sub3A_26, %dma_wait3A_64, %dma_wait3A_65] : memref<2x16x128xi32, #tpu.memory_space<vmem>> -> memref<1x16x128xi32, #tpu.memory_space<vmem>>
        %dma_wait3A_67 = tpu.memref_squeeze %dma_wait3A_66 : memref<1x16x128xi32, #tpu.memory_space<vmem>> -> memref<16x128xi32, #tpu.memory_space<vmem>>
        %dma_wait3A_68 = arith.constant 0 : i32
        %dma_wait3A_69 = tpu.memref_slice %arg3[%add3A_33, %dma_wait3A_68] : memref<2560x128xi32, #tpu.memory_space<hbm>> -> memref<16x128xi32, #tpu.memory_space<hbm>>
        %dma_wait3A_70 = arith.constant 0 : i32
        %dma_wait3A_71 = arith.constant 0 : i32
        %dma_wait3A_72 = tpu.memref_slice %arg8[%sub3A_26, %dma_wait3A_70, %dma_wait3A_71] : memref<2x16x128xi32, #tpu.memory_space<vmem>> -> memref<1x16x128xi32, #tpu.memory_space<vmem>>
        %dma_wait3A_73 = tpu.memref_squeeze %dma_wait3A_72 : memref<1x16x128xi32, #tpu.memory_space<vmem>> -> memref<16x128xi32, #tpu.memory_space<vmem>>
        %dma_wait3A_74 = arith.constant 0 : i32
        %dma_wait3A_75 = tpu.memref_slice %arg3[%add3A_33, %dma_wait3A_74] : memref<2560x128xi32, #tpu.memory_space<hbm>> -> memref<16x128xi32, #tpu.memory_space<hbm>>
        tpu.wait_dma2 semaphore(%arg15 : memref<!tpu.dma_semaphore, #tpu.memory_space<semaphore_mem>>) src(%dma_wait3A_75 : memref<16x128xi32, #tpu.memory_space<hbm>>) dst(%dma_wait3A_73 : memref<16x128xi32, #tpu.memory_space<vmem>>)
      } else {
      }
    }
    %scan3A_22 = arith.constant 5 : i32
    %barrier3A_23 = arith.constant 0 : index
    tpu.barrier barrier_id(%barrier3A_23)
    "tpu.region"() ({
      %run_scoped3A_24 = tpu.sem_alloc : memref<!tpu.dma_semaphore, #tpu.memory_space<semaphore_mem>>
      %dma_start3A = arith.constant 0 : i32
      %dma_start3A_25 = tpu.memref_slice %arg6[%arg0, %multiple_of3A, %dma_start3A] : memref<2x10240x128xf32, #tpu.memory_space<hbm>> -> memref<1x640x128xf32, #tpu.memory_space<hbm>>
      %dma_start3A_26 = tpu.memref_squeeze %dma_start3A_25 : memref<1x640x128xf32, #tpu.memory_space<hbm>> -> memref<640x128xf32, #tpu.memory_space<hbm>>
      %dma_start3A_27 = arith.constant 0 : i32
      %dma_start3A_28 = tpu.memref_slice %arg11[%multiple_of3A, %dma_start3A_27] : memref<10240x128xf32, #tpu.memory_space<vmem_shared>> -> memref<640x128xf32, #tpu.memory_space<vmem_shared>>
      tpu.enqueue_dma source(%dma_start3A_28 : memref<640x128xf32, #tpu.memory_space<vmem_shared>>) target(%dma_start3A_26 : memref<640x128xf32, #tpu.memory_space<hbm>>) target_semaphore(%run_scoped3A_24 : memref<!tpu.dma_semaphore, #tpu.memory_space<semaphore_mem>>)
      %dma_wait3A = arith.constant 0 : i32
      %dma_wait3A_29 = tpu.memref_slice %arg6[%arg0, %multiple_of3A, %dma_wait3A] : memref<2x10240x128xf32, #tpu.memory_space<hbm>> -> memref<1x640x128xf32, #tpu.memory_space<hbm>>
      %dma_wait3A_30 = tpu.memref_squeeze %dma_wait3A_29 : memref<1x640x128xf32, #tpu.memory_space<hbm>> -> memref<640x128xf32, #tpu.memory_space<hbm>>
      %dma_wait3A_31 = arith.constant 0 : i32
      %dma_wait3A_32 = tpu.memref_slice %arg11[%multiple_of3A, %dma_wait3A_31] : memref<10240x128xf32, #tpu.memory_space<vmem_shared>> -> memref<640x128xf32, #tpu.memory_space<vmem_shared>>
      tpu.wait_dma2 semaphore(%run_scoped3A_24 : memref<!tpu.dma_semaphore, #tpu.memory_space<semaphore_mem>>) src(%dma_wait3A_32 : memref<640x128xf32, #tpu.memory_space<vmem_shared>>) dst(%dma_wait3A_30 : memref<640x128xf32, #tpu.memory_space<hbm>>)
      tpu.yield
    }) : () -> ()
    return
  }
}

#map = affine_map<(d0, d1) -> (0, 0)>
#map1 = affine_map<(d0, d1) -> (0, 0, 0)>
module attributes {stable_mosaic.version = 14 : i64} {
  func.func @_sc_edge_body(%arg0: i32, %arg1: i32, %arg2: memref<2560x128xi32, #tpu.memory_space<hbm>>, %arg3: memref<2560x128xi32, #tpu.memory_space<hbm>>, %arg4: memref<70000x128xf32, #tpu.memory_space<hbm>>, %arg5: memref<128x128xf32, #tpu.memory_space<hbm>>, %arg6: memref<2x10240x128xf32, #tpu.memory_space<hbm>>, %arg7: memref<2x16x128xi32, #tpu.memory_space<vmem>>, %arg8: memref<2x16x128xi32, #tpu.memory_space<vmem>>, %arg9: memref<128x128xf32, #tpu.memory_space<vmem>>, %arg10: memref<128x128xf32, #tpu.memory_space<vmem>>, %arg11: memref<10240x128xf32, #tpu.memory_space<vmem_shared>>, %arg12: memref<!tpu.dma_semaphore, #tpu.memory_space<semaphore_mem>>, %arg13: memref<!tpu.dma_semaphore, #tpu.memory_space<semaphore_mem>>, %arg14: memref<!tpu.dma_semaphore, #tpu.memory_space<semaphore_mem>>, %arg15: memref<!tpu.dma_semaphore, #tpu.memory_space<semaphore_mem>>) attributes {dimension_semantics = [#tpu.dimension_semantics<core_parallel>, #tpu.dimension_semantics<subcore_parallel>], iteration_bounds = array<i64: 2, 16>, scalar_prefetch = 0 : i64, scratch_operands = 9 : i64, tpu.core_type = #tpu.core_type<sc_vector_subcore>, window_params = [{transform_indices = #map}, {transform_indices = #map}, {transform_indices = #map}, {transform_indices = #map}, {transform_indices = #map1}]} {
    %mul3A = arith.constant 2 : i32
    %mul3A_0 = arith.muli %arg1, %mul3A : i32
    %add3A = arith.addi %mul3A_0, %arg0 : i32
    %mul3A_1 = arith.constant 640 : i32
    %mul3A_2 = arith.muli %arg1, %mul3A_1 : i32
    %multiple_of3A = tpu.assume_multiple %mul3A_2, 128 : i32
    "tpu.region"() ({
      %run_scoped3A_24 = tpu.sem_alloc : memref<!tpu.dma_semaphore, #tpu.memory_space<semaphore_mem>>
      tpu.enqueue_dma source(%arg5 : memref<128x128xf32, #tpu.memory_space<hbm>>) target(%arg9 : memref<128x128xf32, #tpu.memory_space<vmem>>) target_semaphore(%run_scoped3A_24 : memref<!tpu.dma_semaphore, #tpu.memory_space<semaphore_mem>>)
      tpu.wait_dma2 semaphore(%run_scoped3A_24 : memref<!tpu.dma_semaphore, #tpu.memory_space<semaphore_mem>>) src(%arg5 : memref<128x128xf32, #tpu.memory_space<hbm>>) dst(%arg9 : memref<128x128xf32, #tpu.memory_space<vmem>>)
      tpu.yield
    }) : () -> ()
    %add3A_3 = arith.constant 0 : i32
    %add3A_4 = arith.addi %multiple_of3A, %add3A_3 : i32
    "tpu.region"() ({
      %run_scoped3A_24 = tpu.sem_alloc : memref<!tpu.dma_semaphore, #tpu.memory_space<semaphore_mem>>
      %dma_start3A = arith.constant 0 : i32
      %dma_start3A_25 = tpu.memref_slice %arg11[%add3A_4, %dma_start3A] : memref<10240x128xf32, #tpu.memory_space<vmem_shared>> -> memref<128x128xf32, #tpu.memory_space<vmem_shared>>
      %dma_start3A_26 = arith.constant 0 : i32
      %dma_start3A_27 = tpu.memref_slice %arg11[%add3A_4, %dma_start3A_26] : memref<10240x128xf32, #tpu.memory_space<vmem_shared>> -> memref<128x128xf32, #tpu.memory_space<vmem_shared>>
      tpu.enqueue_dma source(%arg9 : memref<128x128xf32, #tpu.memory_space<vmem>>) target(%dma_start3A_27 : memref<128x128xf32, #tpu.memory_space<vmem_shared>>) target_semaphore(%run_scoped3A_24 : memref<!tpu.dma_semaphore, #tpu.memory_space<semaphore_mem>>)
      %dma_wait3A = arith.constant 0 : i32
      %dma_wait3A_28 = tpu.memref_slice %arg11[%add3A_4, %dma_wait3A] : memref<10240x128xf32, #tpu.memory_space<vmem_shared>> -> memref<128x128xf32, #tpu.memory_space<vmem_shared>>
      %dma_wait3A_29 = arith.constant 0 : i32
      %dma_wait3A_30 = tpu.memref_slice %arg11[%add3A_4, %dma_wait3A_29] : memref<10240x128xf32, #tpu.memory_space<vmem_shared>> -> memref<128x128xf32, #tpu.memory_space<vmem_shared>>
      tpu.wait_dma2 semaphore(%run_scoped3A_24 : memref<!tpu.dma_semaphore, #tpu.memory_space<semaphore_mem>>) src(%arg9 : memref<128x128xf32, #tpu.memory_space<vmem>>) dst(%dma_wait3A_30 : memref<128x128xf32, #tpu.memory_space<vmem_shared>>)
      tpu.yield
    }) : () -> ()
    %add3A_5 = arith.constant 128 : i32
    %add3A_6 = arith.addi %multiple_of3A, %add3A_5 : i32
    "tpu.region"() ({
      %run_scoped3A_24 = tpu.sem_alloc : memref<!tpu.dma_semaphore, #tpu.memory_space<semaphore_mem>>
      %dma_start3A = arith.constant 0 : i32
      %dma_start3A_25 = tpu.memref_slice %arg11[%add3A_6, %dma_start3A] : memref<10240x128xf32, #tpu.memory_space<vmem_shared>> -> memref<128x128xf32, #tpu.memory_space<vmem_shared>>
      %dma_start3A_26 = arith.constant 0 : i32
      %dma_start3A_27 = tpu.memref_slice %arg11[%add3A_6, %dma_start3A_26] : memref<10240x128xf32, #tpu.memory_space<vmem_shared>> -> memref<128x128xf32, #tpu.memory_space<vmem_shared>>
      tpu.enqueue_dma source(%arg9 : memref<128x128xf32, #tpu.memory_space<vmem>>) target(%dma_start3A_27 : memref<128x128xf32, #tpu.memory_space<vmem_shared>>) target_semaphore(%run_scoped3A_24 : memref<!tpu.dma_semaphore, #tpu.memory_space<semaphore_mem>>)
      %dma_wait3A = arith.constant 0 : i32
      %dma_wait3A_28 = tpu.memref_slice %arg11[%add3A_6, %dma_wait3A] : memref<10240x128xf32, #tpu.memory_space<vmem_shared>> -> memref<128x128xf32, #tpu.memory_space<vmem_shared>>
      %dma_wait3A_29 = arith.constant 0 : i32
      %dma_wait3A_30 = tpu.memref_slice %arg11[%add3A_6, %dma_wait3A_29] : memref<10240x128xf32, #tpu.memory_space<vmem_shared>> -> memref<128x128xf32, #tpu.memory_space<vmem_shared>>
      tpu.wait_dma2 semaphore(%run_scoped3A_24 : memref<!tpu.dma_semaphore, #tpu.memory_space<semaphore_mem>>) src(%arg9 : memref<128x128xf32, #tpu.memory_space<vmem>>) dst(%dma_wait3A_30 : memref<128x128xf32, #tpu.memory_space<vmem_shared>>)
      tpu.yield
    }) : () -> ()
    %add3A_7 = arith.constant 256 : i32
    %add3A_8 = arith.addi %multiple_of3A, %add3A_7 : i32
    "tpu.region"() ({
      %run_scoped3A_24 = tpu.sem_alloc : memref<!tpu.dma_semaphore, #tpu.memory_space<semaphore_mem>>
      %dma_start3A = arith.constant 0 : i32
      %dma_start3A_25 = tpu.memref_slice %arg11[%add3A_8, %dma_start3A] : memref<10240x128xf32, #tpu.memory_space<vmem_shared>> -> memref<128x128xf32, #tpu.memory_space<vmem_shared>>
      %dma_start3A_26 = arith.constant 0 : i32
      %dma_start3A_27 = tpu.memref_slice %arg11[%add3A_8, %dma_start3A_26] : memref<10240x128xf32, #tpu.memory_space<vmem_shared>> -> memref<128x128xf32, #tpu.memory_space<vmem_shared>>
      tpu.enqueue_dma source(%arg9 : memref<128x128xf32, #tpu.memory_space<vmem>>) target(%dma_start3A_27 : memref<128x128xf32, #tpu.memory_space<vmem_shared>>) target_semaphore(%run_scoped3A_24 : memref<!tpu.dma_semaphore, #tpu.memory_space<semaphore_mem>>)
      %dma_wait3A = arith.constant 0 : i32
      %dma_wait3A_28 = tpu.memref_slice %arg11[%add3A_8, %dma_wait3A] : memref<10240x128xf32, #tpu.memory_space<vmem_shared>> -> memref<128x128xf32, #tpu.memory_space<vmem_shared>>
      %dma_wait3A_29 = arith.constant 0 : i32
      %dma_wait3A_30 = tpu.memref_slice %arg11[%add3A_8, %dma_wait3A_29] : memref<10240x128xf32, #tpu.memory_space<vmem_shared>> -> memref<128x128xf32, #tpu.memory_space<vmem_shared>>
      tpu.wait_dma2 semaphore(%run_scoped3A_24 : memref<!tpu.dma_semaphore, #tpu.memory_space<semaphore_mem>>) src(%arg9 : memref<128x128xf32, #tpu.memory_space<vmem>>) dst(%dma_wait3A_30 : memref<128x128xf32, #tpu.memory_space<vmem_shared>>)
      tpu.yield
    }) : () -> ()
    %add3A_9 = arith.constant 384 : i32
    %add3A_10 = arith.addi %multiple_of3A, %add3A_9 : i32
    "tpu.region"() ({
      %run_scoped3A_24 = tpu.sem_alloc : memref<!tpu.dma_semaphore, #tpu.memory_space<semaphore_mem>>
      %dma_start3A = arith.constant 0 : i32
      %dma_start3A_25 = tpu.memref_slice %arg11[%add3A_10, %dma_start3A] : memref<10240x128xf32, #tpu.memory_space<vmem_shared>> -> memref<128x128xf32, #tpu.memory_space<vmem_shared>>
      %dma_start3A_26 = arith.constant 0 : i32
      %dma_start3A_27 = tpu.memref_slice %arg11[%add3A_10, %dma_start3A_26] : memref<10240x128xf32, #tpu.memory_space<vmem_shared>> -> memref<128x128xf32, #tpu.memory_space<vmem_shared>>
      tpu.enqueue_dma source(%arg9 : memref<128x128xf32, #tpu.memory_space<vmem>>) target(%dma_start3A_27 : memref<128x128xf32, #tpu.memory_space<vmem_shared>>) target_semaphore(%run_scoped3A_24 : memref<!tpu.dma_semaphore, #tpu.memory_space<semaphore_mem>>)
      %dma_wait3A = arith.constant 0 : i32
      %dma_wait3A_28 = tpu.memref_slice %arg11[%add3A_10, %dma_wait3A] : memref<10240x128xf32, #tpu.memory_space<vmem_shared>> -> memref<128x128xf32, #tpu.memory_space<vmem_shared>>
      %dma_wait3A_29 = arith.constant 0 : i32
      %dma_wait3A_30 = tpu.memref_slice %arg11[%add3A_10, %dma_wait3A_29] : memref<10240x128xf32, #tpu.memory_space<vmem_shared>> -> memref<128x128xf32, #tpu.memory_space<vmem_shared>>
      tpu.wait_dma2 semaphore(%run_scoped3A_24 : memref<!tpu.dma_semaphore, #tpu.memory_space<semaphore_mem>>) src(%arg9 : memref<128x128xf32, #tpu.memory_space<vmem>>) dst(%dma_wait3A_30 : memref<128x128xf32, #tpu.memory_space<vmem_shared>>)
      tpu.yield
    }) : () -> ()
    %add3A_11 = arith.constant 512 : i32
    %add3A_12 = arith.addi %multiple_of3A, %add3A_11 : i32
    "tpu.region"() ({
      %run_scoped3A_24 = tpu.sem_alloc : memref<!tpu.dma_semaphore, #tpu.memory_space<semaphore_mem>>
      %dma_start3A = arith.constant 0 : i32
      %dma_start3A_25 = tpu.memref_slice %arg11[%add3A_12, %dma_start3A] : memref<10240x128xf32, #tpu.memory_space<vmem_shared>> -> memref<128x128xf32, #tpu.memory_space<vmem_shared>>
      %dma_start3A_26 = arith.constant 0 : i32
      %dma_start3A_27 = tpu.memref_slice %arg11[%add3A_12, %dma_start3A_26] : memref<10240x128xf32, #tpu.memory_space<vmem_shared>> -> memref<128x128xf32, #tpu.memory_space<vmem_shared>>
      tpu.enqueue_dma source(%arg9 : memref<128x128xf32, #tpu.memory_space<vmem>>) target(%dma_start3A_27 : memref<128x128xf32, #tpu.memory_space<vmem_shared>>) target_semaphore(%run_scoped3A_24 : memref<!tpu.dma_semaphore, #tpu.memory_space<semaphore_mem>>)
      %dma_wait3A = arith.constant 0 : i32
      %dma_wait3A_28 = tpu.memref_slice %arg11[%add3A_12, %dma_wait3A] : memref<10240x128xf32, #tpu.memory_space<vmem_shared>> -> memref<128x128xf32, #tpu.memory_space<vmem_shared>>
      %dma_wait3A_29 = arith.constant 0 : i32
      %dma_wait3A_30 = tpu.memref_slice %arg11[%add3A_12, %dma_wait3A_29] : memref<10240x128xf32, #tpu.memory_space<vmem_shared>> -> memref<128x128xf32, #tpu.memory_space<vmem_shared>>
      tpu.wait_dma2 semaphore(%run_scoped3A_24 : memref<!tpu.dma_semaphore, #tpu.memory_space<semaphore_mem>>) src(%arg9 : memref<128x128xf32, #tpu.memory_space<vmem>>) dst(%dma_wait3A_30 : memref<128x128xf32, #tpu.memory_space<vmem_shared>>)
      tpu.yield
    }) : () -> ()
    %barrier3A = arith.constant 0 : index
    tpu.barrier barrier_id(%barrier3A)
    %mul3A_13 = arith.constant 80 : i32
    %mul3A_14 = arith.muli %add3A, %mul3A_13 : i32
    %run_scoped3A = arith.constant 0 : i32
    "tpu.region"() ({
      %run_scoped3A_24 = tpu.sem_alloc : memref<!tpu.dma_semaphore, #tpu.memory_space<semaphore_mem>>
      %dma_start3A = arith.constant 0 : i32
      %dma_start3A_25 = arith.constant 0 : i32
      %dma_start3A_26 = tpu.memref_slice %arg7[%run_scoped3A, %dma_start3A, %dma_start3A_25] : memref<2x16x128xi32, #tpu.memory_space<vmem>> -> memref<1x16x128xi32, #tpu.memory_space<vmem>>
      %dma_start3A_27 = tpu.memref_squeeze %dma_start3A_26 : memref<1x16x128xi32, #tpu.memory_space<vmem>> -> memref<16x128xi32, #tpu.memory_space<vmem>>
      %dma_start3A_28 = arith.constant 0 : i32
      %dma_start3A_29 = tpu.memref_slice %arg2[%mul3A_14, %dma_start3A_28] : memref<2560x128xi32, #tpu.memory_space<hbm>> -> memref<16x128xi32, #tpu.memory_space<hbm>>
      %dma_start3A_30 = arith.constant 0 : i32
      %dma_start3A_31 = arith.constant 0 : i32
      %dma_start3A_32 = tpu.memref_slice %arg7[%run_scoped3A, %dma_start3A_30, %dma_start3A_31] : memref<2x16x128xi32, #tpu.memory_space<vmem>> -> memref<1x16x128xi32, #tpu.memory_space<vmem>>
      %dma_start3A_33 = tpu.memref_squeeze %dma_start3A_32 : memref<1x16x128xi32, #tpu.memory_space<vmem>> -> memref<16x128xi32, #tpu.memory_space<vmem>>
      %dma_start3A_34 = arith.constant 0 : i32
      %dma_start3A_35 = tpu.memref_slice %arg2[%mul3A_14, %dma_start3A_34] : memref<2560x128xi32, #tpu.memory_space<hbm>> -> memref<16x128xi32, #tpu.memory_space<hbm>>
      tpu.enqueue_dma source(%dma_start3A_35 : memref<16x128xi32, #tpu.memory_space<hbm>>) target(%dma_start3A_33 : memref<16x128xi32, #tpu.memory_space<vmem>>) target_semaphore(%run_scoped3A_24 : memref<!tpu.dma_semaphore, #tpu.memory_space<semaphore_mem>>)
      %dma_wait3A = arith.constant 0 : i32
      %dma_wait3A_36 = arith.constant 0 : i32
      %dma_wait3A_37 = tpu.memref_slice %arg7[%run_scoped3A, %dma_wait3A, %dma_wait3A_36] : memref<2x16x128xi32, #tpu.memory_space<vmem>> -> memref<1x16x128xi32, #tpu.memory_space<vmem>>
      %dma_wait3A_38 = tpu.memref_squeeze %dma_wait3A_37 : memref<1x16x128xi32, #tpu.memory_space<vmem>> -> memref<16x128xi32, #tpu.memory_space<vmem>>
      %dma_wait3A_39 = arith.constant 0 : i32
      %dma_wait3A_40 = tpu.memref_slice %arg2[%mul3A_14, %dma_wait3A_39] : memref<2560x128xi32, #tpu.memory_space<hbm>> -> memref<16x128xi32, #tpu.memory_space<hbm>>
      %dma_wait3A_41 = arith.constant 0 : i32
      %dma_wait3A_42 = arith.constant 0 : i32
      %dma_wait3A_43 = tpu.memref_slice %arg7[%run_scoped3A, %dma_wait3A_41, %dma_wait3A_42] : memref<2x16x128xi32, #tpu.memory_space<vmem>> -> memref<1x16x128xi32, #tpu.memory_space<vmem>>
      %dma_wait3A_44 = tpu.memref_squeeze %dma_wait3A_43 : memref<1x16x128xi32, #tpu.memory_space<vmem>> -> memref<16x128xi32, #tpu.memory_space<vmem>>
      %dma_wait3A_45 = arith.constant 0 : i32
      %dma_wait3A_46 = tpu.memref_slice %arg2[%mul3A_14, %dma_wait3A_45] : memref<2560x128xi32, #tpu.memory_space<hbm>> -> memref<16x128xi32, #tpu.memory_space<hbm>>
      tpu.wait_dma2 semaphore(%run_scoped3A_24 : memref<!tpu.dma_semaphore, #tpu.memory_space<semaphore_mem>>) src(%dma_wait3A_46 : memref<16x128xi32, #tpu.memory_space<hbm>>) dst(%dma_wait3A_44 : memref<16x128xi32, #tpu.memory_space<vmem>>)
      tpu.yield
    }) : () -> ()
    %mul3A_15 = arith.constant 80 : i32
    %mul3A_16 = arith.muli %add3A, %mul3A_15 : i32
    %run_scoped3A_17 = arith.constant 0 : i32
    "tpu.region"() ({
      %run_scoped3A_24 = tpu.sem_alloc : memref<!tpu.dma_semaphore, #tpu.memory_space<semaphore_mem>>
      %dma_start3A = arith.constant 0 : i32
      %dma_start3A_25 = arith.constant 0 : i32
      %dma_start3A_26 = tpu.memref_slice %arg8[%run_scoped3A_17, %dma_start3A, %dma_start3A_25] : memref<2x16x128xi32, #tpu.memory_space<vmem>> -> memref<1x16x128xi32, #tpu.memory_space<vmem>>
      %dma_start3A_27 = tpu.memref_squeeze %dma_start3A_26 : memref<1x16x128xi32, #tpu.memory_space<vmem>> -> memref<16x128xi32, #tpu.memory_space<vmem>>
      %dma_start3A_28 = arith.constant 0 : i32
      %dma_start3A_29 = tpu.memref_slice %arg3[%mul3A_16, %dma_start3A_28] : memref<2560x128xi32, #tpu.memory_space<hbm>> -> memref<16x128xi32, #tpu.memory_space<hbm>>
      %dma_start3A_30 = arith.constant 0 : i32
      %dma_start3A_31 = arith.constant 0 : i32
      %dma_start3A_32 = tpu.memref_slice %arg8[%run_scoped3A_17, %dma_start3A_30, %dma_start3A_31] : memref<2x16x128xi32, #tpu.memory_space<vmem>> -> memref<1x16x128xi32, #tpu.memory_space<vmem>>
      %dma_start3A_33 = tpu.memref_squeeze %dma_start3A_32 : memref<1x16x128xi32, #tpu.memory_space<vmem>> -> memref<16x128xi32, #tpu.memory_space<vmem>>
      %dma_start3A_34 = arith.constant 0 : i32
      %dma_start3A_35 = tpu.memref_slice %arg3[%mul3A_16, %dma_start3A_34] : memref<2560x128xi32, #tpu.memory_space<hbm>> -> memref<16x128xi32, #tpu.memory_space<hbm>>
      tpu.enqueue_dma source(%dma_start3A_35 : memref<16x128xi32, #tpu.memory_space<hbm>>) target(%dma_start3A_33 : memref<16x128xi32, #tpu.memory_space<vmem>>) target_semaphore(%run_scoped3A_24 : memref<!tpu.dma_semaphore, #tpu.memory_space<semaphore_mem>>)
      %dma_wait3A = arith.constant 0 : i32
      %dma_wait3A_36 = arith.constant 0 : i32
      %dma_wait3A_37 = tpu.memref_slice %arg8[%run_scoped3A_17, %dma_wait3A, %dma_wait3A_36] : memref<2x16x128xi32, #tpu.memory_space<vmem>> -> memref<1x16x128xi32, #tpu.memory_space<vmem>>
      %dma_wait3A_38 = tpu.memref_squeeze %dma_wait3A_37 : memref<1x16x128xi32, #tpu.memory_space<vmem>> -> memref<16x128xi32, #tpu.memory_space<vmem>>
      %dma_wait3A_39 = arith.constant 0 : i32
      %dma_wait3A_40 = tpu.memref_slice %arg3[%mul3A_16, %dma_wait3A_39] : memref<2560x128xi32, #tpu.memory_space<hbm>> -> memref<16x128xi32, #tpu.memory_space<hbm>>
      %dma_wait3A_41 = arith.constant 0 : i32
      %dma_wait3A_42 = arith.constant 0 : i32
      %dma_wait3A_43 = tpu.memref_slice %arg8[%run_scoped3A_17, %dma_wait3A_41, %dma_wait3A_42] : memref<2x16x128xi32, #tpu.memory_space<vmem>> -> memref<1x16x128xi32, #tpu.memory_space<vmem>>
      %dma_wait3A_44 = tpu.memref_squeeze %dma_wait3A_43 : memref<1x16x128xi32, #tpu.memory_space<vmem>> -> memref<16x128xi32, #tpu.memory_space<vmem>>
      %dma_wait3A_45 = arith.constant 0 : i32
      %dma_wait3A_46 = tpu.memref_slice %arg3[%mul3A_16, %dma_wait3A_45] : memref<2560x128xi32, #tpu.memory_space<hbm>> -> memref<16x128xi32, #tpu.memory_space<hbm>>
      tpu.wait_dma2 semaphore(%run_scoped3A_24 : memref<!tpu.dma_semaphore, #tpu.memory_space<semaphore_mem>>) src(%dma_wait3A_46 : memref<16x128xi32, #tpu.memory_space<hbm>>) dst(%dma_wait3A_44 : memref<16x128xi32, #tpu.memory_space<vmem>>)
      tpu.yield
    }) : () -> ()
    %scan3A = arith.constant 0 : i32
    %scan3A_18 = arith.constant 0 : i32
    %scan3A_19 = arith.constant 5 : i32
    %scan3A_20 = arith.addi %scan3A_18, %scan3A_19 : i32
    %scan3A_21 = arith.constant 1 : i32
    scf.for %scan3A_24 = %scan3A_18 to %scan3A_20 step %scan3A_21  : i32 {
      %rem3A = arith.constant 2 : i32
      %rem3A_25 = arith.remsi %scan3A_24, %rem3A : i32
      %sub3A = arith.constant 1 : i32
      %sub3A_26 = arith.subi %sub3A, %rem3A_25 : i32
      %mul3A_27 = arith.constant 80 : i32
      %mul3A_28 = arith.muli %add3A, %mul3A_27 : i32
      %add3A_29 = arith.constant 1 : i32
      %add3A_30 = arith.addi %scan3A_24, %add3A_29 : i32
      %mul3A_31 = arith.constant 16 : i32
      %mul3A_32 = arith.muli %add3A_30, %mul3A_31 : i32
      %add3A_33 = arith.addi %mul3A_28, %mul3A_32 : i32
      %lt3A = arith.constant 4 : i32
      %lt3A_34 = arith.cmpi slt, %scan3A_24, %lt3A : i32
      %convert_element_type3A = arith.extui %lt3A_34 : i1 to i32
      %cond3A = arith.constant 0 : i32
      %cond3A_35 = arith.cmpi ne, %convert_element_type3A, %cond3A : i32
      scf.if %cond3A_35 {
        %dma_start3A_53 = arith.constant 0 : i32
        %dma_start3A_54 = arith.constant 0 : i32
        %dma_start3A_55 = tpu.memref_slice %arg7[%sub3A_26, %dma_start3A_53, %dma_start3A_54] : memref<2x16x128xi32, #tpu.memory_space<vmem>> -> memref<1x16x128xi32, #tpu.memory_space<vmem>>
        %dma_start3A_56 = tpu.memref_squeeze %dma_start3A_55 : memref<1x16x128xi32, #tpu.memory_space<vmem>> -> memref<16x128xi32, #tpu.memory_space<vmem>>
        %dma_start3A_57 = arith.constant 0 : i32
        %dma_start3A_58 = tpu.memref_slice %arg2[%add3A_33, %dma_start3A_57] : memref<2560x128xi32, #tpu.memory_space<hbm>> -> memref<16x128xi32, #tpu.memory_space<hbm>>
        %dma_start3A_59 = arith.constant 0 : i32
        %dma_start3A_60 = arith.constant 0 : i32
        %dma_start3A_61 = tpu.memref_slice %arg7[%sub3A_26, %dma_start3A_59, %dma_start3A_60] : memref<2x16x128xi32, #tpu.memory_space<vmem>> -> memref<1x16x128xi32, #tpu.memory_space<vmem>>
        %dma_start3A_62 = tpu.memref_squeeze %dma_start3A_61 : memref<1x16x128xi32, #tpu.memory_space<vmem>> -> memref<16x128xi32, #tpu.memory_space<vmem>>
        %dma_start3A_63 = arith.constant 0 : i32
        %dma_start3A_64 = tpu.memref_slice %arg2[%add3A_33, %dma_start3A_63] : memref<2560x128xi32, #tpu.memory_space<hbm>> -> memref<16x128xi32, #tpu.memory_space<hbm>>
        tpu.enqueue_dma source(%dma_start3A_64 : memref<16x128xi32, #tpu.memory_space<hbm>>) target(%dma_start3A_62 : memref<16x128xi32, #tpu.memory_space<vmem>>) target_semaphore(%arg14 : memref<!tpu.dma_semaphore, #tpu.memory_space<semaphore_mem>>)
        %dma_start3A_65 = arith.constant 0 : i32
        %dma_start3A_66 = arith.constant 0 : i32
        %dma_start3A_67 = tpu.memref_slice %arg8[%sub3A_26, %dma_start3A_65, %dma_start3A_66] : memref<2x16x128xi32, #tpu.memory_space<vmem>> -> memref<1x16x128xi32, #tpu.memory_space<vmem>>
        %dma_start3A_68 = tpu.memref_squeeze %dma_start3A_67 : memref<1x16x128xi32, #tpu.memory_space<vmem>> -> memref<16x128xi32, #tpu.memory_space<vmem>>
        %dma_start3A_69 = arith.constant 0 : i32
        %dma_start3A_70 = tpu.memref_slice %arg3[%add3A_33, %dma_start3A_69] : memref<2560x128xi32, #tpu.memory_space<hbm>> -> memref<16x128xi32, #tpu.memory_space<hbm>>
        %dma_start3A_71 = arith.constant 0 : i32
        %dma_start3A_72 = arith.constant 0 : i32
        %dma_start3A_73 = tpu.memref_slice %arg8[%sub3A_26, %dma_start3A_71, %dma_start3A_72] : memref<2x16x128xi32, #tpu.memory_space<vmem>> -> memref<1x16x128xi32, #tpu.memory_space<vmem>>
        %dma_start3A_74 = tpu.memref_squeeze %dma_start3A_73 : memref<1x16x128xi32, #tpu.memory_space<vmem>> -> memref<16x128xi32, #tpu.memory_space<vmem>>
        %dma_start3A_75 = arith.constant 0 : i32
        %dma_start3A_76 = tpu.memref_slice %arg3[%add3A_33, %dma_start3A_75] : memref<2560x128xi32, #tpu.memory_space<hbm>> -> memref<16x128xi32, #tpu.memory_space<hbm>>
        tpu.enqueue_dma source(%dma_start3A_76 : memref<16x128xi32, #tpu.memory_space<hbm>>) target(%dma_start3A_74 : memref<16x128xi32, #tpu.memory_space<vmem>>) target_semaphore(%arg15 : memref<!tpu.dma_semaphore, #tpu.memory_space<semaphore_mem>>)
      } else {
      }
      %dma_start3A = arith.constant 0 : i32
      %dma_start3A_36 = arith.constant 0 : i32
      %dma_start3A_37 = tpu.memref_slice %arg7[%rem3A_25, %dma_start3A, %dma_start3A_36] : memref<2x16x128xi32, #tpu.memory_space<vmem>> -> memref<1x1x128xi32, #tpu.memory_space<vmem>>
      %dma_start3A_38 = tpu.memref_squeeze %dma_start3A_37 : memref<1x1x128xi32, #tpu.memory_space<vmem>> -> memref<128xi32, #tpu.memory_space<vmem>>
      %dma_start3A_39 = arith.constant 0 : i32
      %dma_start3A_40 = arith.constant 0 : i32
      %dma_start3A_41 = tpu.memref_slice %arg4[%dma_start3A_39, %dma_start3A_40] : memref<70000x128xf32, #tpu.memory_space<hbm>> -> memref<70000x128xf32, #tpu.memory_space<hbm>>
      tpu.enqueue_indirect_dma source(%dma_start3A_41 : memref<70000x128xf32, #tpu.memory_space<hbm>>) target(%arg9 : memref<128x128xf32, #tpu.memory_space<vmem>>) offsets(%dma_start3A_38 : memref<128xi32, #tpu.memory_space<vmem>>) semaphore(%arg12 : memref<!tpu.dma_semaphore, #tpu.memory_space<semaphore_mem>>)
      %scan3A_42 = arith.constant 0 : i32
      %scan3A_43 = arith.constant 0 : i32
      %scan3A_44 = arith.constant 8 : i32
      %scan3A_45 = arith.addi %scan3A_43, %scan3A_44 : i32
      %scan3A_46 = arith.constant 1 : i32
      scf.for %scan3A_53 = %scan3A_43 to %scan3A_45 step %scan3A_46  : i32 {
        %mul3A_54 = arith.constant 2 : i32
        %mul3A_55 = arith.muli %scan3A_53, %mul3A_54 : i32
        %add3A_56 = arith.constant 1 : i32
        %add3A_57 = arith.addi %mul3A_55, %add3A_56 : i32
        %dma_start3A_58 = arith.constant 0 : i32
        %dma_start3A_59 = tpu.memref_slice %arg7[%rem3A_25, %add3A_57, %dma_start3A_58] : memref<2x16x128xi32, #tpu.memory_space<vmem>> -> memref<1x1x128xi32, #tpu.memory_space<vmem>>
        %dma_start3A_60 = tpu.memref_squeeze %dma_start3A_59 : memref<1x1x128xi32, #tpu.memory_space<vmem>> -> memref<128xi32, #tpu.memory_space<vmem>>
        %dma_start3A_61 = arith.constant 0 : i32
        %dma_start3A_62 = arith.constant 0 : i32
        %dma_start3A_63 = tpu.memref_slice %arg4[%dma_start3A_61, %dma_start3A_62] : memref<70000x128xf32, #tpu.memory_space<hbm>> -> memref<70000x128xf32, #tpu.memory_space<hbm>>
        tpu.enqueue_indirect_dma source(%dma_start3A_63 : memref<70000x128xf32, #tpu.memory_space<hbm>>) target(%arg10 : memref<128x128xf32, #tpu.memory_space<vmem>>) offsets(%dma_start3A_60 : memref<128xi32, #tpu.memory_space<vmem>>) semaphore(%arg13 : memref<!tpu.dma_semaphore, #tpu.memory_space<semaphore_mem>>)
        %dma_wait3A = arith.constant 0 : i32
        %dma_wait3A_64 = tpu.memref_slice %arg7[%rem3A_25, %mul3A_55, %dma_wait3A] : memref<2x16x128xi32, #tpu.memory_space<vmem>> -> memref<1x1x128xi32, #tpu.memory_space<vmem>>
        %dma_wait3A_65 = tpu.memref_squeeze %dma_wait3A_64 : memref<1x1x128xi32, #tpu.memory_space<vmem>> -> memref<128xi32, #tpu.memory_space<vmem>>
        %dma_wait3A_66 = arith.constant 0 : i32
        %dma_wait3A_67 = arith.constant 0 : i32
        %dma_wait3A_68 = tpu.memref_slice %arg4[%dma_wait3A_66, %dma_wait3A_67] : memref<70000x128xf32, #tpu.memory_space<hbm>> -> memref<70000x128xf32, #tpu.memory_space<hbm>>
        tpu.wait_indirect_dma semaphore(%arg12 : memref<!tpu.dma_semaphore, #tpu.memory_space<semaphore_mem>>) src(%dma_wait3A_68 : memref<70000x128xf32, #tpu.memory_space<hbm>>) dst(%arg9 : memref<128x128xf32, #tpu.memory_space<vmem>>)
        "tpu.region"() ({
          %run_scoped3A_82 = tpu.sem_alloc : memref<!tpu.dma_semaphore, #tpu.memory_space<semaphore_mem>>
          %dma_start3A_83 = arith.constant 0 : i32
          %dma_start3A_84 = tpu.memref_slice %arg8[%rem3A_25, %mul3A_55, %dma_start3A_83] : memref<2x16x128xi32, #tpu.memory_space<vmem>> -> memref<1x1x128xi32, #tpu.memory_space<vmem>>
          %dma_start3A_85 = tpu.memref_squeeze %dma_start3A_84 : memref<1x1x128xi32, #tpu.memory_space<vmem>> -> memref<128xi32, #tpu.memory_space<vmem>>
          %dma_start3A_86 = arith.constant 0 : i32
          %dma_start3A_87 = arith.constant 0 : i32
          %dma_start3A_88 = tpu.memref_slice %arg11[%dma_start3A_86, %dma_start3A_87] : memref<10240x128xf32, #tpu.memory_space<vmem_shared>> -> memref<10240x128xf32, #tpu.memory_space<vmem_shared>>
          tpu.enqueue_indirect_dma source(%arg9 : memref<128x128xf32, #tpu.memory_space<vmem>>) target(%dma_start3A_88 : memref<10240x128xf32, #tpu.memory_space<vmem_shared>>) offsets(%dma_start3A_85 : memref<128xi32, #tpu.memory_space<vmem>>) semaphore(%run_scoped3A_82 : memref<!tpu.dma_semaphore, #tpu.memory_space<semaphore_mem>>) {add = true}
          %dma_wait3A_89 = arith.constant 0 : i32
          %dma_wait3A_90 = tpu.memref_slice %arg8[%rem3A_25, %mul3A_55, %dma_wait3A_89] : memref<2x16x128xi32, #tpu.memory_space<vmem>> -> memref<1x1x128xi32, #tpu.memory_space<vmem>>
          %dma_wait3A_91 = tpu.memref_squeeze %dma_wait3A_90 : memref<1x1x128xi32, #tpu.memory_space<vmem>> -> memref<128xi32, #tpu.memory_space<vmem>>
          %dma_wait3A_92 = arith.constant 0 : i32
          %dma_wait3A_93 = arith.constant 0 : i32
          %dma_wait3A_94 = tpu.memref_slice %arg11[%dma_wait3A_92, %dma_wait3A_93] : memref<10240x128xf32, #tpu.memory_space<vmem_shared>> -> memref<10240x128xf32, #tpu.memory_space<vmem_shared>>
          tpu.wait_indirect_dma semaphore(%run_scoped3A_82 : memref<!tpu.dma_semaphore, #tpu.memory_space<semaphore_mem>>) src(%arg9 : memref<128x128xf32, #tpu.memory_space<vmem>>) dst(%dma_wait3A_94 : memref<10240x128xf32, #tpu.memory_space<vmem_shared>>)
          tpu.yield
        }) : () -> ()
        %lt3A_69 = arith.constant 7 : i32
        %lt3A_70 = arith.cmpi slt, %scan3A_53, %lt3A_69 : i32
        %convert_element_type3A_71 = arith.extui %lt3A_70 : i1 to i32
        %cond3A_72 = arith.constant 0 : i32
        %cond3A_73 = arith.cmpi ne, %convert_element_type3A_71, %cond3A_72 : i32
        scf.if %cond3A_73 {
          %add3A_82 = arith.constant 2 : i32
          %add3A_83 = arith.addi %mul3A_55, %add3A_82 : i32
          %dma_start3A_84 = arith.constant 0 : i32
          %dma_start3A_85 = tpu.memref_slice %arg7[%rem3A_25, %add3A_83, %dma_start3A_84] : memref<2x16x128xi32, #tpu.memory_space<vmem>> -> memref<1x1x128xi32, #tpu.memory_space<vmem>>
          %dma_start3A_86 = tpu.memref_squeeze %dma_start3A_85 : memref<1x1x128xi32, #tpu.memory_space<vmem>> -> memref<128xi32, #tpu.memory_space<vmem>>
          %dma_start3A_87 = arith.constant 0 : i32
          %dma_start3A_88 = arith.constant 0 : i32
          %dma_start3A_89 = tpu.memref_slice %arg4[%dma_start3A_87, %dma_start3A_88] : memref<70000x128xf32, #tpu.memory_space<hbm>> -> memref<70000x128xf32, #tpu.memory_space<hbm>>
          tpu.enqueue_indirect_dma source(%dma_start3A_89 : memref<70000x128xf32, #tpu.memory_space<hbm>>) target(%arg9 : memref<128x128xf32, #tpu.memory_space<vmem>>) offsets(%dma_start3A_86 : memref<128xi32, #tpu.memory_space<vmem>>) semaphore(%arg12 : memref<!tpu.dma_semaphore, #tpu.memory_space<semaphore_mem>>)
        } else {
        }
        %dma_wait3A_74 = arith.constant 0 : i32
        %dma_wait3A_75 = tpu.memref_slice %arg7[%rem3A_25, %add3A_57, %dma_wait3A_74] : memref<2x16x128xi32, #tpu.memory_space<vmem>> -> memref<1x1x128xi32, #tpu.memory_space<vmem>>
        %dma_wait3A_76 = tpu.memref_squeeze %dma_wait3A_75 : memref<1x1x128xi32, #tpu.memory_space<vmem>> -> memref<128xi32, #tpu.memory_space<vmem>>
        %dma_wait3A_77 = arith.constant 0 : i32
        %dma_wait3A_78 = arith.constant 0 : i32
        %dma_wait3A_79 = tpu.memref_slice %arg4[%dma_wait3A_77, %dma_wait3A_78] : memref<70000x128xf32, #tpu.memory_space<hbm>> -> memref<70000x128xf32, #tpu.memory_space<hbm>>
        tpu.wait_indirect_dma semaphore(%arg13 : memref<!tpu.dma_semaphore, #tpu.memory_space<semaphore_mem>>) src(%dma_wait3A_79 : memref<70000x128xf32, #tpu.memory_space<hbm>>) dst(%arg10 : memref<128x128xf32, #tpu.memory_space<vmem>>)
        %add3A_80 = arith.constant 1 : i32
        %add3A_81 = arith.addi %mul3A_55, %add3A_80 : i32
        "tpu.region"() ({
          %run_scoped3A_82 = tpu.sem_alloc : memref<!tpu.dma_semaphore, #tpu.memory_space<semaphore_mem>>
          %dma_start3A_83 = arith.constant 0 : i32
          %dma_start3A_84 = tpu.memref_slice %arg8[%rem3A_25, %add3A_81, %dma_start3A_83] : memref<2x16x128xi32, #tpu.memory_space<vmem>> -> memref<1x1x128xi32, #tpu.memory_space<vmem>>
          %dma_start3A_85 = tpu.memref_squeeze %dma_start3A_84 : memref<1x1x128xi32, #tpu.memory_space<vmem>> -> memref<128xi32, #tpu.memory_space<vmem>>
          %dma_start3A_86 = arith.constant 0 : i32
          %dma_start3A_87 = arith.constant 0 : i32
          %dma_start3A_88 = tpu.memref_slice %arg11[%dma_start3A_86, %dma_start3A_87] : memref<10240x128xf32, #tpu.memory_space<vmem_shared>> -> memref<10240x128xf32, #tpu.memory_space<vmem_shared>>
          tpu.enqueue_indirect_dma source(%arg10 : memref<128x128xf32, #tpu.memory_space<vmem>>) target(%dma_start3A_88 : memref<10240x128xf32, #tpu.memory_space<vmem_shared>>) offsets(%dma_start3A_85 : memref<128xi32, #tpu.memory_space<vmem>>) semaphore(%run_scoped3A_82 : memref<!tpu.dma_semaphore, #tpu.memory_space<semaphore_mem>>) {add = true}
          %dma_wait3A_89 = arith.constant 0 : i32
          %dma_wait3A_90 = tpu.memref_slice %arg8[%rem3A_25, %add3A_81, %dma_wait3A_89] : memref<2x16x128xi32, #tpu.memory_space<vmem>> -> memref<1x1x128xi32, #tpu.memory_space<vmem>>
          %dma_wait3A_91 = tpu.memref_squeeze %dma_wait3A_90 : memref<1x1x128xi32, #tpu.memory_space<vmem>> -> memref<128xi32, #tpu.memory_space<vmem>>
          %dma_wait3A_92 = arith.constant 0 : i32
          %dma_wait3A_93 = arith.constant 0 : i32
          %dma_wait3A_94 = tpu.memref_slice %arg11[%dma_wait3A_92, %dma_wait3A_93] : memref<10240x128xf32, #tpu.memory_space<vmem_shared>> -> memref<10240x128xf32, #tpu.memory_space<vmem_shared>>
          tpu.wait_indirect_dma semaphore(%run_scoped3A_82 : memref<!tpu.dma_semaphore, #tpu.memory_space<semaphore_mem>>) src(%arg10 : memref<128x128xf32, #tpu.memory_space<vmem>>) dst(%dma_wait3A_94 : memref<10240x128xf32, #tpu.memory_space<vmem_shared>>)
          tpu.yield
        }) : () -> ()
      }
      %scan3A_47 = arith.constant 8 : i32
      %lt3A_48 = arith.constant 4 : i32
      %lt3A_49 = arith.cmpi slt, %scan3A_24, %lt3A_48 : i32
      %convert_element_type3A_50 = arith.extui %lt3A_49 : i1 to i32
      %cond3A_51 = arith.constant 0 : i32
      %cond3A_52 = arith.cmpi ne, %convert_element_type3A_50, %cond3A_51 : i32
      scf.if %cond3A_52 {
        %dma_wait3A = arith.constant 0 : i32
        %dma_wait3A_53 = arith.constant 0 : i32
        %dma_wait3A_54 = tpu.memref_slice %arg7[%sub3A_26, %dma_wait3A, %dma_wait3A_53] : memref<2x16x128xi32, #tpu.memory_space<vmem>> -> memref<1x16x128xi32, #tpu.memory_space<vmem>>
        %dma_wait3A_55 = tpu.memref_squeeze %dma_wait3A_54 : memref<1x16x128xi32, #tpu.memory_space<vmem>> -> memref<16x128xi32, #tpu.memory_space<vmem>>
        %dma_wait3A_56 = arith.constant 0 : i32
        %dma_wait3A_57 = tpu.memref_slice %arg2[%add3A_33, %dma_wait3A_56] : memref<2560x128xi32, #tpu.memory_space<hbm>> -> memref<16x128xi32, #tpu.memory_space<hbm>>
        %dma_wait3A_58 = arith.constant 0 : i32
        %dma_wait3A_59 = arith.constant 0 : i32
        %dma_wait3A_60 = tpu.memref_slice %arg7[%sub3A_26, %dma_wait3A_58, %dma_wait3A_59] : memref<2x16x128xi32, #tpu.memory_space<vmem>> -> memref<1x16x128xi32, #tpu.memory_space<vmem>>
        %dma_wait3A_61 = tpu.memref_squeeze %dma_wait3A_60 : memref<1x16x128xi32, #tpu.memory_space<vmem>> -> memref<16x128xi32, #tpu.memory_space<vmem>>
        %dma_wait3A_62 = arith.constant 0 : i32
        %dma_wait3A_63 = tpu.memref_slice %arg2[%add3A_33, %dma_wait3A_62] : memref<2560x128xi32, #tpu.memory_space<hbm>> -> memref<16x128xi32, #tpu.memory_space<hbm>>
        tpu.wait_dma2 semaphore(%arg14 : memref<!tpu.dma_semaphore, #tpu.memory_space<semaphore_mem>>) src(%dma_wait3A_63 : memref<16x128xi32, #tpu.memory_space<hbm>>) dst(%dma_wait3A_61 : memref<16x128xi32, #tpu.memory_space<vmem>>)
        %dma_wait3A_64 = arith.constant 0 : i32
        %dma_wait3A_65 = arith.constant 0 : i32
        %dma_wait3A_66 = tpu.memref_slice %arg8[%sub3A_26, %dma_wait3A_64, %dma_wait3A_65] : memref<2x16x128xi32, #tpu.memory_space<vmem>> -> memref<1x16x128xi32, #tpu.memory_space<vmem>>
        %dma_wait3A_67 = tpu.memref_squeeze %dma_wait3A_66 : memref<1x16x128xi32, #tpu.memory_space<vmem>> -> memref<16x128xi32, #tpu.memory_space<vmem>>
        %dma_wait3A_68 = arith.constant 0 : i32
        %dma_wait3A_69 = tpu.memref_slice %arg3[%add3A_33, %dma_wait3A_68] : memref<2560x128xi32, #tpu.memory_space<hbm>> -> memref<16x128xi32, #tpu.memory_space<hbm>>
        %dma_wait3A_70 = arith.constant 0 : i32
        %dma_wait3A_71 = arith.constant 0 : i32
        %dma_wait3A_72 = tpu.memref_slice %arg8[%sub3A_26, %dma_wait3A_70, %dma_wait3A_71] : memref<2x16x128xi32, #tpu.memory_space<vmem>> -> memref<1x16x128xi32, #tpu.memory_space<vmem>>
        %dma_wait3A_73 = tpu.memref_squeeze %dma_wait3A_72 : memref<1x16x128xi32, #tpu.memory_space<vmem>> -> memref<16x128xi32, #tpu.memory_space<vmem>>
        %dma_wait3A_74 = arith.constant 0 : i32
        %dma_wait3A_75 = tpu.memref_slice %arg3[%add3A_33, %dma_wait3A_74] : memref<2560x128xi32, #tpu.memory_space<hbm>> -> memref<16x128xi32, #tpu.memory_space<hbm>>
        tpu.wait_dma2 semaphore(%arg15 : memref<!tpu.dma_semaphore, #tpu.memory_space<semaphore_mem>>) src(%dma_wait3A_75 : memref<16x128xi32, #tpu.memory_space<hbm>>) dst(%dma_wait3A_73 : memref<16x128xi32, #tpu.memory_space<vmem>>)
      } else {
      }
    }
    %scan3A_22 = arith.constant 5 : i32
    %barrier3A_23 = arith.constant 0 : index
    tpu.barrier barrier_id(%barrier3A_23)
    "tpu.region"() ({
      %run_scoped3A_24 = tpu.sem_alloc : memref<!tpu.dma_semaphore, #tpu.memory_space<semaphore_mem>>
      %dma_start3A = arith.constant 0 : i32
      %dma_start3A_25 = tpu.memref_slice %arg6[%arg0, %multiple_of3A, %dma_start3A] : memref<2x10240x128xf32, #tpu.memory_space<hbm>> -> memref<1x640x128xf32, #tpu.memory_space<hbm>>
      %dma_start3A_26 = tpu.memref_squeeze %dma_start3A_25 : memref<1x640x128xf32, #tpu.memory_space<hbm>> -> memref<640x128xf32, #tpu.memory_space<hbm>>
      %dma_start3A_27 = arith.constant 0 : i32
      %dma_start3A_28 = tpu.memref_slice %arg11[%multiple_of3A, %dma_start3A_27] : memref<10240x128xf32, #tpu.memory_space<vmem_shared>> -> memref<640x128xf32, #tpu.memory_space<vmem_shared>>
      tpu.enqueue_dma source(%dma_start3A_28 : memref<640x128xf32, #tpu.memory_space<vmem_shared>>) target(%dma_start3A_26 : memref<640x128xf32, #tpu.memory_space<hbm>>) target_semaphore(%run_scoped3A_24 : memref<!tpu.dma_semaphore, #tpu.memory_space<semaphore_mem>>)
      %dma_wait3A = arith.constant 0 : i32
      %dma_wait3A_29 = tpu.memref_slice %arg6[%arg0, %multiple_of3A, %dma_wait3A] : memref<2x10240x128xf32, #tpu.memory_space<hbm>> -> memref<1x640x128xf32, #tpu.memory_space<hbm>>
      %dma_wait3A_30 = tpu.memref_squeeze %dma_wait3A_29 : memref<1x640x128xf32, #tpu.memory_space<hbm>> -> memref<640x128xf32, #tpu.memory_space<hbm>>
      %dma_wait3A_31 = arith.constant 0 : i32
      %dma_wait3A_32 = tpu.memref_slice %arg11[%multiple_of3A, %dma_wait3A_31] : memref<10240x128xf32, #tpu.memory_space<vmem_shared>> -> memref<640x128xf32, #tpu.memory_space<vmem_shared>>
      tpu.wait_dma2 semaphore(%run_scoped3A_24 : memref<!tpu.dma_semaphore, #tpu.memory_space<semaphore_mem>>) src(%dma_wait3A_32 : memref<640x128xf32, #tpu.memory_space<vmem_shared>>) dst(%dma_wait3A_30 : memref<640x128xf32, #tpu.memory_space<hbm>>)
      tpu.yield
    }) : () -> ()
    return
  }
}

module attributes {stable_mosaic.version = 14 : i64} {
  func.func @_prep_body(%arg0: memref<10000x128xf32, #tpu.memory_space<vmem>>, %arg1: memref<10000x1xi32, #tpu.memory_space<vmem>>, %arg2: memref<1x128xf32, #tpu.memory_space<vmem>>, %arg3: memref<1x128xf32, #tpu.memory_space<vmem>>, %arg4: memref<8x512xf32, #tpu.memory_space<vmem>>, %arg5: memref<512x128xf32, #tpu.memory_space<vmem>>, %arg6: memref<1x128xf32, #tpu.memory_space<vmem>>, %arg7: memref<2560x128xi32, #tpu.memory_space<vmem>>, %arg8: memref<2560x128xi32, #tpu.memory_space<vmem>>, %arg9: memref<10000x128xbf16, #tpu.memory_space<vmem>>, %arg10: memref<8x128xf32, #tpu.memory_space<vmem>>, %arg11: memref<2560x128xi32, #tpu.memory_space<vmem>>) attributes {dimension_semantics = [], scalar_prefetch = 0 : i64, scratch_operands = 0 : i64, tpu.core_type = #tpu.core_type<tc>} {
    %get3A = arith.constant 0 : index
    %get3A_0 = arith.constant 0 : index
    %get3A_1 = vector.load %arg0[%get3A, %get3A_0] : memref<10000x128xf32, #tpu.memory_space<vmem>>, vector<10000x128xf32>
    %get3A_2 = arith.constant 0 : index
    %get3A_3 = arith.constant 0 : index
    %get3A_4 = vector.load %arg1[%get3A_2, %get3A_3] : memref<10000x1xi32, #tpu.memory_space<vmem>>, vector<10000x1xi32>
    %get3A_5 = arith.constant 0 : index
    %get3A_6 = arith.constant 0 : index
    %get3A_7 = vector.load %arg2[%get3A_5, %get3A_6] : memref<1x128xf32, #tpu.memory_space<vmem>>, vector<1x128xf32>
    %get3A_8 = arith.constant 0 : index
    %get3A_9 = arith.constant 0 : index
    %get3A_10 = vector.load %arg3[%get3A_8, %get3A_9] : memref<1x128xf32, #tpu.memory_space<vmem>>, vector<1x128xf32>
    %iota3A = tpu.iota {dimensions = array<i32: 0>} : vector<128x128xi32>
    %jit3A = arith.constant 4 : i32
    %div3A = vector.broadcast %jit3A : i32 to vector<128x128xi32>
    %div3A_11 = arith.divsi %iota3A, %div3A : vector<128x128xi32>
    %sign3A = arith.constant 0 : i32
    %sign3A_12 = vector.broadcast %sign3A : i32 to vector<128x128xi32>
    %sign3A_13 = arith.cmpi sgt, %iota3A, %sign3A_12 : vector<128x128xi32>
    %sign3A_14 = arith.extui %sign3A_13 : vector<128x128xi1> to vector<128x128xi32>
    %sign3A_15 = arith.constant 0 : i32
    %sign3A_16 = vector.broadcast %sign3A_15 : i32 to vector<128x128xi32>
    %sign3A_17 = arith.cmpi slt, %iota3A, %sign3A_16 : vector<128x128xi32>
    %sign3A_18 = arith.extui %sign3A_17 : vector<128x128xi1> to vector<128x128xi32>
    %sign3A_19 = arith.subi %sign3A_14, %sign3A_18 : vector<128x128xi32>
    %sign3A_20 = arith.constant 0 : i32
    %sign3A_21 = arith.cmpi sgt, %jit3A, %sign3A_20 : i32
    %sign3A_22 = arith.extui %sign3A_21 : i1 to i32
    %sign3A_23 = arith.constant 0 : i32
    %sign3A_24 = arith.cmpi slt, %jit3A, %sign3A_23 : i32
    %sign3A_25 = arith.extui %sign3A_24 : i1 to i32
    %sign3A_26 = arith.subi %sign3A_22, %sign3A_25 : i32
    %ne3A = vector.broadcast %sign3A_26 : i32 to vector<128x128xi32>
    %ne3A_27 = arith.cmpi ne, %sign3A_19, %ne3A : vector<128x128xi32>
    %rem3A = vector.broadcast %jit3A : i32 to vector<128x128xi32>
    %rem3A_28 = arith.remsi %iota3A, %rem3A : vector<128x128xi32>
    %ne3A_29 = arith.constant 0 : i32
    %ne3A_30 = vector.broadcast %ne3A_29 : i32 to vector<128x128xi32>
    %ne3A_31 = arith.cmpi ne, %rem3A_28, %ne3A_30 : vector<128x128xi32>
    %and3A = arith.andi %ne3A_27, %ne3A_31 : vector<128x128xi1>
    %sub3A = arith.constant 1 : i32
    %sub3A_32 = vector.broadcast %sub3A : i32 to vector<128x128xi32>
    %sub3A_33 = arith.subi %div3A_11, %sub3A_32 : vector<128x128xi32>
    %select_n3A = arith.select %and3A, %sub3A_33, %div3A_11 : vector<128x128xi1>, vector<128x128xi32>
    %iota3A_34 = tpu.iota {dimensions = array<i32: 1>} : vector<128x128xi32>
    %jit3A_35 = arith.constant 4 : i32
    %div3A_36 = vector.broadcast %jit3A_35 : i32 to vector<128x128xi32>
    %div3A_37 = arith.divsi %iota3A_34, %div3A_36 : vector<128x128xi32>
    %sign3A_38 = arith.constant 0 : i32
    %sign3A_39 = vector.broadcast %sign3A_38 : i32 to vector<128x128xi32>
    %sign3A_40 = arith.cmpi sgt, %iota3A_34, %sign3A_39 : vector<128x128xi32>
    %sign3A_41 = arith.extui %sign3A_40 : vector<128x128xi1> to vector<128x128xi32>
    %sign3A_42 = arith.constant 0 : i32
    %sign3A_43 = vector.broadcast %sign3A_42 : i32 to vector<128x128xi32>
    %sign3A_44 = arith.cmpi slt, %iota3A_34, %sign3A_43 : vector<128x128xi32>
    %sign3A_45 = arith.extui %sign3A_44 : vector<128x128xi1> to vector<128x128xi32>
    %sign3A_46 = arith.subi %sign3A_41, %sign3A_45 : vector<128x128xi32>
    %sign3A_47 = arith.constant 0 : i32
    %sign3A_48 = arith.cmpi sgt, %jit3A_35, %sign3A_47 : i32
    %sign3A_49 = arith.extui %sign3A_48 : i1 to i32
    %sign3A_50 = arith.constant 0 : i32
    %sign3A_51 = arith.cmpi slt, %jit3A_35, %sign3A_50 : i32
    %sign3A_52 = arith.extui %sign3A_51 : i1 to i32
    %sign3A_53 = arith.subi %sign3A_49, %sign3A_52 : i32
    %ne3A_54 = vector.broadcast %sign3A_53 : i32 to vector<128x128xi32>
    %ne3A_55 = arith.cmpi ne, %sign3A_46, %ne3A_54 : vector<128x128xi32>
    %rem3A_56 = vector.broadcast %jit3A_35 : i32 to vector<128x128xi32>
    %rem3A_57 = arith.remsi %iota3A_34, %rem3A_56 : vector<128x128xi32>
    %ne3A_58 = arith.constant 0 : i32
    %ne3A_59 = vector.broadcast %ne3A_58 : i32 to vector<128x128xi32>
    %ne3A_60 = arith.cmpi ne, %rem3A_57, %ne3A_59 : vector<128x128xi32>
    %and3A_61 = arith.andi %ne3A_55, %ne3A_60 : vector<128x128xi1>
    %sub3A_62 = arith.constant 1 : i32
    %sub3A_63 = vector.broadcast %sub3A_62 : i32 to vector<128x128xi32>
    %sub3A_64 = arith.subi %div3A_37, %sub3A_63 : vector<128x128xi32>
    %select_n3A_65 = arith.select %and3A_61, %sub3A_64, %div3A_37 : vector<128x128xi1>, vector<128x128xi32>
    %eq3A = arith.cmpi eq, %select_n3A, %select_n3A_65 : vector<128x128xi32>
    %convert_element_type3A = arith.extui %eq3A : vector<128x128xi1> to vector<128x128xi32>
    %convert_element_type3A_66 = arith.sitofp %convert_element_type3A : vector<128x128xi32> to vector<128x128xf32>
    %eq3A_67 = arith.constant 0 : i32
    %eq3A_68 = vector.broadcast %eq3A_67 : i32 to vector<10000x1xi32>
    %eq3A_69 = arith.cmpi eq, %get3A_4, %eq3A_68 : vector<10000x1xi32>
    %jit3A_70 = arith.constant 0.000000e+00 : f32
    %broadcast_in_dim3A = vector.shape_cast %eq3A_69 : vector<10000x1xi1> to vector<10000x1xi1>
    %broadcast_in_dim3A_71 = vector.broadcast %broadcast_in_dim3A : vector<10000x1xi1> to vector<10000x128xi1>
    %broadcast_in_dim3A_72 = vector.broadcast %jit3A_70 : f32 to vector<10000x128xf32>
    %select_n3A_73 = arith.select %broadcast_in_dim3A_71, %get3A_1, %broadcast_in_dim3A_72 : vector<10000x128xi1>, vector<10000x128xf32>
    %reduce_sum3A = arith.constant dense<0.000000e+00> : vector<128xf32>
    %reduce_sum3A_74 = vector.multi_reduction <add>, %select_n3A_73, %reduce_sum3A [0] : vector<10000x128xf32> to vector<128xf32>
    %broadcast_in_dim3A_75 = vector.shape_cast %reduce_sum3A_74 : vector<128xf32> to vector<1x128xf32>
    %jit3A_76 = arith.constant 1.000000e+00 : f32
    %jit3A_77 = arith.constant 0.000000e+00 : f32
    %broadcast_in_dim3A_78 = vector.broadcast %jit3A_76 : f32 to vector<10000x1xf32>
    %broadcast_in_dim3A_79 = vector.broadcast %jit3A_77 : f32 to vector<10000x1xf32>
    %select_n3A_80 = arith.select %eq3A_69, %broadcast_in_dim3A_78, %broadcast_in_dim3A_79 : vector<10000x1xi1>, vector<10000x1xf32>
    %reduce_sum3A_81 = vector.shape_cast %select_n3A_80 : vector<10000x1xf32> to vector<1x10000x1xf32>
    %reduce_sum3A_82 = arith.constant dense<0.000000e+00> : vector<1xf32>
    %reduce_sum3A_83 = vector.multi_reduction <add>, %reduce_sum3A_81, %reduce_sum3A_82 [1, 2] : vector<1x10000x1xf32> to vector<1xf32>
    %reduce_sum3A_84 = vector.shape_cast %reduce_sum3A_83 : vector<1xf32> to vector<1x1x1xf32>
    %reduce_sum3A_85 = vector.extract %reduce_sum3A_84[0, 0, 0] : f32 from vector<1x1x1xf32>
    %mul3A = arith.constant 4.000000e+00 : f32
    %mul3A_86 = arith.mulf %reduce_sum3A_85, %mul3A : f32
    %add3A = arith.constant 9.99999974E-6 : f32
    %add3A_87 = arith.addf %mul3A_86, %add3A : f32
    %div3A_88 = arith.constant 1.000000e+00 : f32
    %div3A_89 = arith.divf %div3A_88, %add3A_87 : f32
    %eq3A_90 = arith.constant 1 : i32
    %eq3A_91 = vector.broadcast %eq3A_90 : i32 to vector<10000x1xi32>
    %eq3A_92 = arith.cmpi eq, %get3A_4, %eq3A_91 : vector<10000x1xi32>
    %jit3A_93 = arith.constant 0.000000e+00 : f32
    %broadcast_in_dim3A_94 = vector.shape_cast %eq3A_92 : vector<10000x1xi1> to vector<10000x1xi1>
    %broadcast_in_dim3A_95 = vector.broadcast %broadcast_in_dim3A_94 : vector<10000x1xi1> to vector<10000x128xi1>
    %broadcast_in_dim3A_96 = vector.broadcast %jit3A_93 : f32 to vector<10000x128xf32>
    %select_n3A_97 = arith.select %broadcast_in_dim3A_95, %get3A_1, %broadcast_in_dim3A_96 : vector<10000x128xi1>, vector<10000x128xf32>
    %reduce_sum3A_98 = arith.constant dense<0.000000e+00> : vector<128xf32>
    %reduce_sum3A_99 = vector.multi_reduction <add>, %select_n3A_97, %reduce_sum3A_98 [0] : vector<10000x128xf32> to vector<128xf32>
    %broadcast_in_dim3A_100 = vector.shape_cast %reduce_sum3A_99 : vector<128xf32> to vector<1x128xf32>
    %jit3A_101 = arith.constant 1.000000e+00 : f32
    %jit3A_102 = arith.constant 0.000000e+00 : f32
    %broadcast_in_dim3A_103 = vector.broadcast %jit3A_101 : f32 to vector<10000x1xf32>
    %broadcast_in_dim3A_104 = vector.broadcast %jit3A_102 : f32 to vector<10000x1xf32>
    %select_n3A_105 = arith.select %eq3A_92, %broadcast_in_dim3A_103, %broadcast_in_dim3A_104 : vector<10000x1xi1>, vector<10000x1xf32>
    %reduce_sum3A_106 = vector.shape_cast %select_n3A_105 : vector<10000x1xf32> to vector<1x10000x1xf32>
    %reduce_sum3A_107 = arith.constant dense<0.000000e+00> : vector<1xf32>
    %reduce_sum3A_108 = vector.multi_reduction <add>, %reduce_sum3A_106, %reduce_sum3A_107 [1, 2] : vector<1x10000x1xf32> to vector<1xf32>
    %reduce_sum3A_109 = vector.shape_cast %reduce_sum3A_108 : vector<1xf32> to vector<1x1x1xf32>
    %reduce_sum3A_110 = vector.extract %reduce_sum3A_109[0, 0, 0] : f32 from vector<1x1x1xf32>
    %mul3A_111 = arith.constant 4.000000e+00 : f32
    %mul3A_112 = arith.mulf %reduce_sum3A_110, %mul3A_111 : f32
    %add3A_113 = arith.constant 9.99999974E-6 : f32
    %add3A_114 = arith.addf %mul3A_112, %add3A_113 : f32
    %div3A_115 = arith.constant 1.000000e+00 : f32
    %div3A_116 = arith.divf %div3A_115, %add3A_114 : f32
    %eq3A_117 = arith.constant 2 : i32
    %eq3A_118 = vector.broadcast %eq3A_117 : i32 to vector<10000x1xi32>
    %eq3A_119 = arith.cmpi eq, %get3A_4, %eq3A_118 : vector<10000x1xi32>
    %jit3A_120 = arith.constant 0.000000e+00 : f32
    %broadcast_in_dim3A_121 = vector.shape_cast %eq3A_119 : vector<10000x1xi1> to vector<10000x1xi1>
    %broadcast_in_dim3A_122 = vector.broadcast %broadcast_in_dim3A_121 : vector<10000x1xi1> to vector<10000x128xi1>
    %broadcast_in_dim3A_123 = vector.broadcast %jit3A_120 : f32 to vector<10000x128xf32>
    %select_n3A_124 = arith.select %broadcast_in_dim3A_122, %get3A_1, %broadcast_in_dim3A_123 : vector<10000x128xi1>, vector<10000x128xf32>
    %reduce_sum3A_125 = arith.constant dense<0.000000e+00> : vector<128xf32>
    %reduce_sum3A_126 = vector.multi_reduction <add>, %select_n3A_124, %reduce_sum3A_125 [0] : vector<10000x128xf32> to vector<128xf32>
    %broadcast_in_dim3A_127 = vector.shape_cast %reduce_sum3A_126 : vector<128xf32> to vector<1x128xf32>
    %jit3A_128 = arith.constant 1.000000e+00 : f32
    %jit3A_129 = arith.constant 0.000000e+00 : f32
    %broadcast_in_dim3A_130 = vector.broadcast %jit3A_128 : f32 to vector<10000x1xf32>
    %broadcast_in_dim3A_131 = vector.broadcast %jit3A_129 : f32 to vector<10000x1xf32>
    %select_n3A_132 = arith.select %eq3A_119, %broadcast_in_dim3A_130, %broadcast_in_dim3A_131 : vector<10000x1xi1>, vector<10000x1xf32>
    %reduce_sum3A_133 = vector.shape_cast %select_n3A_132 : vector<10000x1xf32> to vector<1x10000x1xf32>
    %reduce_sum3A_134 = arith.constant dense<0.000000e+00> : vector<1xf32>
    %reduce_sum3A_135 = vector.multi_reduction <add>, %reduce_sum3A_133, %reduce_sum3A_134 [1, 2] : vector<1x10000x1xf32> to vector<1xf32>
    %reduce_sum3A_136 = vector.shape_cast %reduce_sum3A_135 : vector<1xf32> to vector<1x1x1xf32>
    %reduce_sum3A_137 = vector.extract %reduce_sum3A_136[0, 0, 0] : f32 from vector<1x1x1xf32>
    %mul3A_138 = arith.constant 4.000000e+00 : f32
    %mul3A_139 = arith.mulf %reduce_sum3A_137, %mul3A_138 : f32
    %add3A_140 = arith.constant 9.99999974E-6 : f32
    %add3A_141 = arith.addf %mul3A_139, %add3A_140 : f32
    %div3A_142 = arith.constant 1.000000e+00 : f32
    %div3A_143 = arith.divf %div3A_142, %add3A_141 : f32
    %eq3A_144 = arith.constant 3 : i32
    %eq3A_145 = vector.broadcast %eq3A_144 : i32 to vector<10000x1xi32>
    %eq3A_146 = arith.cmpi eq, %get3A_4, %eq3A_145 : vector<10000x1xi32>
    %jit3A_147 = arith.constant 0.000000e+00 : f32
    %broadcast_in_dim3A_148 = vector.shape_cast %eq3A_146 : vector<10000x1xi1> to vector<10000x1xi1>
    %broadcast_in_dim3A_149 = vector.broadcast %broadcast_in_dim3A_148 : vector<10000x1xi1> to vector<10000x128xi1>
    %broadcast_in_dim3A_150 = vector.broadcast %jit3A_147 : f32 to vector<10000x128xf32>
    %select_n3A_151 = arith.select %broadcast_in_dim3A_149, %get3A_1, %broadcast_in_dim3A_150 : vector<10000x128xi1>, vector<10000x128xf32>
    %reduce_sum3A_152 = arith.constant dense<0.000000e+00> : vector<128xf32>
    %reduce_sum3A_153 = vector.multi_reduction <add>, %select_n3A_151, %reduce_sum3A_152 [0] : vector<10000x128xf32> to vector<128xf32>
    %broadcast_in_dim3A_154 = vector.shape_cast %reduce_sum3A_153 : vector<128xf32> to vector<1x128xf32>
    %jit3A_155 = arith.constant 1.000000e+00 : f32
    %jit3A_156 = arith.constant 0.000000e+00 : f32
    %broadcast_in_dim3A_157 = vector.broadcast %jit3A_155 : f32 to vector<10000x1xf32>
    %broadcast_in_dim3A_158 = vector.broadcast %jit3A_156 : f32 to vector<10000x1xf32>
    %select_n3A_159 = arith.select %eq3A_146, %broadcast_in_dim3A_157, %broadcast_in_dim3A_158 : vector<10000x1xi1>, vector<10000x1xf32>
    %reduce_sum3A_160 = vector.shape_cast %select_n3A_159 : vector<10000x1xf32> to vector<1x10000x1xf32>
    %reduce_sum3A_161 = arith.constant dense<0.000000e+00> : vector<1xf32>
    %reduce_sum3A_162 = vector.multi_reduction <add>, %reduce_sum3A_160, %reduce_sum3A_161 [1, 2] : vector<1x10000x1xf32> to vector<1xf32>
    %reduce_sum3A_163 = vector.shape_cast %reduce_sum3A_162 : vector<1xf32> to vector<1x1x1xf32>
    %reduce_sum3A_164 = vector.extract %reduce_sum3A_163[0, 0, 0] : f32 from vector<1x1x1xf32>
    %mul3A_165 = arith.constant 4.000000e+00 : f32
    %mul3A_166 = arith.mulf %reduce_sum3A_164, %mul3A_165 : f32
    %add3A_167 = arith.constant 9.99999974E-6 : f32
    %add3A_168 = arith.addf %mul3A_166, %add3A_167 : f32
    %div3A_169 = arith.constant 1.000000e+00 : f32
    %div3A_170 = arith.divf %div3A_169, %add3A_168 : f32
    %concatenate3A = tpu.concatenate %broadcast_in_dim3A_75, %broadcast_in_dim3A_100, %broadcast_in_dim3A_127, %broadcast_in_dim3A_154 in 0 : vector<1x128xf32>, vector<1x128xf32>, vector<1x128xf32>, vector<1x128xf32> -> vector<4x128xf32>
    %dot_general3A = arith.constant dense<0.000000e+00> : vector<4x128xf32>
    %dot_general3A_171 = tpu.matmul %concatenate3A, %convert_element_type3A_66, %dot_general3A {dimension_numbers = #tpu.dot_dimension_numbers<[1], [0], [0], [1], [0, 0, 1, 1], [], []>, transpose_lhs_hint = false} : vector<4x128xf32>, vector<128x128xf32>, vector<4x128xf32> -> vector<4x128xf32>
    %slice3A = vector.extract_strided_slice %dot_general3A_171 {offsets = [3, 0], sizes = [1, 128], strides = [1, 1]} : vector<4x128xf32> to vector<1x128xf32>
    %mul3A_172 = vector.broadcast %div3A_170 : f32 to vector<1x128xf32>
    %mul3A_173 = arith.mulf %slice3A, %mul3A_172 : vector<1x128xf32>
    %eq3A_174 = arith.constant 2 : i32
    %eq3A_175 = vector.broadcast %eq3A_174 : i32 to vector<10000x1xi32>
    %eq3A_176 = arith.cmpi eq, %get3A_4, %eq3A_175 : vector<10000x1xi32>
    %slice3A_177 = vector.extract_strided_slice %dot_general3A_171 {offsets = [2, 0], sizes = [1, 128], strides = [1, 1]} : vector<4x128xf32> to vector<1x128xf32>
    %mul3A_178 = vector.broadcast %div3A_143 : f32 to vector<1x128xf32>
    %mul3A_179 = arith.mulf %slice3A_177, %mul3A_178 : vector<1x128xf32>
    %broadcast_in_dim3A_180 = vector.shape_cast %eq3A_176 : vector<10000x1xi1> to vector<10000x1xi1>
    %broadcast_in_dim3A_181 = vector.broadcast %broadcast_in_dim3A_180 : vector<10000x1xi1> to vector<10000x128xi1>
    %broadcast_in_dim3A_182 = vector.shape_cast %mul3A_179 : vector<1x128xf32> to vector<1x128xf32>
    %broadcast_in_dim3A_183 = vector.broadcast %broadcast_in_dim3A_182 : vector<1x128xf32> to vector<10000x128xf32>
    %broadcast_in_dim3A_184 = vector.shape_cast %mul3A_173 : vector<1x128xf32> to vector<1x128xf32>
    %broadcast_in_dim3A_185 = vector.broadcast %broadcast_in_dim3A_184 : vector<1x128xf32> to vector<10000x128xf32>
    %select_n3A_186 = arith.select %broadcast_in_dim3A_181, %broadcast_in_dim3A_183, %broadcast_in_dim3A_185 : vector<10000x128xi1>, vector<10000x128xf32>
    %eq3A_187 = arith.constant 1 : i32
    %eq3A_188 = vector.broadcast %eq3A_187 : i32 to vector<10000x1xi32>
    %eq3A_189 = arith.cmpi eq, %get3A_4, %eq3A_188 : vector<10000x1xi32>
    %slice3A_190 = vector.extract_strided_slice %dot_general3A_171 {offsets = [1, 0], sizes = [1, 128], strides = [1, 1]} : vector<4x128xf32> to vector<1x128xf32>
    %mul3A_191 = vector.broadcast %div3A_116 : f32 to vector<1x128xf32>
    %mul3A_192 = arith.mulf %slice3A_190, %mul3A_191 : vector<1x128xf32>
    %broadcast_in_dim3A_193 = vector.shape_cast %eq3A_189 : vector<10000x1xi1> to vector<10000x1xi1>
    %broadcast_in_dim3A_194 = vector.broadcast %broadcast_in_dim3A_193 : vector<10000x1xi1> to vector<10000x128xi1>
    %broadcast_in_dim3A_195 = vector.shape_cast %mul3A_192 : vector<1x128xf32> to vector<1x128xf32>
    %broadcast_in_dim3A_196 = vector.broadcast %broadcast_in_dim3A_195 : vector<1x128xf32> to vector<10000x128xf32>
    %select_n3A_197 = arith.select %broadcast_in_dim3A_194, %broadcast_in_dim3A_196, %select_n3A_186 : vector<10000x128xi1>, vector<10000x128xf32>
    %eq3A_198 = arith.constant 0 : i32
    %eq3A_199 = vector.broadcast %eq3A_198 : i32 to vector<10000x1xi32>
    %eq3A_200 = arith.cmpi eq, %get3A_4, %eq3A_199 : vector<10000x1xi32>
    %slice3A_201 = vector.extract_strided_slice %dot_general3A_171 {offsets = [0, 0], sizes = [1, 128], strides = [1, 1]} : vector<4x128xf32> to vector<1x128xf32>
    %mul3A_202 = vector.broadcast %div3A_89 : f32 to vector<1x128xf32>
    %mul3A_203 = arith.mulf %slice3A_201, %mul3A_202 : vector<1x128xf32>
    %broadcast_in_dim3A_204 = vector.shape_cast %eq3A_200 : vector<10000x1xi1> to vector<10000x1xi1>
    %broadcast_in_dim3A_205 = vector.broadcast %broadcast_in_dim3A_204 : vector<10000x1xi1> to vector<10000x128xi1>
    %broadcast_in_dim3A_206 = vector.shape_cast %mul3A_203 : vector<1x128xf32> to vector<1x128xf32>
    %broadcast_in_dim3A_207 = vector.broadcast %broadcast_in_dim3A_206 : vector<1x128xf32> to vector<10000x128xf32>
    %select_n3A_208 = arith.select %broadcast_in_dim3A_205, %broadcast_in_dim3A_207, %select_n3A_197 : vector<10000x128xi1>, vector<10000x128xf32>
    %sub3A_209 = arith.subf %get3A_1, %select_n3A_208 : vector<10000x128xf32>
    %mul3A_210 = arith.mulf %sub3A_209, %sub3A_209 : vector<10000x128xf32>
    %eq3A_211 = arith.constant 0 : i32
    %eq3A_212 = vector.broadcast %eq3A_211 : i32 to vector<10000x1xi32>
    %eq3A_213 = arith.cmpi eq, %get3A_4, %eq3A_212 : vector<10000x1xi32>
    %jit3A_214 = arith.constant 0.000000e+00 : f32
    %broadcast_in_dim3A_215 = vector.shape_cast %eq3A_213 : vector<10000x1xi1> to vector<10000x1xi1>
    %broadcast_in_dim3A_216 = vector.broadcast %broadcast_in_dim3A_215 : vector<10000x1xi1> to vector<10000x128xi1>
    %broadcast_in_dim3A_217 = vector.broadcast %jit3A_214 : f32 to vector<10000x128xf32>
    %select_n3A_218 = arith.select %broadcast_in_dim3A_216, %mul3A_210, %broadcast_in_dim3A_217 : vector<10000x128xi1>, vector<10000x128xf32>
    %reduce_sum3A_219 = arith.constant dense<0.000000e+00> : vector<128xf32>
    %reduce_sum3A_220 = vector.multi_reduction <add>, %select_n3A_218, %reduce_sum3A_219 [0] : vector<10000x128xf32> to vector<128xf32>
    %broadcast_in_dim3A_221 = vector.shape_cast %reduce_sum3A_220 : vector<128xf32> to vector<1x128xf32>
    %eq3A_222 = arith.constant 1 : i32
    %eq3A_223 = vector.broadcast %eq3A_222 : i32 to vector<10000x1xi32>
    %eq3A_224 = arith.cmpi eq, %get3A_4, %eq3A_223 : vector<10000x1xi32>
    %jit3A_225 = arith.constant 0.000000e+00 : f32
    %broadcast_in_dim3A_226 = vector.shape_cast %eq3A_224 : vector<10000x1xi1> to vector<10000x1xi1>
    %broadcast_in_dim3A_227 = vector.broadcast %broadcast_in_dim3A_226 : vector<10000x1xi1> to vector<10000x128xi1>
    %broadcast_in_dim3A_228 = vector.broadcast %jit3A_225 : f32 to vector<10000x128xf32>
    %select_n3A_229 = arith.select %broadcast_in_dim3A_227, %mul3A_210, %broadcast_in_dim3A_228 : vector<10000x128xi1>, vector<10000x128xf32>
    %reduce_sum3A_230 = arith.constant dense<0.000000e+00> : vector<128xf32>
    %reduce_sum3A_231 = vector.multi_reduction <add>, %select_n3A_229, %reduce_sum3A_230 [0] : vector<10000x128xf32> to vector<128xf32>
    %broadcast_in_dim3A_232 = vector.shape_cast %reduce_sum3A_231 : vector<128xf32> to vector<1x128xf32>
    %eq3A_233 = arith.constant 2 : i32
    %eq3A_234 = vector.broadcast %eq3A_233 : i32 to vector<10000x1xi32>
    %eq3A_235 = arith.cmpi eq, %get3A_4, %eq3A_234 : vector<10000x1xi32>
    %jit3A_236 = arith.constant 0.000000e+00 : f32
    %broadcast_in_dim3A_237 = vector.shape_cast %eq3A_235 : vector<10000x1xi1> to vector<10000x1xi1>
    %broadcast_in_dim3A_238 = vector.broadcast %broadcast_in_dim3A_237 : vector<10000x1xi1> to vector<10000x128xi1>
    %broadcast_in_dim3A_239 = vector.broadcast %jit3A_236 : f32 to vector<10000x128xf32>
    %select_n3A_240 = arith.select %broadcast_in_dim3A_238, %mul3A_210, %broadcast_in_dim3A_239 : vector<10000x128xi1>, vector<10000x128xf32>
    %reduce_sum3A_241 = arith.constant dense<0.000000e+00> : vector<128xf32>
    %reduce_sum3A_242 = vector.multi_reduction <add>, %select_n3A_240, %reduce_sum3A_241 [0] : vector<10000x128xf32> to vector<128xf32>
    %broadcast_in_dim3A_243 = vector.shape_cast %reduce_sum3A_242 : vector<128xf32> to vector<1x128xf32>
    %eq3A_244 = arith.constant 3 : i32
    %eq3A_245 = vector.broadcast %eq3A_244 : i32 to vector<10000x1xi32>
    %eq3A_246 = arith.cmpi eq, %get3A_4, %eq3A_245 : vector<10000x1xi32>
    %jit3A_247 = arith.constant 0.000000e+00 : f32
    %broadcast_in_dim3A_248 = vector.shape_cast %eq3A_246 : vector<10000x1xi1> to vector<10000x1xi1>
    %broadcast_in_dim3A_249 = vector.broadcast %broadcast_in_dim3A_248 : vector<10000x1xi1> to vector<10000x128xi1>
    %broadcast_in_dim3A_250 = vector.broadcast %jit3A_247 : f32 to vector<10000x128xf32>
    %select_n3A_251 = arith.select %broadcast_in_dim3A_249, %mul3A_210, %broadcast_in_dim3A_250 : vector<10000x128xi1>, vector<10000x128xf32>
    %reduce_sum3A_252 = arith.constant dense<0.000000e+00> : vector<128xf32>
    %reduce_sum3A_253 = vector.multi_reduction <add>, %select_n3A_251, %reduce_sum3A_252 [0] : vector<10000x128xf32> to vector<128xf32>
    %broadcast_in_dim3A_254 = vector.shape_cast %reduce_sum3A_253 : vector<128xf32> to vector<1x128xf32>
    %concatenate3A_255 = tpu.concatenate %broadcast_in_dim3A_221, %broadcast_in_dim3A_232, %broadcast_in_dim3A_243, %broadcast_in_dim3A_254 in 0 : vector<1x128xf32>, vector<1x128xf32>, vector<1x128xf32>, vector<1x128xf32> -> vector<4x128xf32>
    %dot_general3A_256 = arith.constant dense<0.000000e+00> : vector<4x128xf32>
    %dot_general3A_257 = tpu.matmul %concatenate3A_255, %convert_element_type3A_66, %dot_general3A_256 {dimension_numbers = #tpu.dot_dimension_numbers<[1], [0], [0], [1], [0, 0, 1, 1], [], []>, transpose_lhs_hint = false} : vector<4x128xf32>, vector<128x128xf32>, vector<4x128xf32> -> vector<4x128xf32>
    %slice3A_258 = vector.extract_strided_slice %dot_general3A_257 {offsets = [3, 0], sizes = [1, 128], strides = [1, 1]} : vector<4x128xf32> to vector<1x128xf32>
    %mul3A_259 = vector.broadcast %div3A_170 : f32 to vector<1x128xf32>
    %mul3A_260 = arith.mulf %slice3A_258, %mul3A_259 : vector<1x128xf32>
    %add3A_261 = arith.constant 9.99999974E-6 : f32
    %add3A_262 = vector.broadcast %add3A_261 : f32 to vector<1x128xf32>
    %add3A_263 = arith.addf %mul3A_260, %add3A_262 : vector<1x128xf32>
    %rsqrt3A = math.rsqrt %add3A_263 : vector<1x128xf32>
    %eq3A_264 = arith.constant 2 : i32
    %eq3A_265 = vector.broadcast %eq3A_264 : i32 to vector<10000x1xi32>
    %eq3A_266 = arith.cmpi eq, %get3A_4, %eq3A_265 : vector<10000x1xi32>
    %slice3A_267 = vector.extract_strided_slice %dot_general3A_257 {offsets = [2, 0], sizes = [1, 128], strides = [1, 1]} : vector<4x128xf32> to vector<1x128xf32>
    %mul3A_268 = vector.broadcast %div3A_143 : f32 to vector<1x128xf32>
    %mul3A_269 = arith.mulf %slice3A_267, %mul3A_268 : vector<1x128xf32>
    %add3A_270 = arith.constant 9.99999974E-6 : f32
    %add3A_271 = vector.broadcast %add3A_270 : f32 to vector<1x128xf32>
    %add3A_272 = arith.addf %mul3A_269, %add3A_271 : vector<1x128xf32>
    %rsqrt3A_273 = math.rsqrt %add3A_272 : vector<1x128xf32>
    %broadcast_in_dim3A_274 = vector.shape_cast %eq3A_266 : vector<10000x1xi1> to vector<10000x1xi1>
    %broadcast_in_dim3A_275 = vector.broadcast %broadcast_in_dim3A_274 : vector<10000x1xi1> to vector<10000x128xi1>
    %broadcast_in_dim3A_276 = vector.shape_cast %rsqrt3A_273 : vector<1x128xf32> to vector<1x128xf32>
    %broadcast_in_dim3A_277 = vector.broadcast %broadcast_in_dim3A_276 : vector<1x128xf32> to vector<10000x128xf32>
    %broadcast_in_dim3A_278 = vector.shape_cast %rsqrt3A : vector<1x128xf32> to vector<1x128xf32>
    %broadcast_in_dim3A_279 = vector.broadcast %broadcast_in_dim3A_278 : vector<1x128xf32> to vector<10000x128xf32>
    %select_n3A_280 = arith.select %broadcast_in_dim3A_275, %broadcast_in_dim3A_277, %broadcast_in_dim3A_279 : vector<10000x128xi1>, vector<10000x128xf32>
    %eq3A_281 = arith.constant 1 : i32
    %eq3A_282 = vector.broadcast %eq3A_281 : i32 to vector<10000x1xi32>
    %eq3A_283 = arith.cmpi eq, %get3A_4, %eq3A_282 : vector<10000x1xi32>
    %slice3A_284 = vector.extract_strided_slice %dot_general3A_257 {offsets = [1, 0], sizes = [1, 128], strides = [1, 1]} : vector<4x128xf32> to vector<1x128xf32>
    %mul3A_285 = vector.broadcast %div3A_116 : f32 to vector<1x128xf32>
    %mul3A_286 = arith.mulf %slice3A_284, %mul3A_285 : vector<1x128xf32>
    %add3A_287 = arith.constant 9.99999974E-6 : f32
    %add3A_288 = vector.broadcast %add3A_287 : f32 to vector<1x128xf32>
    %add3A_289 = arith.addf %mul3A_286, %add3A_288 : vector<1x128xf32>
    %rsqrt3A_290 = math.rsqrt %add3A_289 : vector<1x128xf32>
    %broadcast_in_dim3A_291 = vector.shape_cast %eq3A_283 : vector<10000x1xi1> to vector<10000x1xi1>
    %broadcast_in_dim3A_292 = vector.broadcast %broadcast_in_dim3A_291 : vector<10000x1xi1> to vector<10000x128xi1>
    %broadcast_in_dim3A_293 = vector.shape_cast %rsqrt3A_290 : vector<1x128xf32> to vector<1x128xf32>
    %broadcast_in_dim3A_294 = vector.broadcast %broadcast_in_dim3A_293 : vector<1x128xf32> to vector<10000x128xf32>
    %select_n3A_295 = arith.select %broadcast_in_dim3A_292, %broadcast_in_dim3A_294, %select_n3A_280 : vector<10000x128xi1>, vector<10000x128xf32>
    %eq3A_296 = arith.constant 0 : i32
    %eq3A_297 = vector.broadcast %eq3A_296 : i32 to vector<10000x1xi32>
    %eq3A_298 = arith.cmpi eq, %get3A_4, %eq3A_297 : vector<10000x1xi32>
    %slice3A_299 = vector.extract_strided_slice %dot_general3A_257 {offsets = [0, 0], sizes = [1, 128], strides = [1, 1]} : vector<4x128xf32> to vector<1x128xf32>
    %mul3A_300 = vector.broadcast %div3A_89 : f32 to vector<1x128xf32>
    %mul3A_301 = arith.mulf %slice3A_299, %mul3A_300 : vector<1x128xf32>
    %add3A_302 = arith.constant 9.99999974E-6 : f32
    %add3A_303 = vector.broadcast %add3A_302 : f32 to vector<1x128xf32>
    %add3A_304 = arith.addf %mul3A_301, %add3A_303 : vector<1x128xf32>
    %rsqrt3A_305 = math.rsqrt %add3A_304 : vector<1x128xf32>
    %broadcast_in_dim3A_306 = vector.shape_cast %eq3A_298 : vector<10000x1xi1> to vector<10000x1xi1>
    %broadcast_in_dim3A_307 = vector.broadcast %broadcast_in_dim3A_306 : vector<10000x1xi1> to vector<10000x128xi1>
    %broadcast_in_dim3A_308 = vector.shape_cast %rsqrt3A_305 : vector<1x128xf32> to vector<1x128xf32>
    %broadcast_in_dim3A_309 = vector.broadcast %broadcast_in_dim3A_308 : vector<1x128xf32> to vector<10000x128xf32>
    %select_n3A_310 = arith.select %broadcast_in_dim3A_307, %broadcast_in_dim3A_309, %select_n3A_295 : vector<10000x128xi1>, vector<10000x128xf32>
    %mul3A_311 = arith.mulf %sub3A_209, %select_n3A_310 : vector<10000x128xf32>
    %mul3A_312 = vector.broadcast %get3A_7 : vector<1x128xf32> to vector<10000x128xf32>
    %mul3A_313 = arith.mulf %mul3A_311, %mul3A_312 : vector<10000x128xf32>
    %add3A_314 = vector.broadcast %get3A_10 : vector<1x128xf32> to vector<10000x128xf32>
    %add3A_315 = arith.addf %mul3A_313, %add3A_314 : vector<10000x128xf32>
    %logistic3A = arith.negf %add3A_315 : vector<10000x128xf32>
    %logistic3A_316 = math.exp %logistic3A : vector<10000x128xf32>
    %logistic3A_317 = arith.constant 1.000000e+00 : f32
    %logistic3A_318 = vector.broadcast %logistic3A_317 : f32 to vector<10000x128xf32>
    %logistic3A_319 = arith.addf %logistic3A_318, %logistic3A_316 : vector<10000x128xf32>
    %logistic3A_320 = arith.divf %logistic3A_318, %logistic3A_319 : vector<10000x128xf32>
    %mul3A_321 = arith.mulf %add3A_315, %logistic3A_320 : vector<10000x128xf32>
    %convert_element_type3A_322 = arith.truncf %mul3A_321 : vector<10000x128xf32> to vector<10000x128xbf16>
    %swap3A = arith.constant 0 : index
    %swap3A_323 = arith.constant 0 : index
    %swap3A_324 = vector.load %arg9[%swap3A, %swap3A_323] : memref<10000x128xbf16, #tpu.memory_space<vmem>>, vector<10000x128xbf16>
    tpu.vector_store %arg9[%swap3A, %swap3A_323], %convert_element_type3A_322 {strides = array<i32>} : memref<10000x128xbf16, #tpu.memory_space<vmem>>, vector<10000x128xbf16>,
    %get3A_325 = arith.constant 0 : index
    %get3A_326 = arith.constant 0 : index
    %get3A_327 = vector.load %arg4[%get3A_325, %get3A_326] : memref<8x512xf32, #tpu.memory_space<vmem>>, vector<8x512xf32>
    %logistic3A_328 = arith.negf %get3A_327 : vector<8x512xf32>
    %logistic3A_329 = math.exp %logistic3A_328 : vector<8x512xf32>
    %logistic3A_330 = arith.constant 1.000000e+00 : f32
    %logistic3A_331 = vector.broadcast %logistic3A_330 : f32 to vector<8x512xf32>
    %logistic3A_332 = arith.addf %logistic3A_331, %logistic3A_329 : vector<8x512xf32>
    %logistic3A_333 = arith.divf %logistic3A_331, %logistic3A_332 : vector<8x512xf32>
    %mul3A_334 = arith.mulf %get3A_327, %logistic3A_333 : vector<8x512xf32>
    %get3A_335 = arith.constant 0 : index
    %get3A_336 = arith.constant 0 : index
    %get3A_337 = vector.load %arg5[%get3A_335, %get3A_336] : memref<512x128xf32, #tpu.memory_space<vmem>>, vector<512x128xf32>
    %dot_general3A_338 = arith.constant dense<0.000000e+00> : vector<8x128xf32>
    %dot_general3A_339 = tpu.matmul %mul3A_334, %get3A_337, %dot_general3A_338 {dimension_numbers = #tpu.dot_dimension_numbers<[1], [0], [0], [1], [0, 0, 1, 1], [], []>, transpose_lhs_hint = false} : vector<8x512xf32>, vector<512x128xf32>, vector<8x128xf32> -> vector<8x128xf32>
    %get3A_340 = arith.constant 0 : index
    %get3A_341 = arith.constant 0 : index
    %get3A_342 = vector.load %arg6[%get3A_340, %get3A_341] : memref<1x128xf32, #tpu.memory_space<vmem>>, vector<1x128xf32>
    %add3A_343 = vector.broadcast %get3A_342 : vector<1x128xf32> to vector<8x128xf32>
    %add3A_344 = arith.addf %dot_general3A_339, %add3A_343 : vector<8x128xf32>
    %swap3A_345 = arith.constant 0 : index
    %swap3A_346 = arith.constant 0 : index
    %swap3A_347 = vector.load %arg10[%swap3A_345, %swap3A_346] : memref<8x128xf32, #tpu.memory_space<vmem>>, vector<8x128xf32>
    tpu.vector_store %arg10[%swap3A_345, %swap3A_346], %add3A_344 {strides = array<i32>} : memref<8x128xf32, #tpu.memory_space<vmem>>, vector<8x128xf32>,
    %get3A_348 = arith.constant 0 : index
    %get3A_349 = arith.constant 0 : index
    %get3A_350 = vector.load %arg7[%get3A_348, %get3A_349] : memref<2560x128xi32, #tpu.memory_space<vmem>>, vector<2560x128xi32>
    %mul3A_351 = arith.constant 7 : i32
    %mul3A_352 = vector.broadcast %mul3A_351 : i32 to vector<2560x128xi32>
    %mul3A_353 = arith.muli %get3A_350, %mul3A_352 : vector<2560x128xi32>
    %get3A_354 = arith.constant 0 : index
    %get3A_355 = arith.constant 0 : index
    %get3A_356 = vector.load %arg8[%get3A_354, %get3A_355] : memref<2560x128xi32, #tpu.memory_space<vmem>>, vector<2560x128xi32>
    %add3A_357 = arith.addi %mul3A_353, %get3A_356 : vector<2560x128xi32>
    %swap3A_358 = arith.constant 0 : index
    %swap3A_359 = arith.constant 0 : index
    %swap3A_360 = vector.load %arg11[%swap3A_358, %swap3A_359] : memref<2560x128xi32, #tpu.memory_space<vmem>>, vector<2560x128xi32>
    tpu.vector_store %arg11[%swap3A_358, %swap3A_359], %add3A_357 {strides = array<i32>} : memref<2560x128xi32, #tpu.memory_space<vmem>>, vector<2560x128xi32>,
    return
  }
}

module attributes {stable_mosaic.version = 14 : i64} {
  func.func @_mm_body(%arg0: i32, %arg1: memref<2000x128xbf16, #tpu.memory_space<vmem>>, %arg2: memref<128x896xbf16, #tpu.memory_space<vmem>>, %arg3: memref<2000x896xf32, #tpu.memory_space<vmem>>) attributes {dimension_semantics = [#tpu.dimension_semantics<arbitrary>], iteration_bounds = array<i64: 5>, scalar_prefetch = 0 : i64, scratch_operands = 0 : i64, tpu.core_type = #tpu.core_type<tc>, window_params = [{transform_indices = @transform_0, window_bounds = array<i64: 2000, 128>}, {pipeline_mode = #tpu.pipeline_mode<synchronous>, transform_indices = @transform_1, window_bounds = array<i64: 128, 896>}, {transform_indices = @transform_2, window_bounds = array<i64: 2000, 896>}]} {
    %get3A = arith.constant 0 : index
    %get3A_0 = arith.constant 0 : index
    %get3A_1 = vector.load %arg1[%get3A, %get3A_0] : memref<2000x128xbf16, #tpu.memory_space<vmem>>, vector<2000x128xbf16>
    %get3A_2 = arith.constant 0 : index
    %get3A_3 = arith.constant 0 : index
    %get3A_4 = vector.load %arg2[%get3A_2, %get3A_3] : memref<128x896xbf16, #tpu.memory_space<vmem>>, vector<128x896xbf16>
    %dot_general3A = arith.constant dense<0.000000e+00> : vector<2000x896xf32>
    %dot_general3A_5 = tpu.matmul %get3A_1, %get3A_4, %dot_general3A {dimension_numbers = #tpu.dot_dimension_numbers<[1], [0], [0], [1], [0, 0, 1, 1], [], []>, transpose_lhs_hint = false} : vector<2000x128xbf16>, vector<128x896xbf16>, vector<2000x896xf32> -> vector<2000x896xf32>
    %swap3A = arith.constant 0 : index
    %swap3A_6 = arith.constant 0 : index
    %swap3A_7 = vector.load %arg3[%swap3A, %swap3A_6] : memref<2000x896xf32, #tpu.memory_space<vmem>>, vector<2000x896xf32>
    tpu.vector_store %arg3[%swap3A, %swap3A_6], %dot_general3A_5 {strides = array<i32>} : memref<2000x896xf32, #tpu.memory_space<vmem>>, vector<2000x896xf32>,
    return
  }
  func.func @transform_0(%arg0: i32) -> (i32, i32) {
    %c0_i32 = arith.constant 0 : i32
    %c0_i32_0 = arith.constant 0 : i32
    return %arg0, %c0_i32 : i32, i32
  }
  func.func @transform_1(%arg0: i32) -> (i32, i32) {
    %c0_i32 = arith.constant 0 : i32
    %c0_i32_0 = arith.constant 0 : i32
    %c0_i32_1 = arith.constant 0 : i32
    return %c0_i32, %c0_i32_0 : i32, i32
  }
  func.func @transform_2(%arg0: i32) -> (i32, i32) {
    %c0_i32 = arith.constant 0 : i32
    %c0_i32_0 = arith.constant 0 : i32
    return %arg0, %c0_i32 : i32, i32
  }
}

module attributes {stable_mosaic.version = 14 : i64} {
  func.func @_mid_body(%arg0: memref<10000x128xf32, #tpu.memory_space<vmem>>, %arg1: memref<10000x128xf32, #tpu.memory_space<vmem>>, %arg2: memref<8x128xf32, #tpu.memory_space<vmem>>, %arg3: memref<10000x1xi32, #tpu.memory_space<vmem>>, %arg4: memref<1x128xf32, #tpu.memory_space<vmem>>, %arg5: memref<1x128xf32, #tpu.memory_space<vmem>>, %arg6: memref<10000x128xbf16, #tpu.memory_space<vmem>>) attributes {dimension_semantics = [], scalar_prefetch = 0 : i64, scratch_operands = 0 : i64, tpu.core_type = #tpu.core_type<tc>} {
    %get3A = arith.constant 0 : index
    %get3A_0 = arith.constant 0 : index
    %get3A_1 = vector.load %arg3[%get3A, %get3A_0] : memref<10000x1xi32, #tpu.memory_space<vmem>>, vector<10000x1xi32>
    %get3A_2 = arith.constant 0 : index
    %get3A_3 = arith.constant 0 : index
    %get3A_4 = vector.load %arg0[%get3A_2, %get3A_3] : memref<10000x128xf32, #tpu.memory_space<vmem>>, vector<10000x128xf32>
    %get3A_5 = arith.constant 0 : index
    %get3A_6 = arith.constant 0 : index
    %get3A_7 = vector.load %arg1[%get3A_5, %get3A_6] : memref<10000x128xf32, #tpu.memory_space<vmem>>, vector<10000x128xf32>
    %add3A = arith.addf %get3A_4, %get3A_7 : vector<10000x128xf32>
    %mul3A = arith.constant 3.125000e-02 : f32
    %mul3A_8 = vector.broadcast %mul3A : f32 to vector<10000x128xf32>
    %mul3A_9 = arith.mulf %add3A, %mul3A_8 : vector<10000x128xf32>
    %get3A_10 = arith.constant 0 : index
    %get3A_11 = arith.constant 0 : index
    %get3A_12 = vector.load %arg2[%get3A_10, %get3A_11] : memref<8x128xf32, #tpu.memory_space<vmem>>, vector<8x128xf32>
    %slice3A = vector.extract_strided_slice %get3A_12 {offsets = [3, 0], sizes = [1, 128], strides = [1, 1]} : vector<8x128xf32> to vector<1x128xf32>
    %eq3A = arith.constant 2 : i32
    %eq3A_13 = vector.broadcast %eq3A : i32 to vector<10000x1xi32>
    %eq3A_14 = arith.cmpi eq, %get3A_1, %eq3A_13 : vector<10000x1xi32>
    %slice3A_15 = vector.extract_strided_slice %get3A_12 {offsets = [2, 0], sizes = [1, 128], strides = [1, 1]} : vector<8x128xf32> to vector<1x128xf32>
    %broadcast_in_dim3A = vector.shape_cast %eq3A_14 : vector<10000x1xi1> to vector<10000x1xi1>
    %broadcast_in_dim3A_16 = vector.broadcast %broadcast_in_dim3A : vector<10000x1xi1> to vector<10000x128xi1>
    %broadcast_in_dim3A_17 = vector.shape_cast %slice3A_15 : vector<1x128xf32> to vector<1x128xf32>
    %broadcast_in_dim3A_18 = vector.broadcast %broadcast_in_dim3A_17 : vector<1x128xf32> to vector<10000x128xf32>
    %broadcast_in_dim3A_19 = vector.shape_cast %slice3A : vector<1x128xf32> to vector<1x128xf32>
    %broadcast_in_dim3A_20 = vector.broadcast %broadcast_in_dim3A_19 : vector<1x128xf32> to vector<10000x128xf32>
    %select_n3A = arith.select %broadcast_in_dim3A_16, %broadcast_in_dim3A_18, %broadcast_in_dim3A_20 : vector<10000x128xi1>, vector<10000x128xf32>
    %eq3A_21 = arith.constant 1 : i32
    %eq3A_22 = vector.broadcast %eq3A_21 : i32 to vector<10000x1xi32>
    %eq3A_23 = arith.cmpi eq, %get3A_1, %eq3A_22 : vector<10000x1xi32>
    %slice3A_24 = vector.extract_strided_slice %get3A_12 {offsets = [1, 0], sizes = [1, 128], strides = [1, 1]} : vector<8x128xf32> to vector<1x128xf32>
    %broadcast_in_dim3A_25 = vector.shape_cast %eq3A_23 : vector<10000x1xi1> to vector<10000x1xi1>
    %broadcast_in_dim3A_26 = vector.broadcast %broadcast_in_dim3A_25 : vector<10000x1xi1> to vector<10000x128xi1>
    %broadcast_in_dim3A_27 = vector.shape_cast %slice3A_24 : vector<1x128xf32> to vector<1x128xf32>
    %broadcast_in_dim3A_28 = vector.broadcast %broadcast_in_dim3A_27 : vector<1x128xf32> to vector<10000x128xf32>
    %select_n3A_29 = arith.select %broadcast_in_dim3A_26, %broadcast_in_dim3A_28, %select_n3A : vector<10000x128xi1>, vector<10000x128xf32>
    %eq3A_30 = arith.constant 0 : i32
    %eq3A_31 = vector.broadcast %eq3A_30 : i32 to vector<10000x1xi32>
    %eq3A_32 = arith.cmpi eq, %get3A_1, %eq3A_31 : vector<10000x1xi32>
    %slice3A_33 = vector.extract_strided_slice %get3A_12 {offsets = [0, 0], sizes = [1, 128], strides = [1, 1]} : vector<8x128xf32> to vector<1x128xf32>
    %broadcast_in_dim3A_34 = vector.shape_cast %eq3A_32 : vector<10000x1xi1> to vector<10000x1xi1>
    %broadcast_in_dim3A_35 = vector.broadcast %broadcast_in_dim3A_34 : vector<10000x1xi1> to vector<10000x128xi1>
    %broadcast_in_dim3A_36 = vector.shape_cast %slice3A_33 : vector<1x128xf32> to vector<1x128xf32>
    %broadcast_in_dim3A_37 = vector.broadcast %broadcast_in_dim3A_36 : vector<1x128xf32> to vector<10000x128xf32>
    %select_n3A_38 = arith.select %broadcast_in_dim3A_35, %broadcast_in_dim3A_37, %select_n3A_29 : vector<10000x128xi1>, vector<10000x128xf32>
    %add3A_39 = arith.addf %mul3A_9, %select_n3A_38 : vector<10000x128xf32>
    %get3A_40 = arith.constant 0 : index
    %get3A_41 = arith.constant 0 : index
    %get3A_42 = vector.load %arg4[%get3A_40, %get3A_41] : memref<1x128xf32, #tpu.memory_space<vmem>>, vector<1x128xf32>
    %get3A_43 = arith.constant 0 : index
    %get3A_44 = arith.constant 0 : index
    %get3A_45 = vector.load %arg5[%get3A_43, %get3A_44] : memref<1x128xf32, #tpu.memory_space<vmem>>, vector<1x128xf32>
    %iota3A = tpu.iota {dimensions = array<i32: 0>} : vector<128x128xi32>
    %jit3A = arith.constant 4 : i32
    %div3A = vector.broadcast %jit3A : i32 to vector<128x128xi32>
    %div3A_46 = arith.divsi %iota3A, %div3A : vector<128x128xi32>
    %sign3A = arith.constant 0 : i32
    %sign3A_47 = vector.broadcast %sign3A : i32 to vector<128x128xi32>
    %sign3A_48 = arith.cmpi sgt, %iota3A, %sign3A_47 : vector<128x128xi32>
    %sign3A_49 = arith.extui %sign3A_48 : vector<128x128xi1> to vector<128x128xi32>
    %sign3A_50 = arith.constant 0 : i32
    %sign3A_51 = vector.broadcast %sign3A_50 : i32 to vector<128x128xi32>
    %sign3A_52 = arith.cmpi slt, %iota3A, %sign3A_51 : vector<128x128xi32>
    %sign3A_53 = arith.extui %sign3A_52 : vector<128x128xi1> to vector<128x128xi32>
    %sign3A_54 = arith.subi %sign3A_49, %sign3A_53 : vector<128x128xi32>
    %sign3A_55 = arith.constant 0 : i32
    %sign3A_56 = arith.cmpi sgt, %jit3A, %sign3A_55 : i32
    %sign3A_57 = arith.extui %sign3A_56 : i1 to i32
    %sign3A_58 = arith.constant 0 : i32
    %sign3A_59 = arith.cmpi slt, %jit3A, %sign3A_58 : i32
    %sign3A_60 = arith.extui %sign3A_59 : i1 to i32
    %sign3A_61 = arith.subi %sign3A_57, %sign3A_60 : i32
    %ne3A = vector.broadcast %sign3A_61 : i32 to vector<128x128xi32>
    %ne3A_62 = arith.cmpi ne, %sign3A_54, %ne3A : vector<128x128xi32>
    %rem3A = vector.broadcast %jit3A : i32 to vector<128x128xi32>
    %rem3A_63 = arith.remsi %iota3A, %rem3A : vector<128x128xi32>
    %ne3A_64 = arith.constant 0 : i32
    %ne3A_65 = vector.broadcast %ne3A_64 : i32 to vector<128x128xi32>
    %ne3A_66 = arith.cmpi ne, %rem3A_63, %ne3A_65 : vector<128x128xi32>
    %and3A = arith.andi %ne3A_62, %ne3A_66 : vector<128x128xi1>
    %sub3A = arith.constant 1 : i32
    %sub3A_67 = vector.broadcast %sub3A : i32 to vector<128x128xi32>
    %sub3A_68 = arith.subi %div3A_46, %sub3A_67 : vector<128x128xi32>
    %select_n3A_69 = arith.select %and3A, %sub3A_68, %div3A_46 : vector<128x128xi1>, vector<128x128xi32>
    %iota3A_70 = tpu.iota {dimensions = array<i32: 1>} : vector<128x128xi32>
    %jit3A_71 = arith.constant 4 : i32
    %div3A_72 = vector.broadcast %jit3A_71 : i32 to vector<128x128xi32>
    %div3A_73 = arith.divsi %iota3A_70, %div3A_72 : vector<128x128xi32>
    %sign3A_74 = arith.constant 0 : i32
    %sign3A_75 = vector.broadcast %sign3A_74 : i32 to vector<128x128xi32>
    %sign3A_76 = arith.cmpi sgt, %iota3A_70, %sign3A_75 : vector<128x128xi32>
    %sign3A_77 = arith.extui %sign3A_76 : vector<128x128xi1> to vector<128x128xi32>
    %sign3A_78 = arith.constant 0 : i32
    %sign3A_79 = vector.broadcast %sign3A_78 : i32 to vector<128x128xi32>
    %sign3A_80 = arith.cmpi slt, %iota3A_70, %sign3A_79 : vector<128x128xi32>
    %sign3A_81 = arith.extui %sign3A_80 : vector<128x128xi1> to vector<128x128xi32>
    %sign3A_82 = arith.subi %sign3A_77, %sign3A_81 : vector<128x128xi32>
    %sign3A_83 = arith.constant 0 : i32
    %sign3A_84 = arith.cmpi sgt, %jit3A_71, %sign3A_83 : i32
    %sign3A_85 = arith.extui %sign3A_84 : i1 to i32
    %sign3A_86 = arith.constant 0 : i32
    %sign3A_87 = arith.cmpi slt, %jit3A_71, %sign3A_86 : i32
    %sign3A_88 = arith.extui %sign3A_87 : i1 to i32
    %sign3A_89 = arith.subi %sign3A_85, %sign3A_88 : i32
    %ne3A_90 = vector.broadcast %sign3A_89 : i32 to vector<128x128xi32>
    %ne3A_91 = arith.cmpi ne, %sign3A_82, %ne3A_90 : vector<128x128xi32>
    %rem3A_92 = vector.broadcast %jit3A_71 : i32 to vector<128x128xi32>
    %rem3A_93 = arith.remsi %iota3A_70, %rem3A_92 : vector<128x128xi32>
    %ne3A_94 = arith.constant 0 : i32
    %ne3A_95 = vector.broadcast %ne3A_94 : i32 to vector<128x128xi32>
    %ne3A_96 = arith.cmpi ne, %rem3A_93, %ne3A_95 : vector<128x128xi32>
    %and3A_97 = arith.andi %ne3A_91, %ne3A_96 : vector<128x128xi1>
    %sub3A_98 = arith.constant 1 : i32
    %sub3A_99 = vector.broadcast %sub3A_98 : i32 to vector<128x128xi32>
    %sub3A_100 = arith.subi %div3A_73, %sub3A_99 : vector<128x128xi32>
    %select_n3A_101 = arith.select %and3A_97, %sub3A_100, %div3A_73 : vector<128x128xi1>, vector<128x128xi32>
    %eq3A_102 = arith.cmpi eq, %select_n3A_69, %select_n3A_101 : vector<128x128xi32>
    %convert_element_type3A = arith.extui %eq3A_102 : vector<128x128xi1> to vector<128x128xi32>
    %convert_element_type3A_103 = arith.sitofp %convert_element_type3A : vector<128x128xi32> to vector<128x128xf32>
    %eq3A_104 = arith.constant 0 : i32
    %eq3A_105 = vector.broadcast %eq3A_104 : i32 to vector<10000x1xi32>
    %eq3A_106 = arith.cmpi eq, %get3A_1, %eq3A_105 : vector<10000x1xi32>
    %jit3A_107 = arith.constant 0.000000e+00 : f32
    %broadcast_in_dim3A_108 = vector.shape_cast %eq3A_106 : vector<10000x1xi1> to vector<10000x1xi1>
    %broadcast_in_dim3A_109 = vector.broadcast %broadcast_in_dim3A_108 : vector<10000x1xi1> to vector<10000x128xi1>
    %broadcast_in_dim3A_110 = vector.broadcast %jit3A_107 : f32 to vector<10000x128xf32>
    %select_n3A_111 = arith.select %broadcast_in_dim3A_109, %add3A_39, %broadcast_in_dim3A_110 : vector<10000x128xi1>, vector<10000x128xf32>
    %reduce_sum3A = arith.constant dense<0.000000e+00> : vector<128xf32>
    %reduce_sum3A_112 = vector.multi_reduction <add>, %select_n3A_111, %reduce_sum3A [0] : vector<10000x128xf32> to vector<128xf32>
    %broadcast_in_dim3A_113 = vector.shape_cast %reduce_sum3A_112 : vector<128xf32> to vector<1x128xf32>
    %jit3A_114 = arith.constant 1.000000e+00 : f32
    %jit3A_115 = arith.constant 0.000000e+00 : f32
    %broadcast_in_dim3A_116 = vector.broadcast %jit3A_114 : f32 to vector<10000x1xf32>
    %broadcast_in_dim3A_117 = vector.broadcast %jit3A_115 : f32 to vector<10000x1xf32>
    %select_n3A_118 = arith.select %eq3A_106, %broadcast_in_dim3A_116, %broadcast_in_dim3A_117 : vector<10000x1xi1>, vector<10000x1xf32>
    %reduce_sum3A_119 = vector.shape_cast %select_n3A_118 : vector<10000x1xf32> to vector<1x10000x1xf32>
    %reduce_sum3A_120 = arith.constant dense<0.000000e+00> : vector<1xf32>
    %reduce_sum3A_121 = vector.multi_reduction <add>, %reduce_sum3A_119, %reduce_sum3A_120 [1, 2] : vector<1x10000x1xf32> to vector<1xf32>
    %reduce_sum3A_122 = vector.shape_cast %reduce_sum3A_121 : vector<1xf32> to vector<1x1x1xf32>
    %reduce_sum3A_123 = vector.extract %reduce_sum3A_122[0, 0, 0] : f32 from vector<1x1x1xf32>
    %mul3A_124 = arith.constant 4.000000e+00 : f32
    %mul3A_125 = arith.mulf %reduce_sum3A_123, %mul3A_124 : f32
    %add3A_126 = arith.constant 9.99999974E-6 : f32
    %add3A_127 = arith.addf %mul3A_125, %add3A_126 : f32
    %div3A_128 = arith.constant 1.000000e+00 : f32
    %div3A_129 = arith.divf %div3A_128, %add3A_127 : f32
    %eq3A_130 = arith.constant 1 : i32
    %eq3A_131 = vector.broadcast %eq3A_130 : i32 to vector<10000x1xi32>
    %eq3A_132 = arith.cmpi eq, %get3A_1, %eq3A_131 : vector<10000x1xi32>
    %jit3A_133 = arith.constant 0.000000e+00 : f32
    %broadcast_in_dim3A_134 = vector.shape_cast %eq3A_132 : vector<10000x1xi1> to vector<10000x1xi1>
    %broadcast_in_dim3A_135 = vector.broadcast %broadcast_in_dim3A_134 : vector<10000x1xi1> to vector<10000x128xi1>
    %broadcast_in_dim3A_136 = vector.broadcast %jit3A_133 : f32 to vector<10000x128xf32>
    %select_n3A_137 = arith.select %broadcast_in_dim3A_135, %add3A_39, %broadcast_in_dim3A_136 : vector<10000x128xi1>, vector<10000x128xf32>
    %reduce_sum3A_138 = arith.constant dense<0.000000e+00> : vector<128xf32>
    %reduce_sum3A_139 = vector.multi_reduction <add>, %select_n3A_137, %reduce_sum3A_138 [0] : vector<10000x128xf32> to vector<128xf32>
    %broadcast_in_dim3A_140 = vector.shape_cast %reduce_sum3A_139 : vector<128xf32> to vector<1x128xf32>
    %jit3A_141 = arith.constant 1.000000e+00 : f32
    %jit3A_142 = arith.constant 0.000000e+00 : f32
    %broadcast_in_dim3A_143 = vector.broadcast %jit3A_141 : f32 to vector<10000x1xf32>
    %broadcast_in_dim3A_144 = vector.broadcast %jit3A_142 : f32 to vector<10000x1xf32>
    %select_n3A_145 = arith.select %eq3A_132, %broadcast_in_dim3A_143, %broadcast_in_dim3A_144 : vector<10000x1xi1>, vector<10000x1xf32>
    %reduce_sum3A_146 = vector.shape_cast %select_n3A_145 : vector<10000x1xf32> to vector<1x10000x1xf32>
    %reduce_sum3A_147 = arith.constant dense<0.000000e+00> : vector<1xf32>
    %reduce_sum3A_148 = vector.multi_reduction <add>, %reduce_sum3A_146, %reduce_sum3A_147 [1, 2] : vector<1x10000x1xf32> to vector<1xf32>
    %reduce_sum3A_149 = vector.shape_cast %reduce_sum3A_148 : vector<1xf32> to vector<1x1x1xf32>
    %reduce_sum3A_150 = vector.extract %reduce_sum3A_149[0, 0, 0] : f32 from vector<1x1x1xf32>
    %mul3A_151 = arith.constant 4.000000e+00 : f32
    %mul3A_152 = arith.mulf %reduce_sum3A_150, %mul3A_151 : f32
    %add3A_153 = arith.constant 9.99999974E-6 : f32
    %add3A_154 = arith.addf %mul3A_152, %add3A_153 : f32
    %div3A_155 = arith.constant 1.000000e+00 : f32
    %div3A_156 = arith.divf %div3A_155, %add3A_154 : f32
    %eq3A_157 = arith.constant 2 : i32
    %eq3A_158 = vector.broadcast %eq3A_157 : i32 to vector<10000x1xi32>
    %eq3A_159 = arith.cmpi eq, %get3A_1, %eq3A_158 : vector<10000x1xi32>
    %jit3A_160 = arith.constant 0.000000e+00 : f32
    %broadcast_in_dim3A_161 = vector.shape_cast %eq3A_159 : vector<10000x1xi1> to vector<10000x1xi1>
    %broadcast_in_dim3A_162 = vector.broadcast %broadcast_in_dim3A_161 : vector<10000x1xi1> to vector<10000x128xi1>
    %broadcast_in_dim3A_163 = vector.broadcast %jit3A_160 : f32 to vector<10000x128xf32>
    %select_n3A_164 = arith.select %broadcast_in_dim3A_162, %add3A_39, %broadcast_in_dim3A_163 : vector<10000x128xi1>, vector<10000x128xf32>
    %reduce_sum3A_165 = arith.constant dense<0.000000e+00> : vector<128xf32>
    %reduce_sum3A_166 = vector.multi_reduction <add>, %select_n3A_164, %reduce_sum3A_165 [0] : vector<10000x128xf32> to vector<128xf32>
    %broadcast_in_dim3A_167 = vector.shape_cast %reduce_sum3A_166 : vector<128xf32> to vector<1x128xf32>
    %jit3A_168 = arith.constant 1.000000e+00 : f32
    %jit3A_169 = arith.constant 0.000000e+00 : f32
    %broadcast_in_dim3A_170 = vector.broadcast %jit3A_168 : f32 to vector<10000x1xf32>
    %broadcast_in_dim3A_171 = vector.broadcast %jit3A_169 : f32 to vector<10000x1xf32>
    %select_n3A_172 = arith.select %eq3A_159, %broadcast_in_dim3A_170, %broadcast_in_dim3A_171 : vector<10000x1xi1>, vector<10000x1xf32>
    %reduce_sum3A_173 = vector.shape_cast %select_n3A_172 : vector<10000x1xf32> to vector<1x10000x1xf32>
    %reduce_sum3A_174 = arith.constant dense<0.000000e+00> : vector<1xf32>
    %reduce_sum3A_175 = vector.multi_reduction <add>, %reduce_sum3A_173, %reduce_sum3A_174 [1, 2] : vector<1x10000x1xf32> to vector<1xf32>
    %reduce_sum3A_176 = vector.shape_cast %reduce_sum3A_175 : vector<1xf32> to vector<1x1x1xf32>
    %reduce_sum3A_177 = vector.extract %reduce_sum3A_176[0, 0, 0] : f32 from vector<1x1x1xf32>
    %mul3A_178 = arith.constant 4.000000e+00 : f32
    %mul3A_179 = arith.mulf %reduce_sum3A_177, %mul3A_178 : f32
    %add3A_180 = arith.constant 9.99999974E-6 : f32
    %add3A_181 = arith.addf %mul3A_179, %add3A_180 : f32
    %div3A_182 = arith.constant 1.000000e+00 : f32
    %div3A_183 = arith.divf %div3A_182, %add3A_181 : f32
    %eq3A_184 = arith.constant 3 : i32
    %eq3A_185 = vector.broadcast %eq3A_184 : i32 to vector<10000x1xi32>
    %eq3A_186 = arith.cmpi eq, %get3A_1, %eq3A_185 : vector<10000x1xi32>
    %jit3A_187 = arith.constant 0.000000e+00 : f32
    %broadcast_in_dim3A_188 = vector.shape_cast %eq3A_186 : vector<10000x1xi1> to vector<10000x1xi1>
    %broadcast_in_dim3A_189 = vector.broadcast %broadcast_in_dim3A_188 : vector<10000x1xi1> to vector<10000x128xi1>
    %broadcast_in_dim3A_190 = vector.broadcast %jit3A_187 : f32 to vector<10000x128xf32>
    %select_n3A_191 = arith.select %broadcast_in_dim3A_189, %add3A_39, %broadcast_in_dim3A_190 : vector<10000x128xi1>, vector<10000x128xf32>
    %reduce_sum3A_192 = arith.constant dense<0.000000e+00> : vector<128xf32>
    %reduce_sum3A_193 = vector.multi_reduction <add>, %select_n3A_191, %reduce_sum3A_192 [0] : vector<10000x128xf32> to vector<128xf32>
    %broadcast_in_dim3A_194 = vector.shape_cast %reduce_sum3A_193 : vector<128xf32> to vector<1x128xf32>
    %jit3A_195 = arith.constant 1.000000e+00 : f32
    %jit3A_196 = arith.constant 0.000000e+00 : f32
    %broadcast_in_dim3A_197 = vector.broadcast %jit3A_195 : f32 to vector<10000x1xf32>
    %broadcast_in_dim3A_198 = vector.broadcast %jit3A_196 : f32 to vector<10000x1xf32>
    %select_n3A_199 = arith.select %eq3A_186, %broadcast_in_dim3A_197, %broadcast_in_dim3A_198 : vector<10000x1xi1>, vector<10000x1xf32>
    %reduce_sum3A_200 = vector.shape_cast %select_n3A_199 : vector<10000x1xf32> to vector<1x10000x1xf32>
    %reduce_sum3A_201 = arith.constant dense<0.000000e+00> : vector<1xf32>
    %reduce_sum3A_202 = vector.multi_reduction <add>, %reduce_sum3A_200, %reduce_sum3A_201 [1, 2] : vector<1x10000x1xf32> to vector<1xf32>
    %reduce_sum3A_203 = vector.shape_cast %reduce_sum3A_202 : vector<1xf32> to vector<1x1x1xf32>
    %reduce_sum3A_204 = vector.extract %reduce_sum3A_203[0, 0, 0] : f32 from vector<1x1x1xf32>
    %mul3A_205 = arith.constant 4.000000e+00 : f32
    %mul3A_206 = arith.mulf %reduce_sum3A_204, %mul3A_205 : f32
    %add3A_207 = arith.constant 9.99999974E-6 : f32
    %add3A_208 = arith.addf %mul3A_206, %add3A_207 : f32
    %div3A_209 = arith.constant 1.000000e+00 : f32
    %div3A_210 = arith.divf %div3A_209, %add3A_208 : f32
    %concatenate3A = tpu.concatenate %broadcast_in_dim3A_113, %broadcast_in_dim3A_140, %broadcast_in_dim3A_167, %broadcast_in_dim3A_194 in 0 : vector<1x128xf32>, vector<1x128xf32>, vector<1x128xf32>, vector<1x128xf32> -> vector<4x128xf32>
    %dot_general3A = arith.constant dense<0.000000e+00> : vector<4x128xf32>
    %dot_general3A_211 = tpu.matmul %concatenate3A, %convert_element_type3A_103, %dot_general3A {dimension_numbers = #tpu.dot_dimension_numbers<[1], [0], [0], [1], [0, 0, 1, 1], [], []>, transpose_lhs_hint = false} : vector<4x128xf32>, vector<128x128xf32>, vector<4x128xf32> -> vector<4x128xf32>
    %slice3A_212 = vector.extract_strided_slice %dot_general3A_211 {offsets = [3, 0], sizes = [1, 128], strides = [1, 1]} : vector<4x128xf32> to vector<1x128xf32>
    %mul3A_213 = vector.broadcast %div3A_210 : f32 to vector<1x128xf32>
    %mul3A_214 = arith.mulf %slice3A_212, %mul3A_213 : vector<1x128xf32>
    %eq3A_215 = arith.constant 2 : i32
    %eq3A_216 = vector.broadcast %eq3A_215 : i32 to vector<10000x1xi32>
    %eq3A_217 = arith.cmpi eq, %get3A_1, %eq3A_216 : vector<10000x1xi32>
    %slice3A_218 = vector.extract_strided_slice %dot_general3A_211 {offsets = [2, 0], sizes = [1, 128], strides = [1, 1]} : vector<4x128xf32> to vector<1x128xf32>
    %mul3A_219 = vector.broadcast %div3A_183 : f32 to vector<1x128xf32>
    %mul3A_220 = arith.mulf %slice3A_218, %mul3A_219 : vector<1x128xf32>
    %broadcast_in_dim3A_221 = vector.shape_cast %eq3A_217 : vector<10000x1xi1> to vector<10000x1xi1>
    %broadcast_in_dim3A_222 = vector.broadcast %broadcast_in_dim3A_221 : vector<10000x1xi1> to vector<10000x128xi1>
    %broadcast_in_dim3A_223 = vector.shape_cast %mul3A_220 : vector<1x128xf32> to vector<1x128xf32>
    %broadcast_in_dim3A_224 = vector.broadcast %broadcast_in_dim3A_223 : vector<1x128xf32> to vector<10000x128xf32>
    %broadcast_in_dim3A_225 = vector.shape_cast %mul3A_214 : vector<1x128xf32> to vector<1x128xf32>
    %broadcast_in_dim3A_226 = vector.broadcast %broadcast_in_dim3A_225 : vector<1x128xf32> to vector<10000x128xf32>
    %select_n3A_227 = arith.select %broadcast_in_dim3A_222, %broadcast_in_dim3A_224, %broadcast_in_dim3A_226 : vector<10000x128xi1>, vector<10000x128xf32>
    %eq3A_228 = arith.constant 1 : i32
    %eq3A_229 = vector.broadcast %eq3A_228 : i32 to vector<10000x1xi32>
    %eq3A_230 = arith.cmpi eq, %get3A_1, %eq3A_229 : vector<10000x1xi32>
    %slice3A_231 = vector.extract_strided_slice %dot_general3A_211 {offsets = [1, 0], sizes = [1, 128], strides = [1, 1]} : vector<4x128xf32> to vector<1x128xf32>
    %mul3A_232 = vector.broadcast %div3A_156 : f32 to vector<1x128xf32>
    %mul3A_233 = arith.mulf %slice3A_231, %mul3A_232 : vector<1x128xf32>
    %broadcast_in_dim3A_234 = vector.shape_cast %eq3A_230 : vector<10000x1xi1> to vector<10000x1xi1>
    %broadcast_in_dim3A_235 = vector.broadcast %broadcast_in_dim3A_234 : vector<10000x1xi1> to vector<10000x128xi1>
    %broadcast_in_dim3A_236 = vector.shape_cast %mul3A_233 : vector<1x128xf32> to vector<1x128xf32>
    %broadcast_in_dim3A_237 = vector.broadcast %broadcast_in_dim3A_236 : vector<1x128xf32> to vector<10000x128xf32>
    %select_n3A_238 = arith.select %broadcast_in_dim3A_235, %broadcast_in_dim3A_237, %select_n3A_227 : vector<10000x128xi1>, vector<10000x128xf32>
    %eq3A_239 = arith.constant 0 : i32
    %eq3A_240 = vector.broadcast %eq3A_239 : i32 to vector<10000x1xi32>
    %eq3A_241 = arith.cmpi eq, %get3A_1, %eq3A_240 : vector<10000x1xi32>
    %slice3A_242 = vector.extract_strided_slice %dot_general3A_211 {offsets = [0, 0], sizes = [1, 128], strides = [1, 1]} : vector<4x128xf32> to vector<1x128xf32>
    %mul3A_243 = vector.broadcast %div3A_129 : f32 to vector<1x128xf32>
    %mul3A_244 = arith.mulf %slice3A_242, %mul3A_243 : vector<1x128xf32>
    %broadcast_in_dim3A_245 = vector.shape_cast %eq3A_241 : vector<10000x1xi1> to vector<10000x1xi1>
    %broadcast_in_dim3A_246 = vector.broadcast %broadcast_in_dim3A_245 : vector<10000x1xi1> to vector<10000x128xi1>
    %broadcast_in_dim3A_247 = vector.shape_cast %mul3A_244 : vector<1x128xf32> to vector<1x128xf32>
    %broadcast_in_dim3A_248 = vector.broadcast %broadcast_in_dim3A_247 : vector<1x128xf32> to vector<10000x128xf32>
    %select_n3A_249 = arith.select %broadcast_in_dim3A_246, %broadcast_in_dim3A_248, %select_n3A_238 : vector<10000x128xi1>, vector<10000x128xf32>
    %sub3A_250 = arith.subf %add3A_39, %select_n3A_249 : vector<10000x128xf32>
    %mul3A_251 = arith.mulf %sub3A_250, %sub3A_250 : vector<10000x128xf32>
    %eq3A_252 = arith.constant 0 : i32
    %eq3A_253 = vector.broadcast %eq3A_252 : i32 to vector<10000x1xi32>
    %eq3A_254 = arith.cmpi eq, %get3A_1, %eq3A_253 : vector<10000x1xi32>
    %jit3A_255 = arith.constant 0.000000e+00 : f32
    %broadcast_in_dim3A_256 = vector.shape_cast %eq3A_254 : vector<10000x1xi1> to vector<10000x1xi1>
    %broadcast_in_dim3A_257 = vector.broadcast %broadcast_in_dim3A_256 : vector<10000x1xi1> to vector<10000x128xi1>
    %broadcast_in_dim3A_258 = vector.broadcast %jit3A_255 : f32 to vector<10000x128xf32>
    %select_n3A_259 = arith.select %broadcast_in_dim3A_257, %mul3A_251, %broadcast_in_dim3A_258 : vector<10000x128xi1>, vector<10000x128xf32>
    %reduce_sum3A_260 = arith.constant dense<0.000000e+00> : vector<128xf32>
    %reduce_sum3A_261 = vector.multi_reduction <add>, %select_n3A_259, %reduce_sum3A_260 [0] : vector<10000x128xf32> to vector<128xf32>
    %broadcast_in_dim3A_262 = vector.shape_cast %reduce_sum3A_261 : vector<128xf32> to vector<1x128xf32>
    %eq3A_263 = arith.constant 1 : i32
    %eq3A_264 = vector.broadcast %eq3A_263 : i32 to vector<10000x1xi32>
    %eq3A_265 = arith.cmpi eq, %get3A_1, %eq3A_264 : vector<10000x1xi32>
    %jit3A_266 = arith.constant 0.000000e+00 : f32
    %broadcast_in_dim3A_267 = vector.shape_cast %eq3A_265 : vector<10000x1xi1> to vector<10000x1xi1>
    %broadcast_in_dim3A_268 = vector.broadcast %broadcast_in_dim3A_267 : vector<10000x1xi1> to vector<10000x128xi1>
    %broadcast_in_dim3A_269 = vector.broadcast %jit3A_266 : f32 to vector<10000x128xf32>
    %select_n3A_270 = arith.select %broadcast_in_dim3A_268, %mul3A_251, %broadcast_in_dim3A_269 : vector<10000x128xi1>, vector<10000x128xf32>
    %reduce_sum3A_271 = arith.constant dense<0.000000e+00> : vector<128xf32>
    %reduce_sum3A_272 = vector.multi_reduction <add>, %select_n3A_270, %reduce_sum3A_271 [0] : vector<10000x128xf32> to vector<128xf32>
    %broadcast_in_dim3A_273 = vector.shape_cast %reduce_sum3A_272 : vector<128xf32> to vector<1x128xf32>
    %eq3A_274 = arith.constant 2 : i32
    %eq3A_275 = vector.broadcast %eq3A_274 : i32 to vector<10000x1xi32>
    %eq3A_276 = arith.cmpi eq, %get3A_1, %eq3A_275 : vector<10000x1xi32>
    %jit3A_277 = arith.constant 0.000000e+00 : f32
    %broadcast_in_dim3A_278 = vector.shape_cast %eq3A_276 : vector<10000x1xi1> to vector<10000x1xi1>
    %broadcast_in_dim3A_279 = vector.broadcast %broadcast_in_dim3A_278 : vector<10000x1xi1> to vector<10000x128xi1>
    %broadcast_in_dim3A_280 = vector.broadcast %jit3A_277 : f32 to vector<10000x128xf32>
    %select_n3A_281 = arith.select %broadcast_in_dim3A_279, %mul3A_251, %broadcast_in_dim3A_280 : vector<10000x128xi1>, vector<10000x128xf32>
    %reduce_sum3A_282 = arith.constant dense<0.000000e+00> : vector<128xf32>
    %reduce_sum3A_283 = vector.multi_reduction <add>, %select_n3A_281, %reduce_sum3A_282 [0] : vector<10000x128xf32> to vector<128xf32>
    %broadcast_in_dim3A_284 = vector.shape_cast %reduce_sum3A_283 : vector<128xf32> to vector<1x128xf32>
    %eq3A_285 = arith.constant 3 : i32
    %eq3A_286 = vector.broadcast %eq3A_285 : i32 to vector<10000x1xi32>
    %eq3A_287 = arith.cmpi eq, %get3A_1, %eq3A_286 : vector<10000x1xi32>
    %jit3A_288 = arith.constant 0.000000e+00 : f32
    %broadcast_in_dim3A_289 = vector.shape_cast %eq3A_287 : vector<10000x1xi1> to vector<10000x1xi1>
    %broadcast_in_dim3A_290 = vector.broadcast %broadcast_in_dim3A_289 : vector<10000x1xi1> to vector<10000x128xi1>
    %broadcast_in_dim3A_291 = vector.broadcast %jit3A_288 : f32 to vector<10000x128xf32>
    %select_n3A_292 = arith.select %broadcast_in_dim3A_290, %mul3A_251, %broadcast_in_dim3A_291 : vector<10000x128xi1>, vector<10000x128xf32>
    %reduce_sum3A_293 = arith.constant dense<0.000000e+00> : vector<128xf32>
    %reduce_sum3A_294 = vector.multi_reduction <add>, %select_n3A_292, %reduce_sum3A_293 [0] : vector<10000x128xf32> to vector<128xf32>
    %broadcast_in_dim3A_295 = vector.shape_cast %reduce_sum3A_294 : vector<128xf32> to vector<1x128xf32>
    %concatenate3A_296 = tpu.concatenate %broadcast_in_dim3A_262, %broadcast_in_dim3A_273, %broadcast_in_dim3A_284, %broadcast_in_dim3A_295 in 0 : vector<1x128xf32>, vector<1x128xf32>, vector<1x128xf32>, vector<1x128xf32> -> vector<4x128xf32>
    %dot_general3A_297 = arith.constant dense<0.000000e+00> : vector<4x128xf32>
    %dot_general3A_298 = tpu.matmul %concatenate3A_296, %convert_element_type3A_103, %dot_general3A_297 {dimension_numbers = #tpu.dot_dimension_numbers<[1], [0], [0], [1], [0, 0, 1, 1], [], []>, transpose_lhs_hint = false} : vector<4x128xf32>, vector<128x128xf32>, vector<4x128xf32> -> vector<4x128xf32>
    %slice3A_299 = vector.extract_strided_slice %dot_general3A_298 {offsets = [3, 0], sizes = [1, 128], strides = [1, 1]} : vector<4x128xf32> to vector<1x128xf32>
    %mul3A_300 = vector.broadcast %div3A_210 : f32 to vector<1x128xf32>
    %mul3A_301 = arith.mulf %slice3A_299, %mul3A_300 : vector<1x128xf32>
    %add3A_302 = arith.constant 9.99999974E-6 : f32
    %add3A_303 = vector.broadcast %add3A_302 : f32 to vector<1x128xf32>
    %add3A_304 = arith.addf %mul3A_301, %add3A_303 : vector<1x128xf32>
    %rsqrt3A = math.rsqrt %add3A_304 : vector<1x128xf32>
    %eq3A_305 = arith.constant 2 : i32
    %eq3A_306 = vector.broadcast %eq3A_305 : i32 to vector<10000x1xi32>
    %eq3A_307 = arith.cmpi eq, %get3A_1, %eq3A_306 : vector<10000x1xi32>
    %slice3A_308 = vector.extract_strided_slice %dot_general3A_298 {offsets = [2, 0], sizes = [1, 128], strides = [1, 1]} : vector<4x128xf32> to vector<1x128xf32>
    %mul3A_309 = vector.broadcast %div3A_183 : f32 to vector<1x128xf32>
    %mul3A_310 = arith.mulf %slice3A_308, %mul3A_309 : vector<1x128xf32>
    %add3A_311 = arith.constant 9.99999974E-6 : f32
    %add3A_312 = vector.broadcast %add3A_311 : f32 to vector<1x128xf32>
    %add3A_313 = arith.addf %mul3A_310, %add3A_312 : vector<1x128xf32>
    %rsqrt3A_314 = math.rsqrt %add3A_313 : vector<1x128xf32>
    %broadcast_in_dim3A_315 = vector.shape_cast %eq3A_307 : vector<10000x1xi1> to vector<10000x1xi1>
    %broadcast_in_dim3A_316 = vector.broadcast %broadcast_in_dim3A_315 : vector<10000x1xi1> to vector<10000x128xi1>
    %broadcast_in_dim3A_317 = vector.shape_cast %rsqrt3A_314 : vector<1x128xf32> to vector<1x128xf32>
    %broadcast_in_dim3A_318 = vector.broadcast %broadcast_in_dim3A_317 : vector<1x128xf32> to vector<10000x128xf32>
    %broadcast_in_dim3A_319 = vector.shape_cast %rsqrt3A : vector<1x128xf32> to vector<1x128xf32>
    %broadcast_in_dim3A_320 = vector.broadcast %broadcast_in_dim3A_319 : vector<1x128xf32> to vector<10000x128xf32>
    %select_n3A_321 = arith.select %broadcast_in_dim3A_316, %broadcast_in_dim3A_318, %broadcast_in_dim3A_320 : vector<10000x128xi1>, vector<10000x128xf32>
    %eq3A_322 = arith.constant 1 : i32
    %eq3A_323 = vector.broadcast %eq3A_322 : i32 to vector<10000x1xi32>
    %eq3A_324 = arith.cmpi eq, %get3A_1, %eq3A_323 : vector<10000x1xi32>
    %slice3A_325 = vector.extract_strided_slice %dot_general3A_298 {offsets = [1, 0], sizes = [1, 128], strides = [1, 1]} : vector<4x128xf32> to vector<1x128xf32>
    %mul3A_326 = vector.broadcast %div3A_156 : f32 to vector<1x128xf32>
    %mul3A_327 = arith.mulf %slice3A_325, %mul3A_326 : vector<1x128xf32>
    %add3A_328 = arith.constant 9.99999974E-6 : f32
    %add3A_329 = vector.broadcast %add3A_328 : f32 to vector<1x128xf32>
    %add3A_330 = arith.addf %mul3A_327, %add3A_329 : vector<1x128xf32>
    %rsqrt3A_331 = math.rsqrt %add3A_330 : vector<1x128xf32>
    %broadcast_in_dim3A_332 = vector.shape_cast %eq3A_324 : vector<10000x1xi1> to vector<10000x1xi1>
    %broadcast_in_dim3A_333 = vector.broadcast %broadcast_in_dim3A_332 : vector<10000x1xi1> to vector<10000x128xi1>
    %broadcast_in_dim3A_334 = vector.shape_cast %rsqrt3A_331 : vector<1x128xf32> to vector<1x128xf32>
    %broadcast_in_dim3A_335 = vector.broadcast %broadcast_in_dim3A_334 : vector<1x128xf32> to vector<10000x128xf32>
    %select_n3A_336 = arith.select %broadcast_in_dim3A_333, %broadcast_in_dim3A_335, %select_n3A_321 : vector<10000x128xi1>, vector<10000x128xf32>
    %eq3A_337 = arith.constant 0 : i32
    %eq3A_338 = vector.broadcast %eq3A_337 : i32 to vector<10000x1xi32>
    %eq3A_339 = arith.cmpi eq, %get3A_1, %eq3A_338 : vector<10000x1xi32>
    %slice3A_340 = vector.extract_strided_slice %dot_general3A_298 {offsets = [0, 0], sizes = [1, 128], strides = [1, 1]} : vector<4x128xf32> to vector<1x128xf32>
    %mul3A_341 = vector.broadcast %div3A_129 : f32 to vector<1x128xf32>
    %mul3A_342 = arith.mulf %slice3A_340, %mul3A_341 : vector<1x128xf32>
    %add3A_343 = arith.constant 9.99999974E-6 : f32
    %add3A_344 = vector.broadcast %add3A_343 : f32 to vector<1x128xf32>
    %add3A_345 = arith.addf %mul3A_342, %add3A_344 : vector<1x128xf32>
    %rsqrt3A_346 = math.rsqrt %add3A_345 : vector<1x128xf32>
    %broadcast_in_dim3A_347 = vector.shape_cast %eq3A_339 : vector<10000x1xi1> to vector<10000x1xi1>
    %broadcast_in_dim3A_348 = vector.broadcast %broadcast_in_dim3A_347 : vector<10000x1xi1> to vector<10000x128xi1>
    %broadcast_in_dim3A_349 = vector.shape_cast %rsqrt3A_346 : vector<1x128xf32> to vector<1x128xf32>
    %broadcast_in_dim3A_350 = vector.broadcast %broadcast_in_dim3A_349 : vector<1x128xf32> to vector<10000x128xf32>
    %select_n3A_351 = arith.select %broadcast_in_dim3A_348, %broadcast_in_dim3A_350, %select_n3A_336 : vector<10000x128xi1>, vector<10000x128xf32>
    %mul3A_352 = arith.mulf %sub3A_250, %select_n3A_351 : vector<10000x128xf32>
    %mul3A_353 = vector.broadcast %get3A_42 : vector<1x128xf32> to vector<10000x128xf32>
    %mul3A_354 = arith.mulf %mul3A_352, %mul3A_353 : vector<10000x128xf32>
    %add3A_355 = vector.broadcast %get3A_45 : vector<1x128xf32> to vector<10000x128xf32>
    %add3A_356 = arith.addf %mul3A_354, %add3A_355 : vector<10000x128xf32>
    %logistic3A = arith.negf %add3A_356 : vector<10000x128xf32>
    %logistic3A_357 = math.exp %logistic3A : vector<10000x128xf32>
    %logistic3A_358 = arith.constant 1.000000e+00 : f32
    %logistic3A_359 = vector.broadcast %logistic3A_358 : f32 to vector<10000x128xf32>
    %logistic3A_360 = arith.addf %logistic3A_359, %logistic3A_357 : vector<10000x128xf32>
    %logistic3A_361 = arith.divf %logistic3A_359, %logistic3A_360 : vector<10000x128xf32>
    %mul3A_362 = arith.mulf %add3A_356, %logistic3A_361 : vector<10000x128xf32>
    %convert_element_type3A_363 = arith.truncf %mul3A_362 : vector<10000x128xf32> to vector<10000x128xbf16>
    %swap3A = arith.constant 0 : index
    %swap3A_364 = arith.constant 0 : index
    %swap3A_365 = vector.load %arg6[%swap3A, %swap3A_364] : memref<10000x128xbf16, #tpu.memory_space<vmem>>, vector<10000x128xbf16>
    tpu.vector_store %arg6[%swap3A, %swap3A_364], %convert_element_type3A_363 {strides = array<i32>} : memref<10000x128xbf16, #tpu.memory_space<vmem>>, vector<10000x128xbf16>,
    return
  }
}

module attributes {stable_mosaic.version = 14 : i64} {
  func.func @_final_body(%arg0: memref<10000x128xf32, #tpu.memory_space<vmem>>, %arg1: memref<10000x128xf32, #tpu.memory_space<vmem>>, %arg2: memref<10000x128xf32, #tpu.memory_space<vmem>>, %arg3: memref<10000x128xf32, #tpu.memory_space<vmem>>) attributes {dimension_semantics = [], scalar_prefetch = 0 : i64, scratch_operands = 0 : i64, tpu.core_type = #tpu.core_type<tc>} {
    %get3A = arith.constant 0 : index
    %get3A_0 = arith.constant 0 : index
    %get3A_1 = vector.load %arg0[%get3A, %get3A_0] : memref<10000x128xf32, #tpu.memory_space<vmem>>, vector<10000x128xf32>
    %get3A_2 = arith.constant 0 : index
    %get3A_3 = arith.constant 0 : index
    %get3A_4 = vector.load %arg1[%get3A_2, %get3A_3] : memref<10000x128xf32, #tpu.memory_space<vmem>>, vector<10000x128xf32>
    %get3A_5 = arith.constant 0 : index
    %get3A_6 = arith.constant 0 : index
    %get3A_7 = vector.load %arg2[%get3A_5, %get3A_6] : memref<10000x128xf32, #tpu.memory_space<vmem>>, vector<10000x128xf32>
    %add3A = arith.addf %get3A_4, %get3A_7 : vector<10000x128xf32>
    %mul3A = arith.constant 3.125000e-02 : f32
    %mul3A_8 = vector.broadcast %mul3A : f32 to vector<10000x128xf32>
    %mul3A_9 = arith.mulf %add3A, %mul3A_8 : vector<10000x128xf32>
    %add3A_10 = arith.addf %get3A_1, %mul3A_9 : vector<10000x128xf32>
    %swap3A = arith.constant 0 : index
    %swap3A_11 = arith.constant 0 : index
    %swap3A_12 = vector.load %arg3[%swap3A, %swap3A_11] : memref<10000x128xf32, #tpu.memory_space<vmem>>, vector<10000x128xf32>
    tpu.vector_store %arg3[%swap3A, %swap3A_11], %add3A_10 {strides = array<i32>} : memref<10000x128xf32, #tpu.memory_space<vmem>>, vector<10000x128xf32>,
    return
  }
}

</mosaic_0001>

<sc_bundles>
// kernel: kernel.12.cloned.1.call-start
scs
__scs_entry_jumppad:
0x0: {  	(pc) =	sbr.rel $0x88, $3  }
0x1: {  	(tag) =	ssettag $0x0;
	lr =	simm.s32 $0x1  }
0x2: {  	[smem:$0x3F94] =	sst lr;
	_ =	strace $0xD0000000  }
0x3: {  	_ = 	snop  }
0x4: {  	_ = 	snop  }
0x5: {  	_ = 	snop  }
0x6: {  	_ = 	snop  }
0x7: {  	_ = 	snop  }
__scs_overlays_trampoline_lowered:
0x8: {  	[smem:$0x3FA3] =	sst s0  }
0x9: {  	[smem:$0x3FA4] =	sst s1  }
0xa: {  	[smem:$0x3FA5] =	sst s2  }
0xb: {  	[smem:$0x3FA6] =	sst s3  }
0xc: {  	[smem:$0x3FA7] =	sst s4  }
0xd: {  	[smem:$0x3FA8] =	sst s5  }
0xe: {  	[smem:$0x3FA9] =	sst s6  }
0xf: {  	[smem:$0x3FAA] =	sst s7  }
0x10: {  	[smem:$0x3FAB] =	sst s8  }
0x11: {  	[smem:$0x3FAC] =	sst s9;
	s0 =	simm.s32 @!p0 $0x0  }
0x12: {  	s1 =	sld [smem:$0x3F92];
	s0 =	simm.s32 @p0 $0x1  }
0x13: {  	[smem:$0x3FAD] =	sst s0;
	s0 =	simm.s32 @!p1 $0x0  }
0x14: {  	s2 =	sld [smem:$0x3F91];
	s0 =	simm.s32 @p1 $0x1  }
0x15: {  	[smem:$0x3FAE] =	sst s0;
	s0 =	simm.s32 @!p2 $0x0  }
0x16: {  	s3 =	sld [smem:$0x3FDB];
	s0 =	simm.s32 @p2 $0x1  }
0x17: {  	s4 =	simm.s32 $0x1BF5;
	[smem:$0x3FB0] =	sst s0  }
0x18: {  	s0 =	sld [smem:$0x3F93];
	_ =	swait.ge [sflag:s4], $0x0  }
0x19: {  	s7 =	sld [smem:$0x3F94]  }
0x1a: {  	s8 =	sadd.s32 $0xFFFFE003, lr  }
0x1b: {  	s9 =	sadd.s32 $0xFFFFFEF7, lr;
	s5 =	simm.s32 $0xFFFFFFFF;
	p2 =	slt.u32 s8, $0xFFFFF086  }
0x1c: {  	p1 =	slt.u32 s9, $0xF7A;
	s5 =	simm.s32 @!p2 $0x0  }
0x1d: {  	s5 =	simm.s32 @p1 $0x1;
	p0 =	seq.s32 s7, s2  }
0x1e: {  	s7 =	smul.u32 @!p0 $0xF7A, s2;
	p2 =	seq.s32 @!p0 s5, $0x0  }
0x1f: {  	s9 =	smul.u32 $0xF7A, s1;
	s8 =	simm.s32 @!p0 $0x1BF5;
	p2 =	por !p2, p0  }
0x20: {  	[sflag:s8] =	ssyncset.s32 @!p0 $0xFFFFF086;
	s6 =	sadd.s32 @!p0 s3, s7;
	s7 =	simm.s32 @!p0 $0x108  }
0x21: {  	s3 =	sadd.s32 s3, s9;
	s6 =	sadd.s32 @!p0 $0x88, s6;
	s7 =	simm.s32 @p2 $0x1082  }
0x22: {  	[simem:s7], [sflag:s8] =	dma.local @!p0 [hbm:s6], $0xF7A  }
0x23: {  	s9 =	sor.u32 $0xD0000000, s2;
	s6 =	simm.s32 $0x108;
	_ =	swait.ge @!p0 [sflag:s8], $0x0  }
0x24: {  	s3 =	sadd.s32 $0x88, s3;
	s6 =	simm.s32 @!p1 $0x1082;
	[sflag:s4] =	ssyncset.s32 $0xFFFFF086  }
0x25: {  	[simem:s6], [sflag:s4] =	dma.local [hbm:s3], $0xF7A  }
0x26: {  	[smem:$0x3F94] =	sst s1;
	(tag) =	ssettag s2;
	_ =	strace s9  }
0x27: {  	s1 =	sld [smem:$0x3FA4]  }
0x28: {  	s2 =	sld [smem:$0x3FA5]  }
0x29: {  	s4 =	sld [smem:$0x3FA7]  }
0x2a: {  	p0 =	seq.s32 s5, $0x0;
	s5 =	sld [smem:$0x3FA8]  }
0x2b: {  	s6 =	sld [smem:$0x3FA9]  }
0x2c: {  	s7 =	sld [smem:$0x3FAA]  }
0x2d: {  	s3 =	simm.s32 $0x108;
	s8 =	sld [smem:$0x3FAB]  }
0x2e: {  	s3 =	simm.s32 @!p0 $0x1082;
	s9 =	sld [smem:$0x3FAC]  }
0x2f: {  	lr =	sadd.s32 s0, s3;
	s0 =	sld [smem:$0x3FA3]  }
0x30: {  	s3 =	sld [smem:$0x3FA6]  }
0x31: {  	[smem:$0x3FAF] =	sst s10  }
0x32: {  	s10 =	sld [smem:$0x3FAD];
	_ =	sdelay $0x3  }
0x33: {  	p0 =	seq.s32 s10, $0x1;
	s10 =	sld [smem:$0x3FAF];
	_ =	sdelay $0x3  }
0x34: {  	[smem:$0x3FAF] =	sst s10  }
0x35: {  	s10 =	sld [smem:$0x3FAE];
	_ =	sdelay $0x3  }
0x36: {  	p1 =	seq.s32 s10, $0x1;
	s10 =	sld [smem:$0x3FAF];
	_ =	sdelay $0x3  }
0x37: {  	[smem:$0x3FAF] =	sst s10  }
0x38: {  	s10 =	sld [smem:$0x3FB0]  }
0x39: {  	_ = 	snop;
	(pc) =	sbr.ind lr, $3  }
0x3a: {  	_ = 	snop  }
0x3b: {  	_ = 	snop  }
0x3c: {  	p2 =	seq.s32 s10, $0x1;
	s10 =	sld [smem:$0x3FAF]  }
0x3d: {  	_ =	shalt  }
0x3e: {  	_ =	shalt  }
0x3f: {  	_ =	shalt  }
0x40: {  	_ =	shalt  }
0x41: {  	_ =	shalt  }
0x42: {  	_ =	shalt  }
0x43: {  	_ =	shalt  }
0x44: {  	_ =	shalt  }
0x45: {  	_ =	shalt  }
0x46: {  	_ =	shalt  }
0x47: {  	_ =	shalt  }
0x48: {  	_ =	shalt  }
0x49: {  	_ =	shalt  }
0x4a: {  	_ =	shalt  }
0x4b: {  	_ =	shalt  }
0x4c: {  	_ =	shalt  }
0x4d: {  	_ =	shalt  }
0x4e: {  	_ =	shalt  }
0x4f: {  	_ =	shalt  }
0x50: {  	_ =	shalt  }
0x51: {  	_ =	shalt  }
0x52: {  	_ =	shalt  }
0x53: {  	_ =	shalt  }
0x54: {  	_ =	shalt  }
0x55: {  	_ =	shalt  }
0x56: {  	_ =	shalt  }
0x57: {  	_ =	shalt  }
0x58: {  	_ =	shalt  }
0x59: {  	_ =	shalt  }
0x5a: {  	_ =	shalt  }
0x5b: {  	_ =	shalt  }
0x5c: {  	_ =	shalt  }
0x5d: {  	_ =	shalt  }
0x5e: {  	_ =	shalt  }
0x5f: {  	_ =	shalt  }
0x60: {  	_ =	shalt  }
0x61: {  	_ =	shalt  }
0x62: {  	_ =	shalt  }
0x63: {  	_ =	shalt  }
0x64: {  	_ =	shalt  }
0x65: {  	_ =	shalt  }
0x66: {  	_ =	shalt  }
0x67: {  	_ =	shalt  }
0x68: {  	_ =	shalt  }
0x69: {  	_ =	shalt  }
0x6a: {  	_ =	shalt  }
0x6b: {  	_ =	shalt  }
0x6c: {  	_ =	shalt  }
0x6d: {  	_ =	shalt  }
0x6e: {  	_ =	shalt  }
0x6f: {  	_ =	shalt  }
0x70: {  	_ =	shalt  }
0x71: {  	_ =	shalt  }
0x72: {  	_ =	shalt  }
0x73: {  	_ =	shalt  }
0x74: {  	_ =	shalt  }
0x75: {  	_ =	shalt  }
0x76: {  	_ =	shalt  }
0x77: {  	_ =	shalt  }
0x78: {  	_ =	shalt  }
0x79: {  	_ =	shalt  }
0x7a: {  	_ =	shalt  }
0x7b: {  	_ =	shalt  }
0x7c: {  	_ =	shalt  }
0x7d: {  	_ =	shalt  }
0x7e: {  	_ =	shalt  }
0x7f: {  	_ =	shalt  }
0x80: {  	_ =	shalt  }
0x81: {  	_ =	shalt  }
0x82: {  	_ =	shalt  }
0x83: {  	_ =	shalt  }
0x84: {  	_ =	shalt  }
0x85: {  	_ =	shalt  }
0x86: {  	_ =	shalt  }
0x87: {  	_ =	shalt  }
.Lfunc_end0:
.L_simem_size_0:
called_computation.1_lowered:
.L_overlay_start_0:
0x88: {  	s2 =	sld [smem:$0x3FD9]  }
0x89: {  	s3 =	sld [smem:$0x3FFE];
	_ =	sdelay $0x1  }
0x8a: {  	s1 =	srdreg.scid  }
0x8b: {  	s0 =	sand.u32 $0x1, s1  }
0x8c: {  	s17 =	sshll.u32 s0, $0xA;
	s2 =	sadd.s32 s3, s2  }
0x8d: {  	s2 =	sadd.s32 s2, s17  }
0x8e: {  	[smem:$0x3FBB] =	sst s2  }
0x8f: {  	_ = 	snop  }
0x90: {  	s2 =	sld [smem:$0x3FD0];
	(tm) =	ssettm $0x1  }
0x91: {  	s18 =	sld [smem:$0x3FFB];
	_ =	sdelay $0x3  }
0x92: {  	_ =	strace s18  }
0x93: {  	s3 =	sld [smem:$0x3FFC];
	_ =	sdelay $0x3  }
0x94: {  	_ =	strace s3  }
0x95: {  	s3 =	sld [smem:$0x3FFD];
	_ =	sdelay $0x3  }
0x96: {  	_ =	strace s3  }
0x97: {  	_ =	strace $0x8FFFFFFF  }
0x98: {  	s19 =	sld [smem:$0x3FDB];
	_ =	sdelay $0x1  }
0x99: {  	s4 =	simm.s32 $_scs_section_size  }
0x9a: {  	s5 =	simm.s32 $_size__tile_overlayer_lowered;
	s6 =	simm.s32 $_tile_overlayer_lowered  }
0x9b: {  	s22 =	simm.s32 $0x1BFF;
	s21 =	sshll.u32 s6, $0x1;
	s3 =	sadd.s32 s4, s19  }
0x9c: {  	s7 =	simm.s32 $0x0;
	s20 =	sshll.u32 s5, $0x1;
	s5 =	sadd.s32 s21, s3  }
0x9d: {  	[timem:s7], [sflag:s22] =	dma.local [hbm:s5], s20  }
0x9e: {  	_ =	swait.ge [sflag:s22], s20  }
0x9f: {  	s4 =	ssub.s32 $0x0, s20;
	[sflag:s22] =	ssyncset.done $0x0  }
0xa0: {  	[sflag:s22] =	ssyncadd.s32 s4;
	_ =	sdelay $0x1  }
0xa1: {  	s23 =	simm.s32 $0x1B8B  }
0xa2: {  	_ =	swait.ge [sflag:s23], $0x1  }
0xa3: {  	[sflag:s23] =	ssyncset.done $0x0  }
0xa4: {  	s25 =	simm.s32 $0x1B8E;
	s24 =	sld [smem:$0x3FFE];
	[sflag:s23] =	ssyncadd.s32 $0xFFFFFFFF  }
0xa5: {  	s26 =	simm.s32 $execute0_lowered;
	[smem:$0x3FD2] =	sst s25  }
0xa6: {  	s5 =	sshll.u32 s26, $0x1;
	_ =	strace $0x80000049;
	[dreg:$0x1] =	wrdreg $0xFFFFFFFF  }
0xa7: {  	s28 =	simm.s32 $_size_execute0_lowered;
	s3 =	sadd.s32 s3, s5;
	[dreg:$0x0] =	wrdreg $0x0  }
0xa8: {  	s5 =	sshll.u32 s28, $0x1;
	[dreg:$0x2] =	wrdreg s3  }
0xa9: {  	[dreg:$0x3] =	wrdreg s5  }
0xaa: {  	[dreg:$0x4] =	wrdreg $0xC0  }
0xab: {  	_ =	task [dreg:s7], $0x5FFFF  }
0xac: {  	[dreg:$0x1] =	wrdreg $0xFFFFFFFF  }
0xad: {  	[dreg:$0x0] =	wrdreg $0x60  }
0xae: {  	[dreg:$0x2] =	wrdreg s24  }
0xaf: {  	[dreg:$0x3] =	wrdreg s2  }
0xb0: {  	[dreg:$0x4] =	wrdreg $0xA0000  }
0xb1: {  	[dreg:$0x5] =	wrdreg $0x9  }
0xb2: {  	_ =	task.clear_ibuf [dreg:s7], $0x6FFFF;
	_ =	strace $0x90000049  }
0xb3: {  	s29 =	simm.s32 $0x9;
	_ =	strace $0x8000004B  }
0xb4: {  	_ =	swait.ge [sflag:s29], $0x1  }
0xb5: {  	[sflag:s29] =	ssyncadd.s32 $0xFFFFFFFF  }
0xb6: {  	_ =	strace $0x9000004B  }
0xb7: {  	_ =	sfence  }
0xb8: {  	s30 =	sld [smem:$0x0];
	_ =	sdelay $0x2  }
0xb9: {  	s31 =	sshll.u32 s1, $0xD;
	s1 =	sshrl.u32 s1, $0x2  }
0xba: {  	s3 =	sand.u32 $0x4000, s31;
	s1 =	sadd.s32 s1, s30  }
0xbb: {  	s0 =	sor.u32 s3, s0;
	s1 =	sshll.u32 s1, $0x11  }
0xbc: {  	s0 =	sor.u32 s1, s0  }
0xbd: {  	s0 =	sadd.s32 $0x8F2B, s0  }
0xbe: {  	[sflag:s0] =	ssyncadd.remote.s32 $0x1  }
0xbf: {  	_ =	sfence.sel $0xFFFF  }
0xc0: {  	[dreg:$0x0] =	wrdreg $0xFFFFFFFF;
	(pc) =	sbr.abs _section_cstart, $3  }
0xc1: {  	[dreg:$0x1] =	wrdreg $0xFFFFFFFF  }
0xc2: {  	_ =	task.clear_ibuf [dreg:s7], $0x2FFFF;
	_ =	strace $0x9FFFFFFF  }
0xc3: {  	(tm) =	ssettm $0x7FFFFFFF  }
tec
execute0_lowered:
.L_overlay_start_1:
0x0: {  	(tag) =	ssettag $0x1  }
0x1: {  	s8 =	rddreg [dreg:$0x0]  }
0x2: {  	s1 =	rddreg [dreg:$0x1]  }
0x3: {  	s2 =	rddreg [dreg:$0x2]  }
0x4: {  	s3 =	srdreg.scid;
	s4 =	simm.s32 $0x0;
	s0 =	stileid.u32  }
0x5: {  	s19 =	simm.s32 $0x5;
	s20 =	simm.s32 $0x1000;
	s21 =	simm.s32 $0x80  }
0x6: {  	s22 =	simm.s32 $0x6000;
	s23 =	simm.s32 $0x1;
	s24 =	simm.s32 $0x2  }
0x7: {  	s26 =	simm.s32 $0x0;
	s11 =	sand.u32 $0x1, s3;
	s10 =	smul.u32 $0x14000, s0  }
0x8: {  	[smem:$0x7FF] =	sst s4;
	s5 =	sadd.s32 $0x3000, s8;
	s12 =	smul.u32 $0x50000, s0  }
0x9: {  	s6 =	sadd.s32 $0x11F000, s8;
	s7 =	sadd.s32 $0xD000, s8;
	s17 =	smul.u32 $0x5000, s0  }
0xa: {  	s28 =	sshll.u32 s0, $0x1;
	s25 =	sshll.u32 s0, $0x6;
	s9 =	smul.u32 $0x140000, s11  }
0xb: {  	_ =	strace $0x8000004A;
	s29 =	ssub.s32 $0x2, s11;
	s30 =	sor.u32 s11, s28  }
0xc: {  	s18 =	smul.u32 $0x2800, s11;
	s25 =	sor.u32 $0x1C05, s25;
	s31 =	sshrl.u32 s29, $0x1  }
0xd: {  	s12 =	sshrl.u32 s12, $0x2;
	s14 =	smul.u32 $0x500, s30;
	s9 =	sadd.s32 s10, s9  }
0xe: {  	s16 =	ssub.s32 s29, s31;
	s17 =	sadd.s32 s18, s17;
	s18 =	simm.s32 $0x2000  }
0xf: {  	s9 =	sshrl.u32 s9, $0x3;
	s13 =	sadd.s32 s5, s14;
	s14 =	sadd.s32 s1, s14  }
0x10: {  	s16 =	smax.u32 s16, $0x1;
	s15 =	sadd.s32 s9, s8;
	s8 =	sadd.s32 s12, s2  }
0x11: {  	s17 =	sadd.s32 $0x800, s17;
	s9 =	sadd.s32 $0x4000, s8;
	s10 =	sadd.s32 $0x8000, s8  }
0x12: {  	s11 =	sadd.s32 $0xC000, s8;
	s12 =	sadd.s32 $0x10000, s8;
	s15 =	sadd.s32 $0xD800, s15  }
.LBB2_1:
0x13: {  	[tilespmem:s18], [sflag:$0x5] =	stream.linear.gather [hbm4b:s7+s4], $0x4000, $0x38;
	[tilespmem:$0x1E000] =	vst v63  }
0x14: {  	_ =	swait.ge [sflag:s19], $0x4000  }
0x15: {  	[sflag:s19] =	ssyncset.done $0x0  }
0x16: {  	[sflag:s19] =	ssyncadd.s32 $0xFFFFC000  }
0x17: {  	[spmem:s8] =	stream.linear.scatter [tilespmem:s18], [sflag:$0x5], $0x4000, $0x38;
	[tilespmem:$0x1E000] =	vst v63  }
0x18: {  	_ =	swait.ge [sflag:s19], $0x4000  }
0x19: {  	[sflag:s19] =	ssyncset.done $0x0  }
0x1a: {  	[sflag:s19] =	ssyncadd.s32 $0xFFFFC000  }
0x1b: {  	[spmem:s9] =	stream.linear.scatter [tilespmem:s18], [sflag:$0x5], $0x4000, $0x38;
	[tilespmem:$0x1E000] =	vst v63  }
0x1c: {  	_ =	swait.ge [sflag:s19], $0x4000  }
0x1d: {  	[sflag:s19] =	ssyncset.done $0x0  }
0x1e: {  	[sflag:s19] =	ssyncadd.s32 $0xFFFFC000  }
0x1f: {  	[spmem:s10] =	stream.linear.scatter [tilespmem:s18], [sflag:$0x5], $0x4000, $0x38;
	[tilespmem:$0x1E000] =	vst v63  }
0x20: {  	_ =	swait.ge [sflag:s19], $0x4000  }
0x21: {  	[sflag:s19] =	ssyncset.done $0x0  }
0x22: {  	[sflag:s19] =	ssyncadd.s32 $0xFFFFC000  }
0x23: {  	[spmem:s11] =	stream.linear.scatter [tilespmem:s18], [sflag:$0x5], $0x4000, $0x38;
	[tilespmem:$0x1E000] =	vst v63  }
0x24: {  	_ =	swait.ge [sflag:s19], $0x4000  }
0x25: {  	[sflag:s19] =	ssyncset.done $0x0  }
0x26: {  	[sflag:s19] =	ssyncadd.s32 $0xFFFFC000  }
0x27: {  	[spmem:s12] =	stream.linear.scatter [tilespmem:s18], [sflag:$0x5], $0x4000, $0x38;
	[tilespmem:$0x1E000] =	vst v63  }
0x28: {  	_ =	swait.ge [sflag:s19], $0x4000  }
0x29: {  	[sflag:s19] =	ssyncset.done $0x0  }
0x2a: {  	[sflag:s19] =	ssyncadd.s32 $0xFFFFC000  }
0x2b: {  	[bflag:$0x0] =	sbarrier.arrive $0xFFFF  }
0x2c: {  	[tilespmem:s4], [sflag:$0x5] =	stream.linear.gather [hbm4b:s13+s4], $0x800, $0x38;
	[tilespmem:$0x1E000] =	vst v63  }
0x2d: {  	_ =	swait.ge [sflag:s19], $0x800  }
0x2e: {  	[sflag:s19] =	ssyncset.done $0x0  }
0x2f: {  	[sflag:s19] =	ssyncadd.s32 $0xFFFFF800  }
0x30: {  	[tilespmem:s20], [sflag:$0x5] =	stream.linear.gather [hbm4b:s14+s4], $0x800, $0x38;
	[tilespmem:$0x1E000] =	vst v63  }
0x31: {  	_ =	swait.ge [sflag:s19], $0x800  }
0x32: {  	[sflag:s19] =	ssyncset.done $0x0  }
0x33: {  	s28 =	simm.s32 $0x0;
	[sflag:s19] =	ssyncadd.s32 $0xFFFFF800  }
.LBB2_2:
0x34: {  	p0 =	seq.s32 s28, $0x2000  }
0x35: {  	s30 =	sadd.s32 @!p0 s28, s17  }
0x36: {  	s29 =	sand.u32 @!p0 $0x800, s28;
	s30 =	sshrl.u32 @!p0 s30, $0x3  }
0x37: {  	s3 =	simm.s32 @!p0 $0x0;
	s31 =	sxor.u32 @!p0 $0x800, s29;
	s0 =	sadd.s32 @!p0 s5, s30  }
0x38: {  	[tilespmem:s31], [sflag:$0x3] =	stream.linear.gather @!p0 [hbm4b:s0+s3], $0x800, $0x38;
	[tilespmem:$0x1E000] =	vst v63  }
0x39: {  	s30 =	sadd.s32 @!p0 s1, s30;
	s0 =	sxor.u32 @!p0 $0x1800, s29  }
0x3a: {  	[tilespmem:s0], [sflag:$0x4] =	stream.linear.gather @!p0 [hbm4b:s30+s3], $0x800, $0x38;
	[tilespmem:$0x1E000] =	vst v63  }
0x3b: {  	s29 =	simm.s32 @p0 $0x0  }
0x3c: {  	[tilespmem:s18], [sflag:$0x1] =	stream.indirect.gather [hbm4b:s6+s21], $0x80, s29, s21, $0xb8;
	[tilespmem:$0x1E000] =	vst v63  }
0x3d: {  	s31 =	sor.u32 $0x80, s29  }
0x3e: {  	[tilespmem:s22], [sflag:$0x2] =	stream.indirect.gather [hbm4b:s6+s21], $0x80, s31, s21, $0xb8;
	[tilespmem:$0x1E000] =	vst v63  }
0x3f: {  	_ =	swait.ge [sflag:s23], $0x4000  }
0x40: {  	[sflag:s23] =	ssyncset.done $0x0  }
0x41: {  	s3 =	sor.u32 $0x1000, s29;
	[sflag:s23] =	ssyncadd.s32 $0xFFFFC000  }
0x42: {  	[spmem:s2] =	stream.indirect.scatter.add.f32 [tilespmem:s18], [sflag:$0x5], $0x80, s3, s21, $0xb8;
	[tilespmem:$0x1E000] =	vst v63  }
0x43: {  	_ =	swait.ge [sflag:s19], $0x4000  }
0x44: {  	[sflag:s19] =	ssyncset.done $0x0  }
0x45: {  	s30 =	sadd.s32 $0x100, s29;
	[sflag:s19] =	ssyncadd.s32 $0xFFFFC000  }
0x46: {  	[tilespmem:s18], [sflag:$0x1] =	stream.indirect.gather [hbm4b:s6+s21], $0x80, s30, s21, $0xb8;
	[tilespmem:$0x1E000] =	vst v63  }
0x47: {  	_ =	swait.ge [sflag:s24], $0x4000  }
0x48: {  	[sflag:s24] =	ssyncset.done $0x0  }
0x49: {  	s31 =	sor.u32 $0x1080, s29;
	[sflag:s24] =	ssyncadd.s32 $0xFFFFC000  }
0x4a: {  	[spmem:s2] =	stream.indirect.scatter.add.f32 [tilespmem:s22], [sflag:$0x5], $0x80, s31, s21, $0xb8;
	[tilespmem:$0x1E000] =	vst v63  }
0x4b: {  	_ =	swait.ge [sflag:s19], $0x4000  }
0x4c: {  	[sflag:s19] =	ssyncset.done $0x0  }
0x4d: {  	s3 =	sor.u32 $0x180, s29;
	[sflag:s19] =	ssyncadd.s32 $0xFFFFC000  }
0x4e: {  	[tilespmem:s22], [sflag:$0x2] =	stream.indirect.gather [hbm4b:s6+s21], $0x80, s3, s21, $0xb8;
	[tilespmem:$0x1E000] =	vst v63  }
0x4f: {  	_ =	swait.ge [sflag:s23], $0x4000  }
0x50: {  	[sflag:s23] =	ssyncset.done $0x0  }
0x51: {  	s30 =	sadd.s32 $0x1100, s29;
	[sflag:s23] =	ssyncadd.s32 $0xFFFFC000  }
0x52: {  	[spmem:s2] =	stream.indirect.scatter.add.f32 [tilespmem:s18], [sflag:$0x5], $0x80, s30, s21, $0xb8;
	[tilespmem:$0x1E000] =	vst v63  }
0x53: {  	_ =	swait.ge [sflag:s19], $0x4000  }
0x54: {  	[sflag:s19] =	ssyncset.done $0x0  }
0x55: {  	s31 =	sadd.s32 $0x200, s29;
	[sflag:s19] =	ssyncadd.s32 $0xFFFFC000  }
0x56: {  	[tilespmem:s18], [sflag:$0x1] =	stream.indirect.gather [hbm4b:s6+s21], $0x80, s31, s21, $0xb8;
	[tilespmem:$0x1E000] =	vst v63  }
0x57: {  	_ =	swait.ge [sflag:s24], $0x4000  }
0x58: {  	[sflag:s24] =	ssyncset.done $0x0  }
0x59: {  	s3 =	sor.u32 $0x1180, s29;
	[sflag:s24] =	ssyncadd.s32 $0xFFFFC000  }
0x5a: {  	[spmem:s2] =	stream.indirect.scatter.add.f32 [tilespmem:s22], [sflag:$0x5], $0x80, s3, s21, $0xb8;
	[tilespmem:$0x1E000] =	vst v63  }
0x5b: {  	_ =	swait.ge [sflag:s19], $0x4000  }
0x5c: {  	[sflag:s19] =	ssyncset.done $0x0  }
0x5d: {  	s30 =	sor.u32 $0x280, s29;
	[sflag:s19] =	ssyncadd.s32 $0xFFFFC000  }
0x5e: {  	[tilespmem:s22], [sflag:$0x2] =	stream.indirect.gather [hbm4b:s6+s21], $0x80, s30, s21, $0xb8;
	[tilespmem:$0x1E000] =	vst v63  }
0x5f: {  	_ =	swait.ge [sflag:s23], $0x4000  }
0x60: {  	[sflag:s23] =	ssyncset.done $0x0  }
0x61: {  	s31 =	sadd.s32 $0x1200, s29;
	[sflag:s23] =	ssyncadd.s32 $0xFFFFC000  }
0x62: {  	[spmem:s2] =	stream.indirect.scatter.add.f32 [tilespmem:s18], [sflag:$0x5], $0x80, s31, s21, $0xb8;
	[tilespmem:$0x1E000] =	vst v63  }
0x63: {  	_ =	swait.ge [sflag:s19], $0x4000  }
0x64: {  	[sflag:s19] =	ssyncset.done $0x0  }
0x65: {  	s3 =	sadd.s32 $0x300, s29;
	[sflag:s19] =	ssyncadd.s32 $0xFFFFC000  }
0x66: {  	[tilespmem:s18], [sflag:$0x1] =	stream.indirect.gather [hbm4b:s6+s21], $0x80, s3, s21, $0xb8;
	[tilespmem:$0x1E000] =	vst v63  }
0x67: {  	_ =	swait.ge [sflag:s24], $0x4000  }
0x68: {  	[sflag:s24] =	ssyncset.done $0x0  }
0x69: {  	s30 =	sor.u32 $0x1280, s29;
	[sflag:s24] =	ssyncadd.s32 $0xFFFFC000  }
0x6a: {  	[spmem:s2] =	stream.indirect.scatter.add.f32 [tilespmem:s22], [sflag:$0x5], $0x80, s30, s21, $0xb8;
	[tilespmem:$0x1E000] =	vst v63  }
0x6b: {  	_ =	swait.ge [sflag:s19], $0x4000  }
0x6c: {  	[sflag:s19] =	ssyncset.done $0x0  }
0x6d: {  	s31 =	sor.u32 $0x380, s29;
	[sflag:s19] =	ssyncadd.s32 $0xFFFFC000  }
0x6e: {  	[tilespmem:s22], [sflag:$0x2] =	stream.indirect.gather [hbm4b:s6+s21], $0x80, s31, s21, $0xb8;
	[tilespmem:$0x1E000] =	vst v63  }
0x6f: {  	_ =	swait.ge [sflag:s23], $0x4000  }
0x70: {  	[sflag:s23] =	ssyncset.done $0x0  }
0x71: {  	s3 =	sadd.s32 $0x1300, s29;
	[sflag:s23] =	ssyncadd.s32 $0xFFFFC000  }
0x72: {  	[spmem:s2] =	stream.indirect.scatter.add.f32 [tilespmem:s18], [sflag:$0x5], $0x80, s3, s21, $0xb8;
	[tilespmem:$0x1E000] =	vst v63  }
0x73: {  	_ =	swait.ge [sflag:s19], $0x4000  }
0x74: {  	[sflag:s19] =	ssyncset.done $0x0  }
0x75: {  	s30 =	sadd.s32 $0x400, s29;
	[sflag:s19] =	ssyncadd.s32 $0xFFFFC000  }
0x76: {  	[tilespmem:s18], [sflag:$0x1] =	stream.indirect.gather [hbm4b:s6+s21], $0x80, s30, s21, $0xb8;
	[tilespmem:$0x1E000] =	vst v63  }
0x77: {  	_ =	swait.ge [sflag:s24], $0x4000  }
0x78: {  	[sflag:s24] =	ssyncset.done $0x0  }
0x79: {  	s31 =	sor.u32 $0x1380, s29;
	[sflag:s24] =	ssyncadd.s32 $0xFFFFC000  }
0x7a: {  	[spmem:s2] =	stream.indirect.scatter.add.f32 [tilespmem:s22], [sflag:$0x5], $0x80, s31, s21, $0xb8;
	[tilespmem:$0x1E000] =	vst v63  }
0x7b: {  	_ =	swait.ge [sflag:s19], $0x4000  }
0x7c: {  	[sflag:s19] =	ssyncset.done $0x0  }
0x7d: {  	s3 =	sor.u32 $0x480, s29;
	[sflag:s19] =	ssyncadd.s32 $0xFFFFC000  }
0x7e: {  	[tilespmem:s22], [sflag:$0x2] =	stream.indirect.gather [hbm4b:s6+s21], $0x80, s3, s21, $0xb8;
	[tilespmem:$0x1E000] =	vst v63  }
0x7f: {  	_ =	swait.ge [sflag:s23], $0x4000  }
0x80: {  	[sflag:s23] =	ssyncset.done $0x0  }
0x81: {  	s30 =	sadd.s32 $0x1400, s29;
	[sflag:s23] =	ssyncadd.s32 $0xFFFFC000  }
0x82: {  	[spmem:s2] =	stream.indirect.scatter.add.f32 [tilespmem:s18], [sflag:$0x5], $0x80, s30, s21, $0xb8;
	[tilespmem:$0x1E000] =	vst v63  }
0x83: {  	_ =	swait.ge [sflag:s19], $0x4000  }
0x84: {  	[sflag:s19] =	ssyncset.done $0x0  }
0x85: {  	s31 =	sadd.s32 $0x500, s29;
	[sflag:s19] =	ssyncadd.s32 $0xFFFFC000  }
0x86: {  	[tilespmem:s18], [sflag:$0x1] =	stream.indirect.gather [hbm4b:s6+s21], $0x80, s31, s21, $0xb8;
	[tilespmem:$0x1E000] =	vst v63  }
0x87: {  	_ =	swait.ge [sflag:s24], $0x4000  }
0x88: {  	[sflag:s24] =	ssyncset.done $0x0  }
0x89: {  	s3 =	sor.u32 $0x1480, s29;
	[sflag:s24] =	ssyncadd.s32 $0xFFFFC000  }
0x8a: {  	[spmem:s2] =	stream.indirect.scatter.add.f32 [tilespmem:s22], [sflag:$0x5], $0x80, s3, s21, $0xb8;
	[tilespmem:$0x1E000] =	vst v63  }
0x8b: {  	_ =	swait.ge [sflag:s19], $0x4000  }
0x8c: {  	[sflag:s19] =	ssyncset.done $0x0  }
0x8d: {  	s30 =	sor.u32 $0x580, s29;
	[sflag:s19] =	ssyncadd.s32 $0xFFFFC000  }
0x8e: {  	[tilespmem:s22], [sflag:$0x2] =	stream.indirect.gather [hbm4b:s6+s21], $0x80, s30, s21, $0xb8;
	[tilespmem:$0x1E000] =	vst v63  }
0x8f: {  	_ =	swait.ge [sflag:s23], $0x4000  }
0x90: {  	[sflag:s23] =	ssyncset.done $0x0  }
0x91: {  	s31 =	sadd.s32 $0x1500, s29;
	[sflag:s23] =	ssyncadd.s32 $0xFFFFC000  }
0x92: {  	[spmem:s2] =	stream.indirect.scatter.add.f32 [tilespmem:s18], [sflag:$0x5], $0x80, s31, s21, $0xb8;
	[tilespmem:$0x1E000] =	vst v63  }
0x93: {  	_ =	swait.ge [sflag:s19], $0x4000  }
0x94: {  	[sflag:s19] =	ssyncset.done $0x0  }
0x95: {  	s3 =	sadd.s32 $0x600, s29;
	[sflag:s19] =	ssyncadd.s32 $0xFFFFC000  }
0x96: {  	[tilespmem:s18], [sflag:$0x1] =	stream.indirect.gather [hbm4b:s6+s21], $0x80, s3, s21, $0xb8;
	[tilespmem:$0x1E000] =	vst v63  }
0x97: {  	_ =	swait.ge [sflag:s24], $0x4000  }
0x98: {  	[sflag:s24] =	ssyncset.done $0x0  }
0x99: {  	s30 =	sor.u32 $0x1580, s29;
	[sflag:s24] =	ssyncadd.s32 $0xFFFFC000  }
0x9a: {  	[spmem:s2] =	stream.indirect.scatter.add.f32 [tilespmem:s22], [sflag:$0x5], $0x80, s30, s21, $0xb8;
	[tilespmem:$0x1E000] =	vst v63  }
0x9b: {  	_ =	swait.ge [sflag:s19], $0x4000  }
0x9c: {  	[sflag:s19] =	ssyncset.done $0x0  }
0x9d: {  	s31 =	sor.u32 $0x680, s29;
	[sflag:s19] =	ssyncadd.s32 $0xFFFFC000  }
0x9e: {  	[tilespmem:s22], [sflag:$0x2] =	stream.indirect.gather [hbm4b:s6+s21], $0x80, s31, s21, $0xb8;
	[tilespmem:$0x1E000] =	vst v63  }
0x9f: {  	_ =	swait.ge [sflag:s23], $0x4000  }
0xa0: {  	[sflag:s23] =	ssyncset.done $0x0  }
0xa1: {  	s3 =	sadd.s32 $0x1600, s29;
	[sflag:s23] =	ssyncadd.s32 $0xFFFFC000  }
0xa2: {  	[spmem:s2] =	stream.indirect.scatter.add.f32 [tilespmem:s18], [sflag:$0x5], $0x80, s3, s21, $0xb8;
	[tilespmem:$0x1E000] =	vst v63  }
0xa3: {  	_ =	swait.ge [sflag:s19], $0x4000  }
0xa4: {  	[sflag:s19] =	ssyncset.done $0x0  }
0xa5: {  	s30 =	sadd.s32 $0x700, s29;
	[sflag:s19] =	ssyncadd.s32 $0xFFFFC000  }
0xa6: {  	[tilespmem:s18], [sflag:$0x1] =	stream.indirect.gather [hbm4b:s6+s21], $0x80, s30, s21, $0xb8;
	[tilespmem:$0x1E000] =	vst v63  }
0xa7: {  	_ =	swait.ge [sflag:s24], $0x4000  }
0xa8: {  	[sflag:s24] =	ssyncset.done $0x0  }
0xa9: {  	s31 =	sor.u32 $0x1680, s29;
	[sflag:s24] =	ssyncadd.s32 $0xFFFFC000  }
0xaa: {  	[spmem:s2] =	stream.indirect.scatter.add.f32 [tilespmem:s22], [sflag:$0x5], $0x80, s31, s21, $0xb8;
	[tilespmem:$0x1E000] =	vst v63  }
0xab: {  	_ =	swait.ge [sflag:s19], $0x4000  }
0xac: {  	[sflag:s19] =	ssyncset.done $0x0  }
0xad: {  	s3 =	sor.u32 $0x780, s29;
	[sflag:s19] =	ssyncadd.s32 $0xFFFFC000  }
0xae: {  	[tilespmem:s22], [sflag:$0x2] =	stream.indirect.gather [hbm4b:s6+s21], $0x80, s3, s21, $0xb8;
	[tilespmem:$0x1E000] =	vst v63  }
0xaf: {  	_ =	swait.ge [sflag:s23], $0x4000  }
0xb0: {  	[sflag:s23] =	ssyncset.done $0x0  }
0xb1: {  	s30 =	sadd.s32 $0x1700, s29;
	[sflag:s23] =	ssyncadd.s32 $0xFFFFC000  }
0xb2: {  	[spmem:s2] =	stream.indirect.scatter.add.f32 [tilespmem:s18], [sflag:$0x5], $0x80, s30, s21, $0xb8;
	[tilespmem:$0x1E000] =	vst v63  }
0xb3: {  	_ =	swait.ge [sflag:s19], $0x4000  }
0xb4: {  	[sflag:s19] =	ssyncset.done $0x0  }
0xb5: {  	[sflag:s19] =	ssyncadd.s32 $0xFFFFC000  }
0xb6: {  	_ =	swait.ge [sflag:s24], $0x4000  }
0xb7: {  	[sflag:s24] =	ssyncset.done $0x0  }
0xb8: {  	s31 =	sor.u32 $0x1780, s29;
	[sflag:s24] =	ssyncadd.s32 $0xFFFFC000  }
0xb9: {  	[spmem:s2] =	stream.indirect.scatter.add.f32 [tilespmem:s22], [sflag:$0x5], $0x80, s31, s21, $0xb8;
	[tilespmem:$0x1E000] =	vst v63  }
0xba: {  	_ =	swait.ge [sflag:s19], $0x4000  }
0xbb: {  	s28 =	sadd.s32 @!p0 $0x800, s28;
	[sflag:s19] =	ssyncset.done $0x0  }
0xbc: {  	p1 =	sne.s32 @!p0 s28, $0x2800;
	s0 =	simm.s32 @!p0 $0x3;
	[sflag:s19] =	ssyncadd.s32 $0xFFFFC000  }
0xbd: {  	p1 =	por p0, !p1;
	_ =	swait.ge @!p0 [sflag:s0], $0x800  }
.Ltmp0:
0xbe: {  	[sflag:s0] =	ssyncset.done @!p0 $0x0;
	(pc) =	sbr.rel @!p1 .LBB2_2-.Ltmp0, $4  }
0xbf: {  	[sflag:s0] =	ssyncadd.s32 @!p0 $0xFFFFF800;
	s0 =	simm.s32 @!p0 $0x4  }
0xc0: {  	_ =	swait.ge @!p0 [sflag:s0], $0x800  }
0xc1: {  	[sflag:s0] =	ssyncset.done @!p0 $0x0  }
0xc2: {  	[sflag:s0] =	ssyncadd.s32 @!p0 $0xFFFFF800  }
0xc3: {  	s26 =	sadd.s32 $0x1, s26  }
0xc4: {  	p0 =	sne.s32 s26, s16  }
.Ltmp1:
0xc5: {  	[bflag:$0x0] =	sbarrier.arrive $0xFFFF;
	s0 =	sshrl.u32 s8, $0x3;
	(pc) =	sbr.rel @p0 .LBB2_1-.Ltmp1, $4  }
0xc6: {  	[hbm:s15], [sflag:s25] =	dma.local [spmem:s0], $0x2800  }
0xc7: {  	_ =	swait.ge [sflag:s19], $0x2800  }
0xc8: {  	[sflag:s19] =	ssyncset.done $0x0  }
0xc9: {  	[sflag:s19] =	ssyncadd.s32 $0xFFFFD800  }
0xca: {  	_ =	sfence.sel $0x180000  }
0xcb: {  	[bflag:$0x0] =	sbarrier.arrive $0xFFFF  }
0xcc: {  	_ =	strace $0x9000004A  }
0xcd: {  	s0 =	stileid.u32;
	[bflag:$0x2] =	sbarrier.arrive $0xFFFF  }
0xce: {  	p0 =	sne.s32 s0, $0x0;
	s0 =	rddreg [dreg:$0x3]  }
0xcf: {  	s0 =	sadd.s32 @!p0 $0x100000, s0  }
0xd0: {  	[sflag:s0] =	ssyncadd.tile.s32 @!p0 $0x1;
	_ =	shalt  }
.Lfunc_end2:
_tile_overlayer_lowered:
.L_overlay_start_2:
0xd1: {  	(tag) =	ssettag $0x2  }
0xd2: {  	s0 =	rddreg [dreg:$0x0];
	s2 =	stileid.u32  }
0xd3: {  	s1 =	rddreg [dreg:$0x1];
	p0 =	sne.s32 s2, $0x0  }
0xd4: {  	s3 =	rddreg [dreg:$0x2];
	[bflag:$0x3] =	sbarrier.arrive $0xFFFF;
	s2 =	simm.s32 @!p0 $0x1C05  }
0xd5: {  	[timem:s3], [sflag:s2] =	dma.local @!p0 [hbm:s0], s1  }
0xd6: {  	s0 =	simm.s32 @!p0 $0x5  }
0xd7: {  	_ =	swait.ge @!p0 [sflag:s0], s1  }
0xd8: {  	s1 =	ssub.s32 @!p0 $0x0, s1;
	[sflag:s0] =	ssyncset.done @!p0 $0x0  }
0xd9: {  	[sflag:s0] =	ssyncadd.s32 @!p0 s1  }
0xda: {  	[bflag:$0x3] =	sbarrier.arrive $0xFFFF  }
0xdb: {  	_ =	shalt  }

// kernel: kernel.9.cloned.1.call-start
scs
__scs_entry_jumppad:
0x0: {  	(pc) =	sbr.rel $0x88, $3  }
0x1: {  	(tag) =	ssettag $0x0;
	lr =	simm.s32 $0x1  }
0x2: {  	[smem:$0x3F94] =	sst lr;
	_ =	strace $0xD0000000  }
0x3: {  	_ = 	snop  }
0x4: {  	_ = 	snop  }
0x5: {  	_ = 	snop  }
0x6: {  	_ = 	snop  }
0x7: {  	_ = 	snop  }
__scs_overlays_trampoline_lowered:
0x8: {  	[smem:$0x3FA3] =	sst s0  }
0x9: {  	[smem:$0x3FA4] =	sst s1  }
0xa: {  	[smem:$0x3FA5] =	sst s2  }
0xb: {  	[smem:$0x3FA6] =	sst s3  }
0xc: {  	[smem:$0x3FA7] =	sst s4  }
0xd: {  	[smem:$0x3FA8] =	sst s5  }
0xe: {  	[smem:$0x3FA9] =	sst s6  }
0xf: {  	[smem:$0x3FAA] =	sst s7  }
0x10: {  	[smem:$0x3FAB] =	sst s8  }
0x11: {  	[smem:$0x3FAC] =	sst s9;
	s0 =	simm.s32 @!p0 $0x0  }
0x12: {  	s1 =	sld [smem:$0x3F92];
	s0 =	simm.s32 @p0 $0x1  }
0x13: {  	[smem:$0x3FAD] =	sst s0;
	s0 =	simm.s32 @!p1 $0x0  }
0x14: {  	s2 =	sld [smem:$0x3F91];
	s0 =	simm.s32 @p1 $0x1  }
0x15: {  	[smem:$0x3FAE] =	sst s0;
	s0 =	simm.s32 @!p2 $0x0  }
0x16: {  	s3 =	sld [smem:$0x3FDB];
	s0 =	simm.s32 @p2 $0x1  }
0x17: {  	s4 =	simm.s32 $0x1BF5;
	[smem:$0x3FB0] =	sst s0  }
0x18: {  	s0 =	sld [smem:$0x3F93];
	_ =	swait.ge [sflag:s4], $0x0  }
0x19: {  	s7 =	sld [smem:$0x3F94]  }
0x1a: {  	s8 =	sadd.s32 $0xFFFFE003, lr  }
0x1b: {  	s9 =	sadd.s32 $0xFFFFFEF7, lr;
	s5 =	simm.s32 $0xFFFFFFFF;
	p2 =	slt.u32 s8, $0xFFFFF086  }
0x1c: {  	p1 =	slt.u32 s9, $0xF7A;
	s5 =	simm.s32 @!p2 $0x0  }
0x1d: {  	s5 =	simm.s32 @p1 $0x1;
	p0 =	seq.s32 s7, s2  }
0x1e: {  	s7 =	smul.u32 @!p0 $0xF7A, s2;
	p2 =	seq.s32 @!p0 s5, $0x0  }
0x1f: {  	s9 =	smul.u32 $0xF7A, s1;
	s8 =	simm.s32 @!p0 $0x1BF5;
	p2 =	por !p2, p0  }
0x20: {  	[sflag:s8] =	ssyncset.s32 @!p0 $0xFFFFF086;
	s6 =	sadd.s32 @!p0 s3, s7;
	s7 =	simm.s32 @!p0 $0x108  }
0x21: {  	s3 =	sadd.s32 s3, s9;
	s6 =	sadd.s32 @!p0 $0x88, s6;
	s7 =	simm.s32 @p2 $0x1082  }
0x22: {  	[simem:s7], [sflag:s8] =	dma.local @!p0 [hbm:s6], $0xF7A  }
0x23: {  	s9 =	sor.u32 $0xD0000000, s2;
	s6 =	simm.s32 $0x108;
	_ =	swait.ge @!p0 [sflag:s8], $0x0  }
0x24: {  	s3 =	sadd.s32 $0x88, s3;
	s6 =	simm.s32 @!p1 $0x1082;
	[sflag:s4] =	ssyncset.s32 $0xFFFFF086  }
0x25: {  	[simem:s6], [sflag:s4] =	dma.local [hbm:s3], $0xF7A  }
0x26: {  	[smem:$0x3F94] =	sst s1;
	(tag) =	ssettag s2;
	_ =	strace s9  }
0x27: {  	s1 =	sld [smem:$0x3FA4]  }
0x28: {  	s2 =	sld [smem:$0x3FA5]  }
0x29: {  	s4 =	sld [smem:$0x3FA7]  }
0x2a: {  	p0 =	seq.s32 s5, $0x0;
	s5 =	sld [smem:$0x3FA8]  }
0x2b: {  	s6 =	sld [smem:$0x3FA9]  }
0x2c: {  	s7 =	sld [smem:$0x3FAA]  }
0x2d: {  	s3 =	simm.s32 $0x108;
	s8 =	sld [smem:$0x3FAB]  }
0x2e: {  	s3 =	simm.s32 @!p0 $0x1082;
	s9 =	sld [smem:$0x3FAC]  }
0x2f: {  	lr =	sadd.s32 s0, s3;
	s0 =	sld [smem:$0x3FA3]  }
0x30: {  	s3 =	sld [smem:$0x3FA6]  }
0x31: {  	[smem:$0x3FAF] =	sst s10  }
0x32: {  	s10 =	sld [smem:$0x3FAD];
	_ =	sdelay $0x3  }
0x33: {  	p0 =	seq.s32 s10, $0x1;
	s10 =	sld [smem:$0x3FAF];
	_ =	sdelay $0x3  }
0x34: {  	[smem:$0x3FAF] =	sst s10  }
0x35: {  	s10 =	sld [smem:$0x3FAE];
	_ =	sdelay $0x3  }
0x36: {  	p1 =	seq.s32 s10, $0x1;
	s10 =	sld [smem:$0x3FAF];
	_ =	sdelay $0x3  }
0x37: {  	[smem:$0x3FAF] =	sst s10  }
0x38: {  	s10 =	sld [smem:$0x3FB0]  }
0x39: {  	_ = 	snop;
	(pc) =	sbr.ind lr, $3  }
0x3a: {  	_ = 	snop  }
0x3b: {  	_ = 	snop  }
0x3c: {  	p2 =	seq.s32 s10, $0x1;
	s10 =	sld [smem:$0x3FAF]  }
0x3d: {  	_ =	shalt  }
0x3e: {  	_ =	shalt  }
0x3f: {  	_ =	shalt  }
0x40: {  	_ =	shalt  }
0x41: {  	_ =	shalt  }
0x42: {  	_ =	shalt  }
0x43: {  	_ =	shalt  }
0x44: {  	_ =	shalt  }
0x45: {  	_ =	shalt  }
0x46: {  	_ =	shalt  }
0x47: {  	_ =	shalt  }
0x48: {  	_ =	shalt  }
0x49: {  	_ =	shalt  }
0x4a: {  	_ =	shalt  }
0x4b: {  	_ =	shalt  }
0x4c: {  	_ =	shalt  }
0x4d: {  	_ =	shalt  }
0x4e: {  	_ =	shalt  }
0x4f: {  	_ =	shalt  }
0x50: {  	_ =	shalt  }
0x51: {  	_ =	shalt  }
0x52: {  	_ =	shalt  }
0x53: {  	_ =	shalt  }
0x54: {  	_ =	shalt  }
0x55: {  	_ =	shalt  }
0x56: {  	_ =	shalt  }
0x57: {  	_ =	shalt  }
0x58: {  	_ =	shalt  }
0x59: {  	_ =	shalt  }
0x5a: {  	_ =	shalt  }
0x5b: {  	_ =	shalt  }
0x5c: {  	_ =	shalt  }
0x5d: {  	_ =	shalt  }
0x5e: {  	_ =	shalt  }
0x5f: {  	_ =	shalt  }
0x60: {  	_ =	shalt  }
0x61: {  	_ =	shalt  }
0x62: {  	_ =	shalt  }
0x63: {  	_ =	shalt  }
0x64: {  	_ =	shalt  }
0x65: {  	_ =	shalt  }
0x66: {  	_ =	shalt  }
0x67: {  	_ =	shalt  }
0x68: {  	_ =	shalt  }
0x69: {  	_ =	shalt  }
0x6a: {  	_ =	shalt  }
0x6b: {  	_ =	shalt  }
0x6c: {  	_ =	shalt  }
0x6d: {  	_ =	shalt  }
0x6e: {  	_ =	shalt  }
0x6f: {  	_ =	shalt  }
0x70: {  	_ =	shalt  }
0x71: {  	_ =	shalt  }
0x72: {  	_ =	shalt  }
0x73: {  	_ =	shalt  }
0x74: {  	_ =	shalt  }
0x75: {  	_ =	shalt  }
0x76: {  	_ =	shalt  }
0x77: {  	_ =	shalt  }
0x78: {  	_ =	shalt  }
0x79: {  	_ =	shalt  }
0x7a: {  	_ =	shalt  }
0x7b: {  	_ =	shalt  }
0x7c: {  	_ =	shalt  }
0x7d: {  	_ =	shalt  }
0x7e: {  	_ =	shalt  }
0x7f: {  	_ =	shalt  }
0x80: {  	_ =	shalt  }
0x81: {  	_ =	shalt  }
0x82: {  	_ =	shalt  }
0x83: {  	_ =	shalt  }
0x84: {  	_ =	shalt  }
0x85: {  	_ =	shalt  }
0x86: {  	_ =	shalt  }
0x87: {  	_ =	shalt  }
.Lfunc_end0:
.L_simem_size_0:
called_computation_lowered:
.L_overlay_start_0:
0x88: {  	s2 =	sld [smem:$0x3FD9]  }
0x89: {  	s3 =	sld [smem:$0x3FFE];
	_ =	sdelay $0x1  }
0x8a: {  	s1 =	srdreg.scid  }
0x8b: {  	s0 =	sand.u32 $0x1, s1  }
0x8c: {  	s17 =	sshll.u32 s0, $0xA;
	s2 =	sadd.s32 s3, s2  }
0x8d: {  	s2 =	sadd.s32 s2, s17  }
0x8e: {  	[smem:$0x3FBB] =	sst s2  }
0x8f: {  	_ = 	snop  }
0x90: {  	s2 =	sld [smem:$0x3FD0];
	(tm) =	ssettm $0x1  }
0x91: {  	s18 =	sld [smem:$0x3FFB];
	_ =	sdelay $0x3  }
0x92: {  	_ =	strace s18  }
0x93: {  	s3 =	sld [smem:$0x3FFC];
	_ =	sdelay $0x3  }
0x94: {  	_ =	strace s3  }
0x95: {  	s3 =	sld [smem:$0x3FFD];
	_ =	sdelay $0x3  }
0x96: {  	_ =	strace s3  }
0x97: {  	_ =	strace $0x8FFFFFFF  }
0x98: {  	s19 =	sld [smem:$0x3FDB];
	_ =	sdelay $0x1  }
0x99: {  	s4 =	simm.s32 $_scs_section_size  }
0x9a: {  	s5 =	simm.s32 $_size__tile_overlayer_lowered;
	s6 =	simm.s32 $_tile_overlayer_lowered  }
0x9b: {  	s22 =	simm.s32 $0x1BFF;
	s21 =	sshll.u32 s6, $0x1;
	s3 =	sadd.s32 s4, s19  }
0x9c: {  	s7 =	simm.s32 $0x0;
	s20 =	sshll.u32 s5, $0x1;
	s5 =	sadd.s32 s21, s3  }
0x9d: {  	[timem:s7], [sflag:s22] =	dma.local [hbm:s5], s20  }
0x9e: {  	_ =	swait.ge [sflag:s22], s20  }
0x9f: {  	s4 =	ssub.s32 $0x0, s20;
	[sflag:s22] =	ssyncset.done $0x0  }
0xa0: {  	[sflag:s22] =	ssyncadd.s32 s4;
	_ =	sdelay $0x1  }
0xa1: {  	s23 =	simm.s32 $0x1B8B  }
0xa2: {  	_ =	swait.ge [sflag:s23], $0x1  }
0xa3: {  	[sflag:s23] =	ssyncset.done $0x0  }
0xa4: {  	s25 =	simm.s32 $0x1B8E;
	s24 =	sld [smem:$0x3FFE];
	[sflag:s23] =	ssyncadd.s32 $0xFFFFFFFF  }
0xa5: {  	s26 =	simm.s32 $execute0_lowered;
	[smem:$0x3FD2] =	sst s25  }
0xa6: {  	s5 =	sshll.u32 s26, $0x1;
	_ =	strace $0x80000046;
	[dreg:$0x1] =	wrdreg $0xFFFFFFFF  }
0xa7: {  	s28 =	simm.s32 $_size_execute0_lowered;
	s3 =	sadd.s32 s3, s5;
	[dreg:$0x0] =	wrdreg $0x0  }
0xa8: {  	s5 =	sshll.u32 s28, $0x1;
	[dreg:$0x2] =	wrdreg s3  }
0xa9: {  	[dreg:$0x3] =	wrdreg s5  }
0xaa: {  	[dreg:$0x4] =	wrdreg $0xC0  }
0xab: {  	_ =	task [dreg:s7], $0x5FFFF  }
0xac: {  	[dreg:$0x1] =	wrdreg $0xFFFFFFFF  }
0xad: {  	[dreg:$0x0] =	wrdreg $0x60  }
0xae: {  	[dreg:$0x2] =	wrdreg s24  }
0xaf: {  	[dreg:$0x3] =	wrdreg s2  }
0xb0: {  	[dreg:$0x4] =	wrdreg $0xA0000  }
0xb1: {  	[dreg:$0x5] =	wrdreg $0x9  }
0xb2: {  	_ =	task.clear_ibuf [dreg:s7], $0x6FFFF;
	_ =	strace $0x90000046  }
0xb3: {  	s29 =	simm.s32 $0x9;
	_ =	strace $0x80000048  }
0xb4: {  	_ =	swait.ge [sflag:s29], $0x1  }
0xb5: {  	[sflag:s29] =	ssyncadd.s32 $0xFFFFFFFF  }
0xb6: {  	_ =	strace $0x90000048  }
0xb7: {  	_ =	sfence  }
0xb8: {  	s30 =	sld [smem:$0x0];
	_ =	sdelay $0x2  }
0xb9: {  	s31 =	sshll.u32 s1, $0xD;
	s1 =	sshrl.u32 s1, $0x2  }
0xba: {  	s3 =	sand.u32 $0x4000, s31;
	s1 =	sadd.s32 s1, s30  }
0xbb: {  	s0 =	sor.u32 s3, s0;
	s1 =	sshll.u32 s1, $0x11  }
0xbc: {  	s0 =	sor.u32 s1, s0  }
0xbd: {  	s0 =	sadd.s32 $0x8F2B, s0  }
0xbe: {  	[sflag:s0] =	ssyncadd.remote.s32 $0x1  }
0xbf: {  	_ =	sfence.sel $0xFFFF  }
0xc0: {  	[dreg:$0x0] =	wrdreg $0xFFFFFFFF;
	(pc) =	sbr.abs _section_cstart, $3  }
0xc1: {  	[dreg:$0x1] =	wrdreg $0xFFFFFFFF  }
0xc2: {  	_ =	task.clear_ibuf [dreg:s7], $0x2FFFF;
	_ =	strace $0x9FFFFFFF  }
0xc3: {  	(tm) =	ssettm $0x7FFFFFFF  }
tec
execute0_lowered:
.L_overlay_start_1:
0x0: {  	(tag) =	ssettag $0x1  }
0x1: {  	s8 =	rddreg [dreg:$0x0]  }
0x2: {  	s1 =	rddreg [dreg:$0x1]  }
0x3: {  	s2 =	rddreg [dreg:$0x2]  }
0x4: {  	s3 =	srdreg.scid;
	s4 =	simm.s32 $0x0;
	s0 =	stileid.u32  }
0x5: {  	s19 =	simm.s32 $0x5;
	s20 =	simm.s32 $0x1000;
	s21 =	simm.s32 $0x80  }
0x6: {  	s22 =	simm.s32 $0x6000;
	s23 =	simm.s32 $0x1;
	s24 =	simm.s32 $0x2  }
0x7: {  	s26 =	simm.s32 $0x0;
	s11 =	sand.u32 $0x1, s3;
	s10 =	smul.u32 $0x14000, s0  }
0x8: {  	[smem:$0x7FF] =	sst s4;
	s5 =	sadd.s32 $0x3000, s8;
	s12 =	smul.u32 $0x50000, s0  }
0x9: {  	s6 =	sadd.s32 $0x11E800, s8;
	s7 =	sadd.s32 $0xD000, s8;
	s17 =	smul.u32 $0x5000, s0  }
0xa: {  	s28 =	sshll.u32 s0, $0x1;
	s25 =	sshll.u32 s0, $0x6;
	s9 =	smul.u32 $0x140000, s11  }
0xb: {  	_ =	strace $0x80000047;
	s29 =	ssub.s32 $0x2, s11;
	s30 =	sor.u32 s11, s28  }
0xc: {  	s18 =	smul.u32 $0x2800, s11;
	s25 =	sor.u32 $0x1C05, s25;
	s31 =	sshrl.u32 s29, $0x1  }
0xd: {  	s12 =	sshrl.u32 s12, $0x2;
	s14 =	smul.u32 $0x500, s30;
	s9 =	sadd.s32 s10, s9  }
0xe: {  	s16 =	ssub.s32 s29, s31;
	s17 =	sadd.s32 s18, s17;
	s18 =	simm.s32 $0x2000  }
0xf: {  	s9 =	sshrl.u32 s9, $0x3;
	s13 =	sadd.s32 s5, s14;
	s14 =	sadd.s32 s1, s14  }
0x10: {  	s16 =	smax.u32 s16, $0x1;
	s15 =	sadd.s32 s9, s8;
	s8 =	sadd.s32 s12, s2  }
0x11: {  	s17 =	sadd.s32 $0x800, s17;
	s9 =	sadd.s32 $0x4000, s8;
	s10 =	sadd.s32 $0x8000, s8  }
0x12: {  	s11 =	sadd.s32 $0xC000, s8;
	s12 =	sadd.s32 $0x10000, s8;
	s15 =	sadd.s32 $0xD800, s15  }
.LBB2_1:
0x13: {  	[tilespmem:s18], [sflag:$0x5] =	stream.linear.gather [hbm4b:s7+s4], $0x4000, $0x38;
	[tilespmem:$0x1E000] =	vst v63  }
0x14: {  	_ =	swait.ge [sflag:s19], $0x4000  }
0x15: {  	[sflag:s19] =	ssyncset.done $0x0  }
0x16: {  	[sflag:s19] =	ssyncadd.s32 $0xFFFFC000  }
0x17: {  	[spmem:s8] =	stream.linear.scatter [tilespmem:s18], [sflag:$0x5], $0x4000, $0x38;
	[tilespmem:$0x1E000] =	vst v63  }
0x18: {  	_ =	swait.ge [sflag:s19], $0x4000  }
0x19: {  	[sflag:s19] =	ssyncset.done $0x0  }
0x1a: {  	[sflag:s19] =	ssyncadd.s32 $0xFFFFC000  }
0x1b: {  	[spmem:s9] =	stream.linear.scatter [tilespmem:s18], [sflag:$0x5], $0x4000, $0x38;
	[tilespmem:$0x1E000] =	vst v63  }
0x1c: {  	_ =	swait.ge [sflag:s19], $0x4000  }
0x1d: {  	[sflag:s19] =	ssyncset.done $0x0  }
0x1e: {  	[sflag:s19] =	ssyncadd.s32 $0xFFFFC000  }
0x1f: {  	[spmem:s10] =	stream.linear.scatter [tilespmem:s18], [sflag:$0x5], $0x4000, $0x38;
	[tilespmem:$0x1E000] =	vst v63  }
0x20: {  	_ =	swait.ge [sflag:s19], $0x4000  }
0x21: {  	[sflag:s19] =	ssyncset.done $0x0  }
0x22: {  	[sflag:s19] =	ssyncadd.s32 $0xFFFFC000  }
0x23: {  	[spmem:s11] =	stream.linear.scatter [tilespmem:s18], [sflag:$0x5], $0x4000, $0x38;
	[tilespmem:$0x1E000] =	vst v63  }
0x24: {  	_ =	swait.ge [sflag:s19], $0x4000  }
0x25: {  	[sflag:s19] =	ssyncset.done $0x0  }
0x26: {  	[sflag:s19] =	ssyncadd.s32 $0xFFFFC000  }
0x27: {  	[spmem:s12] =	stream.linear.scatter [tilespmem:s18], [sflag:$0x5], $0x4000, $0x38;
	[tilespmem:$0x1E000] =	vst v63  }
0x28: {  	_ =	swait.ge [sflag:s19], $0x4000  }
0x29: {  	[sflag:s19] =	ssyncset.done $0x0  }
0x2a: {  	[sflag:s19] =	ssyncadd.s32 $0xFFFFC000  }
0x2b: {  	[bflag:$0x0] =	sbarrier.arrive $0xFFFF  }
0x2c: {  	[tilespmem:s4], [sflag:$0x5] =	stream.linear.gather [hbm4b:s13+s4], $0x800, $0x38;
	[tilespmem:$0x1E000] =	vst v63  }
0x2d: {  	_ =	swait.ge [sflag:s19], $0x800  }
0x2e: {  	[sflag:s19] =	ssyncset.done $0x0  }
0x2f: {  	[sflag:s19] =	ssyncadd.s32 $0xFFFFF800  }
0x30: {  	[tilespmem:s20], [sflag:$0x5] =	stream.linear.gather [hbm4b:s14+s4], $0x800, $0x38;
	[tilespmem:$0x1E000] =	vst v63  }
0x31: {  	_ =	swait.ge [sflag:s19], $0x800  }
0x32: {  	[sflag:s19] =	ssyncset.done $0x0  }
0x33: {  	s28 =	simm.s32 $0x0;
	[sflag:s19] =	ssyncadd.s32 $0xFFFFF800  }
.LBB2_2:
0x34: {  	p0 =	seq.s32 s28, $0x2000  }
0x35: {  	s30 =	sadd.s32 @!p0 s28, s17  }
0x36: {  	s29 =	sand.u32 @!p0 $0x800, s28;
	s30 =	sshrl.u32 @!p0 s30, $0x3  }
0x37: {  	s3 =	simm.s32 @!p0 $0x0;
	s31 =	sxor.u32 @!p0 $0x800, s29;
	s0 =	sadd.s32 @!p0 s5, s30  }
0x38: {  	[tilespmem:s31], [sflag:$0x3] =	stream.linear.gather @!p0 [hbm4b:s0+s3], $0x800, $0x38;
	[tilespmem:$0x1E000] =	vst v63  }
0x39: {  	s30 =	sadd.s32 @!p0 s1, s30;
	s0 =	sxor.u32 @!p0 $0x1800, s29  }
0x3a: {  	[tilespmem:s0], [sflag:$0x4] =	stream.linear.gather @!p0 [hbm4b:s30+s3], $0x800, $0x38;
	[tilespmem:$0x1E000] =	vst v63  }
0x3b: {  	s29 =	simm.s32 @p0 $0x0  }
0x3c: {  	[tilespmem:s18], [sflag:$0x1] =	stream.indirect.gather [hbm4b:s6+s21], $0x80, s29, s21, $0xb8;
	[tilespmem:$0x1E000] =	vst v63  }
0x3d: {  	s31 =	sor.u32 $0x80, s29  }
0x3e: {  	[tilespmem:s22], [sflag:$0x2] =	stream.indirect.gather [hbm4b:s6+s21], $0x80, s31, s21, $0xb8;
	[tilespmem:$0x1E000] =	vst v63  }
0x3f: {  	_ =	swait.ge [sflag:s23], $0x4000  }
0x40: {  	[sflag:s23] =	ssyncset.done $0x0  }
0x41: {  	s3 =	sor.u32 $0x1000, s29;
	[sflag:s23] =	ssyncadd.s32 $0xFFFFC000  }
0x42: {  	[spmem:s2] =	stream.indirect.scatter.add.f32 [tilespmem:s18], [sflag:$0x5], $0x80, s3, s21, $0xb8;
	[tilespmem:$0x1E000] =	vst v63  }
0x43: {  	_ =	swait.ge [sflag:s19], $0x4000  }
0x44: {  	[sflag:s19] =	ssyncset.done $0x0  }
0x45: {  	s30 =	sadd.s32 $0x100, s29;
	[sflag:s19] =	ssyncadd.s32 $0xFFFFC000  }
0x46: {  	[tilespmem:s18], [sflag:$0x1] =	stream.indirect.gather [hbm4b:s6+s21], $0x80, s30, s21, $0xb8;
	[tilespmem:$0x1E000] =	vst v63  }
0x47: {  	_ =	swait.ge [sflag:s24], $0x4000  }
0x48: {  	[sflag:s24] =	ssyncset.done $0x0  }
0x49: {  	s31 =	sor.u32 $0x1080, s29;
	[sflag:s24] =	ssyncadd.s32 $0xFFFFC000  }
0x4a: {  	[spmem:s2] =	stream.indirect.scatter.add.f32 [tilespmem:s22], [sflag:$0x5], $0x80, s31, s21, $0xb8;
	[tilespmem:$0x1E000] =	vst v63  }
0x4b: {  	_ =	swait.ge [sflag:s19], $0x4000  }
0x4c: {  	[sflag:s19] =	ssyncset.done $0x0  }
0x4d: {  	s3 =	sor.u32 $0x180, s29;
	[sflag:s19] =	ssyncadd.s32 $0xFFFFC000  }
0x4e: {  	[tilespmem:s22], [sflag:$0x2] =	stream.indirect.gather [hbm4b:s6+s21], $0x80, s3, s21, $0xb8;
	[tilespmem:$0x1E000] =	vst v63  }
0x4f: {  	_ =	swait.ge [sflag:s23], $0x4000  }
0x50: {  	[sflag:s23] =	ssyncset.done $0x0  }
0x51: {  	s30 =	sadd.s32 $0x1100, s29;
	[sflag:s23] =	ssyncadd.s32 $0xFFFFC000  }
0x52: {  	[spmem:s2] =	stream.indirect.scatter.add.f32 [tilespmem:s18], [sflag:$0x5], $0x80, s30, s21, $0xb8;
	[tilespmem:$0x1E000] =	vst v63  }
0x53: {  	_ =	swait.ge [sflag:s19], $0x4000  }
0x54: {  	[sflag:s19] =	ssyncset.done $0x0  }
0x55: {  	s31 =	sadd.s32 $0x200, s29;
	[sflag:s19] =	ssyncadd.s32 $0xFFFFC000  }
0x56: {  	[tilespmem:s18], [sflag:$0x1] =	stream.indirect.gather [hbm4b:s6+s21], $0x80, s31, s21, $0xb8;
	[tilespmem:$0x1E000] =	vst v63  }
0x57: {  	_ =	swait.ge [sflag:s24], $0x4000  }
0x58: {  	[sflag:s24] =	ssyncset.done $0x0  }
0x59: {  	s3 =	sor.u32 $0x1180, s29;
	[sflag:s24] =	ssyncadd.s32 $0xFFFFC000  }
0x5a: {  	[spmem:s2] =	stream.indirect.scatter.add.f32 [tilespmem:s22], [sflag:$0x5], $0x80, s3, s21, $0xb8;
	[tilespmem:$0x1E000] =	vst v63  }
0x5b: {  	_ =	swait.ge [sflag:s19], $0x4000  }
0x5c: {  	[sflag:s19] =	ssyncset.done $0x0  }
0x5d: {  	s30 =	sor.u32 $0x280, s29;
	[sflag:s19] =	ssyncadd.s32 $0xFFFFC000  }
0x5e: {  	[tilespmem:s22], [sflag:$0x2] =	stream.indirect.gather [hbm4b:s6+s21], $0x80, s30, s21, $0xb8;
	[tilespmem:$0x1E000] =	vst v63  }
0x5f: {  	_ =	swait.ge [sflag:s23], $0x4000  }
0x60: {  	[sflag:s23] =	ssyncset.done $0x0  }
0x61: {  	s31 =	sadd.s32 $0x1200, s29;
	[sflag:s23] =	ssyncadd.s32 $0xFFFFC000  }
0x62: {  	[spmem:s2] =	stream.indirect.scatter.add.f32 [tilespmem:s18], [sflag:$0x5], $0x80, s31, s21, $0xb8;
	[tilespmem:$0x1E000] =	vst v63  }
0x63: {  	_ =	swait.ge [sflag:s19], $0x4000  }
0x64: {  	[sflag:s19] =	ssyncset.done $0x0  }
0x65: {  	s3 =	sadd.s32 $0x300, s29;
	[sflag:s19] =	ssyncadd.s32 $0xFFFFC000  }
0x66: {  	[tilespmem:s18], [sflag:$0x1] =	stream.indirect.gather [hbm4b:s6+s21], $0x80, s3, s21, $0xb8;
	[tilespmem:$0x1E000] =	vst v63  }
0x67: {  	_ =	swait.ge [sflag:s24], $0x4000  }
0x68: {  	[sflag:s24] =	ssyncset.done $0x0  }
0x69: {  	s30 =	sor.u32 $0x1280, s29;
	[sflag:s24] =	ssyncadd.s32 $0xFFFFC000  }
0x6a: {  	[spmem:s2] =	stream.indirect.scatter.add.f32 [tilespmem:s22], [sflag:$0x5], $0x80, s30, s21, $0xb8;
	[tilespmem:$0x1E000] =	vst v63  }
0x6b: {  	_ =	swait.ge [sflag:s19], $0x4000  }
0x6c: {  	[sflag:s19] =	ssyncset.done $0x0  }
0x6d: {  	s31 =	sor.u32 $0x380, s29;
	[sflag:s19] =	ssyncadd.s32 $0xFFFFC000  }
0x6e: {  	[tilespmem:s22], [sflag:$0x2] =	stream.indirect.gather [hbm4b:s6+s21], $0x80, s31, s21, $0xb8;
	[tilespmem:$0x1E000] =	vst v63  }
0x6f: {  	_ =	swait.ge [sflag:s23], $0x4000  }
0x70: {  	[sflag:s23] =	ssyncset.done $0x0  }
0x71: {  	s3 =	sadd.s32 $0x1300, s29;
	[sflag:s23] =	ssyncadd.s32 $0xFFFFC000  }
0x72: {  	[spmem:s2] =	stream.indirect.scatter.add.f32 [tilespmem:s18], [sflag:$0x5], $0x80, s3, s21, $0xb8;
	[tilespmem:$0x1E000] =	vst v63  }
0x73: {  	_ =	swait.ge [sflag:s19], $0x4000  }
0x74: {  	[sflag:s19] =	ssyncset.done $0x0  }
0x75: {  	s30 =	sadd.s32 $0x400, s29;
	[sflag:s19] =	ssyncadd.s32 $0xFFFFC000  }
0x76: {  	[tilespmem:s18], [sflag:$0x1] =	stream.indirect.gather [hbm4b:s6+s21], $0x80, s30, s21, $0xb8;
	[tilespmem:$0x1E000] =	vst v63  }
0x77: {  	_ =	swait.ge [sflag:s24], $0x4000  }
0x78: {  	[sflag:s24] =	ssyncset.done $0x0  }
0x79: {  	s31 =	sor.u32 $0x1380, s29;
	[sflag:s24] =	ssyncadd.s32 $0xFFFFC000  }
0x7a: {  	[spmem:s2] =	stream.indirect.scatter.add.f32 [tilespmem:s22], [sflag:$0x5], $0x80, s31, s21, $0xb8;
	[tilespmem:$0x1E000] =	vst v63  }
0x7b: {  	_ =	swait.ge [sflag:s19], $0x4000  }
0x7c: {  	[sflag:s19] =	ssyncset.done $0x0  }
0x7d: {  	s3 =	sor.u32 $0x480, s29;
	[sflag:s19] =	ssyncadd.s32 $0xFFFFC000  }
0x7e: {  	[tilespmem:s22], [sflag:$0x2] =	stream.indirect.gather [hbm4b:s6+s21], $0x80, s3, s21, $0xb8;
	[tilespmem:$0x1E000] =	vst v63  }
0x7f: {  	_ =	swait.ge [sflag:s23], $0x4000  }
0x80: {  	[sflag:s23] =	ssyncset.done $0x0  }
0x81: {  	s30 =	sadd.s32 $0x1400, s29;
	[sflag:s23] =	ssyncadd.s32 $0xFFFFC000  }
0x82: {  	[spmem:s2] =	stream.indirect.scatter.add.f32 [tilespmem:s18], [sflag:$0x5], $0x80, s30, s21, $0xb8;
	[tilespmem:$0x1E000] =	vst v63  }
0x83: {  	_ =	swait.ge [sflag:s19], $0x4000  }
0x84: {  	[sflag:s19] =	ssyncset.done $0x0  }
0x85: {  	s31 =	sadd.s32 $0x500, s29;
	[sflag:s19] =	ssyncadd.s32 $0xFFFFC000  }
0x86: {  	[tilespmem:s18], [sflag:$0x1] =	stream.indirect.gather [hbm4b:s6+s21], $0x80, s31, s21, $0xb8;
	[tilespmem:$0x1E000] =	vst v63  }
0x87: {  	_ =	swait.ge [sflag:s24], $0x4000  }
0x88: {  	[sflag:s24] =	ssyncset.done $0x0  }
0x89: {  	s3 =	sor.u32 $0x1480, s29;
	[sflag:s24] =	ssyncadd.s32 $0xFFFFC000  }
0x8a: {  	[spmem:s2] =	stream.indirect.scatter.add.f32 [tilespmem:s22], [sflag:$0x5], $0x80, s3, s21, $0xb8;
	[tilespmem:$0x1E000] =	vst v63  }
0x8b: {  	_ =	swait.ge [sflag:s19], $0x4000  }
0x8c: {  	[sflag:s19] =	ssyncset.done $0x0  }
0x8d: {  	s30 =	sor.u32 $0x580, s29;
	[sflag:s19] =	ssyncadd.s32 $0xFFFFC000  }
0x8e: {  	[tilespmem:s22], [sflag:$0x2] =	stream.indirect.gather [hbm4b:s6+s21], $0x80, s30, s21, $0xb8;
	[tilespmem:$0x1E000] =	vst v63  }
0x8f: {  	_ =	swait.ge [sflag:s23], $0x4000  }
0x90: {  	[sflag:s23] =	ssyncset.done $0x0  }
0x91: {  	s31 =	sadd.s32 $0x1500, s29;
	[sflag:s23] =	ssyncadd.s32 $0xFFFFC000  }
0x92: {  	[spmem:s2] =	stream.indirect.scatter.add.f32 [tilespmem:s18], [sflag:$0x5], $0x80, s31, s21, $0xb8;
	[tilespmem:$0x1E000] =	vst v63  }
0x93: {  	_ =	swait.ge [sflag:s19], $0x4000  }
0x94: {  	[sflag:s19] =	ssyncset.done $0x0  }
0x95: {  	s3 =	sadd.s32 $0x600, s29;
	[sflag:s19] =	ssyncadd.s32 $0xFFFFC000  }
0x96: {  	[tilespmem:s18], [sflag:$0x1] =	stream.indirect.gather [hbm4b:s6+s21], $0x80, s3, s21, $0xb8;
	[tilespmem:$0x1E000] =	vst v63  }
0x97: {  	_ =	swait.ge [sflag:s24], $0x4000  }
0x98: {  	[sflag:s24] =	ssyncset.done $0x0  }
0x99: {  	s30 =	sor.u32 $0x1580, s29;
	[sflag:s24] =	ssyncadd.s32 $0xFFFFC000  }
0x9a: {  	[spmem:s2] =	stream.indirect.scatter.add.f32 [tilespmem:s22], [sflag:$0x5], $0x80, s30, s21, $0xb8;
	[tilespmem:$0x1E000] =	vst v63  }
0x9b: {  	_ =	swait.ge [sflag:s19], $0x4000  }
0x9c: {  	[sflag:s19] =	ssyncset.done $0x0  }
0x9d: {  	s31 =	sor.u32 $0x680, s29;
	[sflag:s19] =	ssyncadd.s32 $0xFFFFC000  }
0x9e: {  	[tilespmem:s22], [sflag:$0x2] =	stream.indirect.gather [hbm4b:s6+s21], $0x80, s31, s21, $0xb8;
	[tilespmem:$0x1E000] =	vst v63  }
0x9f: {  	_ =	swait.ge [sflag:s23], $0x4000  }
0xa0: {  	[sflag:s23] =	ssyncset.done $0x0  }
0xa1: {  	s3 =	sadd.s32 $0x1600, s29;
	[sflag:s23] =	ssyncadd.s32 $0xFFFFC000  }
0xa2: {  	[spmem:s2] =	stream.indirect.scatter.add.f32 [tilespmem:s18], [sflag:$0x5], $0x80, s3, s21, $0xb8;
	[tilespmem:$0x1E000] =	vst v63  }
0xa3: {  	_ =	swait.ge [sflag:s19], $0x4000  }
0xa4: {  	[sflag:s19] =	ssyncset.done $0x0  }
0xa5: {  	s30 =	sadd.s32 $0x700, s29;
	[sflag:s19] =	ssyncadd.s32 $0xFFFFC000  }
0xa6: {  	[tilespmem:s18], [sflag:$0x1] =	stream.indirect.gather [hbm4b:s6+s21], $0x80, s30, s21, $0xb8;
	[tilespmem:$0x1E000] =	vst v63  }
0xa7: {  	_ =	swait.ge [sflag:s24], $0x4000  }
0xa8: {  	[sflag:s24] =	ssyncset.done $0x0  }
0xa9: {  	s31 =	sor.u32 $0x1680, s29;
	[sflag:s24] =	ssyncadd.s32 $0xFFFFC000  }
0xaa: {  	[spmem:s2] =	stream.indirect.scatter.add.f32 [tilespmem:s22], [sflag:$0x5], $0x80, s31, s21, $0xb8;
	[tilespmem:$0x1E000] =	vst v63  }
0xab: {  	_ =	swait.ge [sflag:s19], $0x4000  }
0xac: {  	[sflag:s19] =	ssyncset.done $0x0  }
0xad: {  	s3 =	sor.u32 $0x780, s29;
	[sflag:s19] =	ssyncadd.s32 $0xFFFFC000  }
0xae: {  	[tilespmem:s22], [sflag:$0x2] =	stream.indirect.gather [hbm4b:s6+s21], $0x80, s3, s21, $0xb8;
	[tilespmem:$0x1E000] =	vst v63  }
0xaf: {  	_ =	swait.ge [sflag:s23], $0x4000  }
0xb0: {  	[sflag:s23] =	ssyncset.done $0x0  }
0xb1: {  	s30 =	sadd.s32 $0x1700, s29;
	[sflag:s23] =	ssyncadd.s32 $0xFFFFC000  }
0xb2: {  	[spmem:s2] =	stream.indirect.scatter.add.f32 [tilespmem:s18], [sflag:$0x5], $0x80, s30, s21, $0xb8;
	[tilespmem:$0x1E000] =	vst v63  }
0xb3: {  	_ =	swait.ge [sflag:s19], $0x4000  }
0xb4: {  	[sflag:s19] =	ssyncset.done $0x0  }
0xb5: {  	[sflag:s19] =	ssyncadd.s32 $0xFFFFC000  }
0xb6: {  	_ =	swait.ge [sflag:s24], $0x4000  }
0xb7: {  	[sflag:s24] =	ssyncset.done $0x0  }
0xb8: {  	s31 =	sor.u32 $0x1780, s29;
	[sflag:s24] =	ssyncadd.s32 $0xFFFFC000  }
0xb9: {  	[spmem:s2] =	stream.indirect.scatter.add.f32 [tilespmem:s22], [sflag:$0x5], $0x80, s31, s21, $0xb8;
	[tilespmem:$0x1E000] =	vst v63  }
0xba: {  	_ =	swait.ge [sflag:s19], $0x4000  }
0xbb: {  	s28 =	sadd.s32 @!p0 $0x800, s28;
	[sflag:s19] =	ssyncset.done $0x0  }
0xbc: {  	p1 =	sne.s32 @!p0 s28, $0x2800;
	s0 =	simm.s32 @!p0 $0x3;
	[sflag:s19] =	ssyncadd.s32 $0xFFFFC000  }
0xbd: {  	p1 =	por p0, !p1;
	_ =	swait.ge @!p0 [sflag:s0], $0x800  }
.Ltmp0:
0xbe: {  	[sflag:s0] =	ssyncset.done @!p0 $0x0;
	(pc) =	sbr.rel @!p1 .LBB2_2-.Ltmp0, $4  }
0xbf: {  	[sflag:s0] =	ssyncadd.s32 @!p0 $0xFFFFF800;
	s0 =	simm.s32 @!p0 $0x4  }
0xc0: {  	_ =	swait.ge @!p0 [sflag:s0], $0x800  }
0xc1: {  	[sflag:s0] =	ssyncset.done @!p0 $0x0  }
0xc2: {  	[sflag:s0] =	ssyncadd.s32 @!p0 $0xFFFFF800  }
0xc3: {  	s26 =	sadd.s32 $0x1, s26  }
0xc4: {  	p0 =	sne.s32 s26, s16  }
.Ltmp1:
0xc5: {  	[bflag:$0x0] =	sbarrier.arrive $0xFFFF;
	s0 =	sshrl.u32 s8, $0x3;
	(pc) =	sbr.rel @p0 .LBB2_1-.Ltmp1, $4  }
0xc6: {  	[hbm:s15], [sflag:s25] =	dma.local [spmem:s0], $0x2800  }
0xc7: {  	_ =	swait.ge [sflag:s19], $0x2800  }
0xc8: {  	[sflag:s19] =	ssyncset.done $0x0  }
0xc9: {  	[sflag:s19] =	ssyncadd.s32 $0xFFFFD800  }
0xca: {  	_ =	sfence.sel $0x180000  }
0xcb: {  	[bflag:$0x0] =	sbarrier.arrive $0xFFFF  }
0xcc: {  	_ =	strace $0x90000047  }
0xcd: {  	s0 =	stileid.u32;
	[bflag:$0x2] =	sbarrier.arrive $0xFFFF  }
0xce: {  	p0 =	sne.s32 s0, $0x0;
	s0 =	rddreg [dreg:$0x3]  }
0xcf: {  	s0 =	sadd.s32 @!p0 $0x100000, s0  }
0xd0: {  	[sflag:s0] =	ssyncadd.tile.s32 @!p0 $0x1;
	_ =	shalt  }
.Lfunc_end2:
_tile_overlayer_lowered:
.L_overlay_start_2:
0xd1: {  	(tag) =	ssettag $0x2  }
0xd2: {  	s0 =	rddreg [dreg:$0x0];
	s2 =	stileid.u32  }
0xd3: {  	s1 =	rddreg [dreg:$0x1];
	p0 =	sne.s32 s2, $0x0  }
0xd4: {  	s3 =	rddreg [dreg:$0x2];
	[bflag:$0x3] =	sbarrier.arrive $0xFFFF;
	s2 =	simm.s32 @!p0 $0x1C05  }
0xd5: {  	[timem:s3], [sflag:s2] =	dma.local @!p0 [hbm:s0], s1  }
0xd6: {  	s0 =	simm.s32 @!p0 $0x5  }
0xd7: {  	_ =	swait.ge @!p0 [sflag:s0], s1  }
0xd8: {  	s1 =	ssub.s32 @!p0 $0x0, s1;
	[sflag:s0] =	ssyncset.done @!p0 $0x0  }
0xd9: {  	[sflag:s0] =	ssyncadd.s32 @!p0 s1  }
0xda: {  	[bflag:$0x3] =	sbarrier.arrive $0xFFFF  }
0xdb: {  	_ =	shalt  }

</sc_bundles>
